<compile_context>
chip_gen: v7x
topology: tpu7x:2x2x1
jax: 0.10.2.dev20260603
libtpu: 0.0.44.dev20260713+nightly
codegen_flags: <defaults>
</compile_context>

<pallas_src>
import functools

import jax
import jax.numpy as jnp
from jax import lax
from jax.experimental import pallas as pl
from jax.experimental.pallas import tpu as pltpu
from jax.experimental.pallas import tpu_sc as plsc

_N = 10000
_E = 320000
_D = 128
_NP = 10240
_NC = 2
_NS = 16
_NW = _NC * _NS
_EW = _E // _NW
_C = 80
_NCHUNK = _EW // _C
_RT = _NP // _NS
_FB = 25

@functools.lru_cache(maxsize=None)
def _sc_mesh():
    return plsc.VectorSubcoreMesh(core_axis_name="c", subcore_axis_name="s",
                                  num_cores=_NC, num_subcores=_NS)



def _sc_deg_body(col4_hbm, zeros_hbm, deg_out, colidx, onesbuf, sem, degsh):
    cid = lax.axis_index("c")
    sid = lax.axis_index("s")
    wid = cid * _NS + sid
    for j in range(_C // 16):
        onesbuf[pl.ds(j * 16, 16)] = jnp.ones((16,), jnp.float32)
    pltpu.sync_copy(zeros_hbm.at[pl.ds(sid * _RT, _RT)],
                    degsh.at[pl.ds(sid * _RT, _RT)])
    plsc.subcore_barrier()

    @pl.loop(0, _NCHUNK // _FB)
    def _chunk(i):
        pltpu.sync_copy(col4_hbm.at[wid, i], colidx)
        for j in range(_FB):
            pltpu.async_copy(onesbuf, degsh.at[colidx.at[j]], sem, add=True)
        for j in range(_FB):
            pltpu.make_async_copy(onesbuf, degsh.at[colidx.at[j]],
                                  sem).wait()

    plsc.subcore_barrier()
    pltpu.sync_copy(degsh.at[pl.ds(sid * _RT, _RT)],
                    deg_out.at[pl.ds(cid * _NP + sid * _RT, _RT)])


@functools.lru_cache(maxsize=None)
def _sc_deg():
    return pl.kernel(
        _sc_deg_body,
        out_type=jax.ShapeDtypeStruct((_NC * _NP,), jnp.float32),
        mesh=_sc_mesh(),
        scratch_types=[
            pltpu.VMEM((_FB, _C), jnp.int32),
            pltpu.VMEM((_C,), jnp.float32),
            pltpu.SemaphoreType.DMA,
            pltpu.VMEM_SHARED((_NP,), jnp.float32),
        ],
    )



def _sc_agg_body(hs_hbm, row2_hbm, col3_hbm, zeros_hbm, out_hbm,
                 rowflat, colidx, rows01, g0, g1, zs, aggsh):
    cid = lax.axis_index("c")
    sid = lax.axis_index("s")
    wid = cid * _NS + sid
    rows0 = rows01.at[pl.ds(0, _C)]
    rows1 = rows01.at[pl.ds(_C, _C)]
    pltpu.async_copy(zeros_hbm.at[pl.ds(sid * _RT, _RT)],
                     aggsh.at[pl.ds(sid * _RT, _RT)], zs)
    pltpu.sync_copy(row2_hbm.at[wid], rowflat)
    pltpu.sync_copy(col3_hbm.at[wid], colidx)

    pltpu.async_copy(hs_hbm.at[rowflat.at[pl.ds(0, _C)]], rows0, g0)
    pltpu.async_copy(hs_hbm.at[rowflat.at[pl.ds(_C, _C)]], rows1, g1)
    pltpu.make_async_copy(zeros_hbm.at[pl.ds(sid * _RT, _RT)],
                          aggsh.at[pl.ds(sid * _RT, _RT)], zs).wait()
    plsc.subcore_barrier()

    @pl.loop(0, _NCHUNK - 1, step=2)
    def _chunk(i):
        pltpu.make_async_copy(
            hs_hbm.at[rowflat.at[pl.ds(i * _C, _C)]], rows0, g0).wait()
        pltpu.sync_copy(rows0, aggsh.at[colidx.at[i]], add=True)
        pltpu.async_copy(
            hs_hbm.at[rowflat.at[pl.ds((i + 2) * _C, _C)]], rows0, g0)
        pltpu.make_async_copy(
            hs_hbm.at[rowflat.at[pl.ds((i + 1) * _C, _C)]], rows1, g1).wait()
        pltpu.sync_copy(rows1, aggsh.at[colidx.at[i + 1]], add=True)

        @pl.when(i + 3 < _NCHUNK)
        def _():
            pltpu.async_copy(
                hs_hbm.at[rowflat.at[pl.ds((i + 3) * _C, _C)]], rows1, g1)

    pltpu.make_async_copy(
        hs_hbm.at[rowflat.at[pl.ds((_NCHUNK - 1) * _C, _C)]], rows0, g0).wait()
    pltpu.sync_copy(rows0, aggsh.at[colidx.at[_NCHUNK - 1]], add=True)

    plsc.subcore_barrier()
    pltpu.sync_copy(aggsh.at[pl.ds(sid * _RT, _RT)],
                    out_hbm.at[pl.ds(cid * _NP + sid * _RT, _RT)])


@functools.lru_cache(maxsize=None)
def _sc_agg():
    return pl.kernel(
        _sc_agg_body,
        out_type=jax.ShapeDtypeStruct((_NC * _NP, _D), jnp.float32),
        mesh=_sc_mesh(),
        scratch_types=[
            pltpu.VMEM((_EW,), jnp.int32),
            pltpu.VMEM((_NCHUNK, _C), jnp.int32),
            pltpu.VMEM((2 * _C, _D), jnp.float32),
            pltpu.SemaphoreType.DMA,
            pltpu.SemaphoreType.DMA,
            pltpu.SemaphoreType.DMA,
            pltpu.VMEM_SHARED((_NP, _D), jnp.float32),
        ],
    )



_BN = 1280


def _tc_prep_body(d0_ref, d1_ref, h_ref, w_ref, b_ref, dis_ref, hs_ref,
                  xb_ref):
    deg = d0_ref[...] + d1_ref[...]
    dis = jnp.where(deg > 0, lax.rsqrt(deg), 0.0)
    dis_ref[...] = dis
    hs_ref[...] = dis * h_ref[...]
    xb_ref[...] = jnp.dot(h_ref[...], w_ref[...],
                          preferred_element_type=jnp.float32) + b_ref[...]


def _tc_prep(d0, d1, h, w2, b):
    grid = _NP // _BN
    return pl.pallas_call(
        _tc_prep_body,
        grid=(grid,),
        in_specs=[
            pl.BlockSpec((_BN, 1), lambda i: (i, 0)),
            pl.BlockSpec((_BN, 1), lambda i: (i, 0)),
            pl.BlockSpec((_BN, _D), lambda i: (i, 0)),
            pl.BlockSpec((_D, _D), lambda i: (0, 0)),
            pl.BlockSpec((1, _D), lambda i: (0, 0)),
        ],
        out_specs=[
            pl.BlockSpec((_BN, 1), lambda i: (i, 0)),
            pl.BlockSpec((_BN, _D), lambda i: (i, 0)),
            pl.BlockSpec((_BN, _D), lambda i: (i, 0)),
        ],
        out_shape=[
            jax.ShapeDtypeStruct((_NP, 1), jnp.float32),
            jax.ShapeDtypeStruct((_NP, _D), jnp.float32),
            jax.ShapeDtypeStruct((_NP, _D), jnp.float32),
        ],
    )(d0, d1, h, w2, b)


def _tc_layer_body(p0_ref, p1_ref, dis_ref, xb_ref, w_ref, wn_ref, bn_ref,
                   h_out_ref, hs_out_ref, xbn_ref):
    raw = p0_ref[...] + p1_ref[...]
    dis = dis_ref[...]
    agg = dis * raw
    acc = jnp.dot(agg, w_ref[...], preferred_element_type=jnp.float32)
    acc = jnp.maximum(acc + xb_ref[...], 0.0)
    h_out_ref[...] = acc
    hs_out_ref[...] = dis * acc
    xbn_ref[...] = jnp.dot(acc, wn_ref[...],
                           preferred_element_type=jnp.float32) + bn_ref[...]


def _tc_layer(p0, p1, dis, xb, w1, wn2, bn):
    grid = _NP // _BN
    return pl.pallas_call(
        _tc_layer_body,
        grid=(grid,),
        in_specs=[
            pl.BlockSpec((_BN, _D), lambda i: (i, 0)),
            pl.BlockSpec((_BN, _D), lambda i: (i, 0)),
            pl.BlockSpec((_BN, 1), lambda i: (i, 0)),
            pl.BlockSpec((_BN, _D), lambda i: (i, 0)),
            pl.BlockSpec((_D, _D), lambda i: (0, 0)),
            pl.BlockSpec((_D, _D), lambda i: (0, 0)),
            pl.BlockSpec((1, _D), lambda i: (0, 0)),
        ],
        out_specs=[
            pl.BlockSpec((_BN, _D), lambda i: (i, 0)),
            pl.BlockSpec((_BN, _D), lambda i: (i, 0)),
            pl.BlockSpec((_BN, _D), lambda i: (i, 0)),
        ],
        out_shape=[
            jax.ShapeDtypeStruct((_NP, _D), jnp.float32),
            jax.ShapeDtypeStruct((_NP, _D), jnp.float32),
            jax.ShapeDtypeStruct((_NP, _D), jnp.float32),
        ],
    )(p0, p1, dis, xb, w1, wn2, bn)


def _tc_final_body(p0_ref, p1_ref, dis_ref, xb_ref, w_ref, h_out_ref):
    raw = p0_ref[...] + p1_ref[...]
    agg = dis_ref[...] * raw
    acc = jnp.dot(agg, w_ref[...], preferred_element_type=jnp.float32)
    h_out_ref[...] = acc + xb_ref[...]


def _tc_final(p0, p1, dis, xb, w1):
    grid = _NP // _BN
    return pl.pallas_call(
        _tc_final_body,
        grid=(grid,),
        in_specs=[
            pl.BlockSpec((_BN, _D), lambda i: (i, 0)),
            pl.BlockSpec((_BN, _D), lambda i: (i, 0)),
            pl.BlockSpec((_BN, 1), lambda i: (i, 0)),
            pl.BlockSpec((_BN, _D), lambda i: (i, 0)),
            pl.BlockSpec((_D, _D), lambda i: (0, 0)),
        ],
        out_specs=pl.BlockSpec((_BN, _D), lambda i: (i, 0)),
        out_shape=jax.ShapeDtypeStruct((_NP, _D), jnp.float32),
    )(p0, p1, dis, xb, w1)



def kernel(h, edge_index, W0, b0, W1, b1, W2, b2):
    row2 = edge_index[0].reshape(_NW, _EW)
    col3 = edge_index[1].reshape(_NW, _NCHUNK, _C)
    hpad = jnp.zeros((_NP, _D), jnp.float32).at[:_N].set(h)
    z1 = jnp.zeros((_NP,), jnp.float32)
    z2 = jnp.zeros((_NP, _D), jnp.float32)

    col4 = edge_index[1].reshape(_NW, _NCHUNK // _FB, _FB, _C)
    deg_parts = _sc_deg()(col4, z1)
    d0 = deg_parts[:_NP].reshape(_NP, 1)
    d1 = deg_parts[_NP:].reshape(_NP, 1)
    dis, hs, xb = _tc_prep(d0, d1, hpad, W0[_D:], b0.reshape(1, _D))

    for w, wn, bn in ((W0, W1, b1), (W1, W2, b2)):
        parts = _sc_agg()(hs, row2, col3, z2)
        _, hs, xb = _tc_layer(parts[:_NP], parts[_NP:], dis, xb,
                              w[:_D], wn[_D:], bn.reshape(1, _D))
    parts = _sc_agg()(hs, row2, col3, z2)
    out = _tc_final(parts[:_NP], parts[_NP:], dis, xb, W2[:_D])
    return out[:_N]

# --- scband reference (transcript-rebuilt; emitter-appended) ---
"""Pipeline reference for scband-policy-graph-conv-net-34514357190985 (READ-ONLY COPY).

The authoritative reference and input builder live on the scoring server;
editing this copy changes nothing except your own understanding.
"""

import jax, jax.numpy as jnp
import numpy as np

N = 10000
E = 320000
D = 128


def _xavier(key, fan_in, fan_out):
    s = jnp.sqrt(6.0 / (fan_in + fan_out))
    return jax.random.uniform(key, (fan_in, fan_out), minval=-s, maxval=s, dtype=jnp.float32)


def setup_inputs(seed: int = 0) -> dict:
    key = jax.random.key(seed)
    ks = jax.random.split(key, 8)
    h = jax.random.normal(ks[0], (N, D), dtype=jnp.float32)
    edge_index = jax.random.randint(ks[1], (2, E), 0, N, dtype=jnp.int32)
    # PolicyGraphConvNet with num_layers=2 builds 3 GraphConvPyG layers, all with jump=True
    # layer0: in=128 -> hidden=128 (weight [256,128]), relu
    # layer1: hidden=128 -> hidden=128 (weight [256,128]), relu
    # layer2: hidden=128 -> out=128 (weight [256,128]), no activation, bias[2] += 3.0
    W0 = _xavier(ks[2], 2 * D, D)
    W1 = _xavier(ks[3], 2 * D, D)
    W2 = _xavier(ks[4], 2 * D, D)
    b0 = jnp.zeros((D,), dtype=jnp.float32)
    b1 = jnp.zeros((D,), dtype=jnp.float32)
    b2 = jnp.zeros((D,), dtype=jnp.float32).at[2].set(3.0)
    return {"h": h, "edge_index": edge_index, "W0": W0, "b0": b0, "W1": W1, "b1": b1, "W2": W2, "b2": b2}


def _gcn_layer(h, row, col, W, b, use_relu):
    n = h.shape[0]
    # degree computed on col (destination / aggregation index)
    deg = jnp.zeros((n,), dtype=h.dtype).at[col].add(1.0)
    deg_inv_sqrt = jnp.where(deg > 0, deg ** -0.5, 0.0)
    norm = deg_inv_sqrt[row] * deg_inv_sqrt[col]
    # message: norm * x_j where x_j = h[row]; aggregate (sum) at col
    msg = norm[:, None] * jnp.take(h, row, axis=0)
    agg = jnp.zeros((n, h.shape[1]), dtype=h.dtype).at[col].add(msg)
    # jump connection: concat aggregated with input features
    rst = jnp.concatenate([agg, h], axis=-1)
    rst = jnp.matmul(rst, W) + b
    if use_relu:
        rst = jax.nn.relu(rst)
    return rst


def reference(h, edge_index, W0, b0, W1, b1, W2, b2):
    row = edge_index[0]
    col = edge_index[1]
    h = _gcn_layer(h, row, col, W0, b0, True)
    h = _gcn_layer(h, row, col, W1, b1, True)
    h = _gcn_layer(h, row, col, W2, b2, False)
    return h

if __name__ == "__main__":
    import jax
    _d = setup_inputs()
    print(jax.jit(kernel)(*tuple(_d.values())))

</pallas_src>

<mosaic_0001>
#map = affine_map<(d0, d1) -> (0, 0, 0, 0)>
#map1 = affine_map<(d0, d1) -> (0)>
module attributes {stable_mosaic.version = 14 : i64} {
  func.func @_sc_deg_body(%arg0: i32, %arg1: i32, %arg2: memref<32x5x25x80xi32, #tpu.memory_space<hbm>>, %arg3: memref<10240xf32, #tpu.memory_space<hbm>>, %arg4: memref<20480xf32, #tpu.memory_space<hbm>>, %arg5: memref<25x80xi32, #tpu.memory_space<vmem>>, %arg6: memref<80xf32, #tpu.memory_space<vmem>>, %arg7: memref<!tpu.dma_semaphore, #tpu.memory_space<semaphore_mem>>, %arg8: memref<10240xf32, #tpu.memory_space<vmem_shared>>) attributes {dimension_semantics = [#tpu.dimension_semantics<core_parallel>, #tpu.dimension_semantics<subcore_parallel>], iteration_bounds = array<i64: 2, 16>, scalar_prefetch = 0 : i64, scratch_operands = 4 : i64, tpu.core_type = #tpu.core_type<sc_vector_subcore>, window_params = [{transform_indices = #map}, {transform_indices = #map1}, {transform_indices = #map1}]} {
    %mul3A = arith.constant 16 : i32
    %mul3A_0 = arith.muli %arg0, %mul3A : i32
    %add3A = arith.addi %mul3A_0, %arg1 : i32
    %broadcast_in_dim3A = arith.constant 1.000000e+00 : f32
    %broadcast_in_dim3A_1 = vector.broadcast %broadcast_in_dim3A : f32 to vector<16xf32>
    %swap3A = arith.constant 0 : index
    %swap3A_2 = tpu.vector_load %arg6[%swap3A] {strides = array<i32>} : memref<80xf32, #tpu.memory_space<vmem>>, vector<16xf32>,
    %swap3A_3 = vector.shape_cast %swap3A_2 : vector<16xf32> to vector<16xf32>
    %swap3A_4 = vector.shape_cast %broadcast_in_dim3A_1 : vector<16xf32> to vector<16xf32>
    tpu.vector_store %arg6[%swap3A], %swap3A_4 {strides = array<i32>} : memref<80xf32, #tpu.memory_space<vmem>>, vector<16xf32>,
    %broadcast_in_dim3A_5 = arith.constant 1.000000e+00 : f32
    %broadcast_in_dim3A_6 = vector.broadcast %broadcast_in_dim3A_5 : f32 to vector<16xf32>
    %swap3A_7 = arith.constant 16 : index
    %swap3A_8 = tpu.vector_load %arg6[%swap3A_7] {strides = array<i32>} : memref<80xf32, #tpu.memory_space<vmem>>, vector<16xf32>,
    %swap3A_9 = vector.shape_cast %swap3A_8 : vector<16xf32> to vector<16xf32>
    %swap3A_10 = vector.shape_cast %broadcast_in_dim3A_6 : vector<16xf32> to vector<16xf32>
    tpu.vector_store %arg6[%swap3A_7], %swap3A_10 {strides = array<i32>} : memref<80xf32, #tpu.memory_space<vmem>>, vector<16xf32>,
    %broadcast_in_dim3A_11 = arith.constant 1.000000e+00 : f32
    %broadcast_in_dim3A_12 = vector.broadcast %broadcast_in_dim3A_11 : f32 to vector<16xf32>
    %swap3A_13 = arith.constant 32 : index
    %swap3A_14 = tpu.vector_load %arg6[%swap3A_13] {strides = array<i32>} : memref<80xf32, #tpu.memory_space<vmem>>, vector<16xf32>,
    %swap3A_15 = vector.shape_cast %swap3A_14 : vector<16xf32> to vector<16xf32>
    %swap3A_16 = vector.shape_cast %broadcast_in_dim3A_12 : vector<16xf32> to vector<16xf32>
    tpu.vector_store %arg6[%swap3A_13], %swap3A_16 {strides = array<i32>} : memref<80xf32, #tpu.memory_space<vmem>>, vector<16xf32>,
    %broadcast_in_dim3A_17 = arith.constant 1.000000e+00 : f32
    %broadcast_in_dim3A_18 = vector.broadcast %broadcast_in_dim3A_17 : f32 to vector<16xf32>
    %swap3A_19 = arith.constant 48 : index
    %swap3A_20 = tpu.vector_load %arg6[%swap3A_19] {strides = array<i32>} : memref<80xf32, #tpu.memory_space<vmem>>, vector<16xf32>,
    %swap3A_21 = vector.shape_cast %swap3A_20 : vector<16xf32> to vector<16xf32>
    %swap3A_22 = vector.shape_cast %broadcast_in_dim3A_18 : vector<16xf32> to vector<16xf32>
    tpu.vector_store %arg6[%swap3A_19], %swap3A_22 {strides = array<i32>} : memref<80xf32, #tpu.memory_space<vmem>>, vector<16xf32>,
    %broadcast_in_dim3A_23 = arith.constant 1.000000e+00 : f32
    %broadcast_in_dim3A_24 = vector.broadcast %broadcast_in_dim3A_23 : f32 to vector<16xf32>
    %swap3A_25 = arith.constant 64 : index
    %swap3A_26 = tpu.vector_load %arg6[%swap3A_25] {strides = array<i32>} : memref<80xf32, #tpu.memory_space<vmem>>, vector<16xf32>,
    %swap3A_27 = vector.shape_cast %swap3A_26 : vector<16xf32> to vector<16xf32>
    %swap3A_28 = vector.shape_cast %broadcast_in_dim3A_24 : vector<16xf32> to vector<16xf32>
    tpu.vector_store %arg6[%swap3A_25], %swap3A_28 {strides = array<i32>} : memref<80xf32, #tpu.memory_space<vmem>>, vector<16xf32>,
    %mul3A_29 = arith.constant 640 : i32
    %mul3A_30 = arith.muli %arg1, %mul3A_29 : i32
    %mul3A_31 = arith.constant 640 : i32
    %mul3A_32 = arith.muli %arg1, %mul3A_31 : i32
    "tpu.region"() ({
      %run_scoped3A = tpu.sem_alloc : memref<!tpu.dma_semaphore, #tpu.memory_space<semaphore_mem>>
      %dma_start3A = tpu.memref_slice %arg8[%mul3A_32] : memref<10240xf32, #tpu.memory_space<vmem_shared>> -> memref<640xf32, #tpu.memory_space<vmem_shared>>
      %dma_start3A_45 = tpu.memref_slice %arg3[%mul3A_30] : memref<10240xf32, #tpu.memory_space<hbm>> -> memref<640xf32, #tpu.memory_space<hbm>>
      tpu.enqueue_dma source(%dma_start3A_45 : memref<640xf32, #tpu.memory_space<hbm>>) target(%dma_start3A : memref<640xf32, #tpu.memory_space<vmem_shared>>) target_semaphore(%run_scoped3A : memref<!tpu.dma_semaphore, #tpu.memory_space<semaphore_mem>>)
      %dma_wait3A = tpu.memref_slice %arg8[%mul3A_32] : memref<10240xf32, #tpu.memory_space<vmem_shared>> -> memref<640xf32, #tpu.memory_space<vmem_shared>>
      %dma_wait3A_46 = tpu.memref_slice %arg3[%mul3A_30] : memref<10240xf32, #tpu.memory_space<hbm>> -> memref<640xf32, #tpu.memory_space<hbm>>
      tpu.wait_dma2 semaphore(%run_scoped3A : memref<!tpu.dma_semaphore, #tpu.memory_space<semaphore_mem>>) src(%dma_wait3A_46 : memref<640xf32, #tpu.memory_space<hbm>>) dst(%dma_wait3A : memref<640xf32, #tpu.memory_space<vmem_shared>>)
      tpu.yield
    }) : () -> ()
    %barrier3A = arith.constant 0 : index
    tpu.barrier barrier_id(%barrier3A)
    %scan3A = arith.constant 0 : i32
    %scan3A_33 = arith.constant 5 : i32
    %scan3A_34 = arith.addi %scan3A, %scan3A_33 : i32
    %scan3A_35 = arith.constant 1 : i32
    scf.for %scan3A_45 = %scan3A to %scan3A_34 step %scan3A_35  : i32 {
      %mul3A_46 = arith.constant 1 : i32
      %mul3A_47 = arith.muli %scan3A_45, %mul3A_46 : i32
      %add3A_48 = arith.constant 0 : i32
      %add3A_49 = arith.addi %add3A_48, %mul3A_47 : i32
      "tpu.region"() ({
        %run_scoped3A = tpu.sem_alloc : memref<!tpu.dma_semaphore, #tpu.memory_space<semaphore_mem>>
        %dma_start3A_348 = arith.constant 0 : i32
        %dma_start3A_349 = arith.constant 0 : i32
        %dma_start3A_350 = tpu.memref_slice %arg2[%add3A, %add3A_49, %dma_start3A_348, %dma_start3A_349] : memref<32x5x25x80xi32, #tpu.memory_space<hbm>> -> memref<1x1x25x80xi32, #tpu.memory_space<hbm>>
        %dma_start3A_351 = tpu.memref_squeeze %dma_start3A_350 : memref<1x1x25x80xi32, #tpu.memory_space<hbm>> -> memref<25x80xi32, #tpu.memory_space<hbm>>
        %dma_start3A_352 = arith.constant 0 : i32
        %dma_start3A_353 = arith.constant 0 : i32
        %dma_start3A_354 = tpu.memref_slice %arg2[%add3A, %add3A_49, %dma_start3A_352, %dma_start3A_353] : memref<32x5x25x80xi32, #tpu.memory_space<hbm>> -> memref<1x1x25x80xi32, #tpu.memory_space<hbm>>
        %dma_start3A_355 = tpu.memref_squeeze %dma_start3A_354 : memref<1x1x25x80xi32, #tpu.memory_space<hbm>> -> memref<25x80xi32, #tpu.memory_space<hbm>>
        tpu.enqueue_dma source(%dma_start3A_355 : memref<25x80xi32, #tpu.memory_space<hbm>>) target(%arg5 : memref<25x80xi32, #tpu.memory_space<vmem>>) target_semaphore(%run_scoped3A : memref<!tpu.dma_semaphore, #tpu.memory_space<semaphore_mem>>)
        %dma_wait3A_356 = arith.constant 0 : i32
        %dma_wait3A_357 = arith.constant 0 : i32
        %dma_wait3A_358 = tpu.memref_slice %arg2[%add3A, %add3A_49, %dma_wait3A_356, %dma_wait3A_357] : memref<32x5x25x80xi32, #tpu.memory_space<hbm>> -> memref<1x1x25x80xi32, #tpu.memory_space<hbm>>
        %dma_wait3A_359 = tpu.memref_squeeze %dma_wait3A_358 : memref<1x1x25x80xi32, #tpu.memory_space<hbm>> -> memref<25x80xi32, #tpu.memory_space<hbm>>
        %dma_wait3A_360 = arith.constant 0 : i32
        %dma_wait3A_361 = arith.constant 0 : i32
        %dma_wait3A_362 = tpu.memref_slice %arg2[%add3A, %add3A_49, %dma_wait3A_360, %dma_wait3A_361] : memref<32x5x25x80xi32, #tpu.memory_space<hbm>> -> memref<1x1x25x80xi32, #tpu.memory_space<hbm>>
        %dma_wait3A_363 = tpu.memref_squeeze %dma_wait3A_362 : memref<1x1x25x80xi32, #tpu.memory_space<hbm>> -> memref<25x80xi32, #tpu.memory_space<hbm>>
        tpu.wait_dma2 semaphore(%run_scoped3A : memref<!tpu.dma_semaphore, #tpu.memory_space<semaphore_mem>>) src(%dma_wait3A_363 : memref<25x80xi32, #tpu.memory_space<hbm>>) dst(%arg5 : memref<25x80xi32, #tpu.memory_space<vmem>>)
        tpu.yield
      }) : () -> ()
      %dma_start3A = arith.constant 0 : i32
      %dma_start3A_50 = arith.constant 0 : i32
      %dma_start3A_51 = tpu.memref_slice %arg5[%dma_start3A, %dma_start3A_50] : memref<25x80xi32, #tpu.memory_space<vmem>> -> memref<1x80xi32, #tpu.memory_space<vmem>>
      %dma_start3A_52 = tpu.memref_squeeze %dma_start3A_51 : memref<1x80xi32, #tpu.memory_space<vmem>> -> memref<80xi32, #tpu.memory_space<vmem>>
      %dma_start3A_53 = arith.constant 0 : i32
      %dma_start3A_54 = tpu.memref_slice %arg8[%dma_start3A_53] : memref<10240xf32, #tpu.memory_space<vmem_shared>> -> memref<10240xf32, #tpu.memory_space<vmem_shared>>
      tpu.enqueue_indirect_dma source(%arg6 : memref<80xf32, #tpu.memory_space<vmem>>) target(%dma_start3A_54 : memref<10240xf32, #tpu.memory_space<vmem_shared>>) offsets(%dma_start3A_52 : memref<80xi32, #tpu.memory_space<vmem>>) semaphore(%arg7 : memref<!tpu.dma_semaphore, #tpu.memory_space<semaphore_mem>>) {add = true}
      %dma_start3A_55 = arith.constant 1 : i32
      %dma_start3A_56 = arith.constant 0 : i32
      %dma_start3A_57 = tpu.memref_slice %arg5[%dma_start3A_55, %dma_start3A_56] : memref<25x80xi32, #tpu.memory_space<vmem>> -> memref<1x80xi32, #tpu.memory_space<vmem>>
      %dma_start3A_58 = tpu.memref_squeeze %dma_start3A_57 : memref<1x80xi32, #tpu.memory_space<vmem>> -> memref<80xi32, #tpu.memory_space<vmem>>
      %dma_start3A_59 = arith.constant 0 : i32
      %dma_start3A_60 = tpu.memref_slice %arg8[%dma_start3A_59] : memref<10240xf32, #tpu.memory_space<vmem_shared>> -> memref<10240xf32, #tpu.memory_space<vmem_shared>>
      tpu.enqueue_indirect_dma source(%arg6 : memref<80xf32, #tpu.memory_space<vmem>>) target(%dma_start3A_60 : memref<10240xf32, #tpu.memory_space<vmem_shared>>) offsets(%dma_start3A_58 : memref<80xi32, #tpu.memory_space<vmem>>) semaphore(%arg7 : memref<!tpu.dma_semaphore, #tpu.memory_space<semaphore_mem>>) {add = true}
      %dma_start3A_61 = arith.constant 2 : i32
      %dma_start3A_62 = arith.constant 0 : i32
      %dma_start3A_63 = tpu.memref_slice %arg5[%dma_start3A_61, %dma_start3A_62] : memref<25x80xi32, #tpu.memory_space<vmem>> -> memref<1x80xi32, #tpu.memory_space<vmem>>
      %dma_start3A_64 = tpu.memref_squeeze %dma_start3A_63 : memref<1x80xi32, #tpu.memory_space<vmem>> -> memref<80xi32, #tpu.memory_space<vmem>>
      %dma_start3A_65 = arith.constant 0 : i32
      %dma_start3A_66 = tpu.memref_slice %arg8[%dma_start3A_65] : memref<10240xf32, #tpu.memory_space<vmem_shared>> -> memref<10240xf32, #tpu.memory_space<vmem_shared>>
      tpu.enqueue_indirect_dma source(%arg6 : memref<80xf32, #tpu.memory_space<vmem>>) target(%dma_start3A_66 : memref<10240xf32, #tpu.memory_space<vmem_shared>>) offsets(%dma_start3A_64 : memref<80xi32, #tpu.memory_space<vmem>>) semaphore(%arg7 : memref<!tpu.dma_semaphore, #tpu.memory_space<semaphore_mem>>) {add = true}
      %dma_start3A_67 = arith.constant 3 : i32
      %dma_start3A_68 = arith.constant 0 : i32
      %dma_start3A_69 = tpu.memref_slice %arg5[%dma_start3A_67, %dma_start3A_68] : memref<25x80xi32, #tpu.memory_space<vmem>> -> memref<1x80xi32, #tpu.memory_space<vmem>>
      %dma_start3A_70 = tpu.memref_squeeze %dma_start3A_69 : memref<1x80xi32, #tpu.memory_space<vmem>> -> memref<80xi32, #tpu.memory_space<vmem>>
      %dma_start3A_71 = arith.constant 0 : i32
      %dma_start3A_72 = tpu.memref_slice %arg8[%dma_start3A_71] : memref<10240xf32, #tpu.memory_space<vmem_shared>> -> memref<10240xf32, #tpu.memory_space<vmem_shared>>
      tpu.enqueue_indirect_dma source(%arg6 : memref<80xf32, #tpu.memory_space<vmem>>) target(%dma_start3A_72 : memref<10240xf32, #tpu.memory_space<vmem_shared>>) offsets(%dma_start3A_70 : memref<80xi32, #tpu.memory_space<vmem>>) semaphore(%arg7 : memref<!tpu.dma_semaphore, #tpu.memory_space<semaphore_mem>>) {add = true}
      %dma_start3A_73 = arith.constant 4 : i32
      %dma_start3A_74 = arith.constant 0 : i32
      %dma_start3A_75 = tpu.memref_slice %arg5[%dma_start3A_73, %dma_start3A_74] : memref<25x80xi32, #tpu.memory_space<vmem>> -> memref<1x80xi32, #tpu.memory_space<vmem>>
      %dma_start3A_76 = tpu.memref_squeeze %dma_start3A_75 : memref<1x80xi32, #tpu.memory_space<vmem>> -> memref<80xi32, #tpu.memory_space<vmem>>
      %dma_start3A_77 = arith.constant 0 : i32
      %dma_start3A_78 = tpu.memref_slice %arg8[%dma_start3A_77] : memref<10240xf32, #tpu.memory_space<vmem_shared>> -> memref<10240xf32, #tpu.memory_space<vmem_shared>>
      tpu.enqueue_indirect_dma source(%arg6 : memref<80xf32, #tpu.memory_space<vmem>>) target(%dma_start3A_78 : memref<10240xf32, #tpu.memory_space<vmem_shared>>) offsets(%dma_start3A_76 : memref<80xi32, #tpu.memory_space<vmem>>) semaphore(%arg7 : memref<!tpu.dma_semaphore, #tpu.memory_space<semaphore_mem>>) {add = true}
      %dma_start3A_79 = arith.constant 5 : i32
      %dma_start3A_80 = arith.constant 0 : i32
      %dma_start3A_81 = tpu.memref_slice %arg5[%dma_start3A_79, %dma_start3A_80] : memref<25x80xi32, #tpu.memory_space<vmem>> -> memref<1x80xi32, #tpu.memory_space<vmem>>
      %dma_start3A_82 = tpu.memref_squeeze %dma_start3A_81 : memref<1x80xi32, #tpu.memory_space<vmem>> -> memref<80xi32, #tpu.memory_space<vmem>>
      %dma_start3A_83 = arith.constant 0 : i32
      %dma_start3A_84 = tpu.memref_slice %arg8[%dma_start3A_83] : memref<10240xf32, #tpu.memory_space<vmem_shared>> -> memref<10240xf32, #tpu.memory_space<vmem_shared>>
      tpu.enqueue_indirect_dma source(%arg6 : memref<80xf32, #tpu.memory_space<vmem>>) target(%dma_start3A_84 : memref<10240xf32, #tpu.memory_space<vmem_shared>>) offsets(%dma_start3A_82 : memref<80xi32, #tpu.memory_space<vmem>>) semaphore(%arg7 : memref<!tpu.dma_semaphore, #tpu.memory_space<semaphore_mem>>) {add = true}
      %dma_start3A_85 = arith.constant 6 : i32
      %dma_start3A_86 = arith.constant 0 : i32
      %dma_start3A_87 = tpu.memref_slice %arg5[%dma_start3A_85, %dma_start3A_86] : memref<25x80xi32, #tpu.memory_space<vmem>> -> memref<1x80xi32, #tpu.memory_space<vmem>>
      %dma_start3A_88 = tpu.memref_squeeze %dma_start3A_87 : memref<1x80xi32, #tpu.memory_space<vmem>> -> memref<80xi32, #tpu.memory_space<vmem>>
      %dma_start3A_89 = arith.constant 0 : i32
      %dma_start3A_90 = tpu.memref_slice %arg8[%dma_start3A_89] : memref<10240xf32, #tpu.memory_space<vmem_shared>> -> memref<10240xf32, #tpu.memory_space<vmem_shared>>
      tpu.enqueue_indirect_dma source(%arg6 : memref<80xf32, #tpu.memory_space<vmem>>) target(%dma_start3A_90 : memref<10240xf32, #tpu.memory_space<vmem_shared>>) offsets(%dma_start3A_88 : memref<80xi32, #tpu.memory_space<vmem>>) semaphore(%arg7 : memref<!tpu.dma_semaphore, #tpu.memory_space<semaphore_mem>>) {add = true}
      %dma_start3A_91 = arith.constant 7 : i32
      %dma_start3A_92 = arith.constant 0 : i32
      %dma_start3A_93 = tpu.memref_slice %arg5[%dma_start3A_91, %dma_start3A_92] : memref<25x80xi32, #tpu.memory_space<vmem>> -> memref<1x80xi32, #tpu.memory_space<vmem>>
      %dma_start3A_94 = tpu.memref_squeeze %dma_start3A_93 : memref<1x80xi32, #tpu.memory_space<vmem>> -> memref<80xi32, #tpu.memory_space<vmem>>
      %dma_start3A_95 = arith.constant 0 : i32
      %dma_start3A_96 = tpu.memref_slice %arg8[%dma_start3A_95] : memref<10240xf32, #tpu.memory_space<vmem_shared>> -> memref<10240xf32, #tpu.memory_space<vmem_shared>>
      tpu.enqueue_indirect_dma source(%arg6 : memref<80xf32, #tpu.memory_space<vmem>>) target(%dma_start3A_96 : memref<10240xf32, #tpu.memory_space<vmem_shared>>) offsets(%dma_start3A_94 : memref<80xi32, #tpu.memory_space<vmem>>) semaphore(%arg7 : memref<!tpu.dma_semaphore, #tpu.memory_space<semaphore_mem>>) {add = true}
      %dma_start3A_97 = arith.constant 8 : i32
      %dma_start3A_98 = arith.constant 0 : i32
      %dma_start3A_99 = tpu.memref_slice %arg5[%dma_start3A_97, %dma_start3A_98] : memref<25x80xi32, #tpu.memory_space<vmem>> -> memref<1x80xi32, #tpu.memory_space<vmem>>
      %dma_start3A_100 = tpu.memref_squeeze %dma_start3A_99 : memref<1x80xi32, #tpu.memory_space<vmem>> -> memref<80xi32, #tpu.memory_space<vmem>>
      %dma_start3A_101 = arith.constant 0 : i32
      %dma_start3A_102 = tpu.memref_slice %arg8[%dma_start3A_101] : memref<10240xf32, #tpu.memory_space<vmem_shared>> -> memref<10240xf32, #tpu.memory_space<vmem_shared>>
      tpu.enqueue_indirect_dma source(%arg6 : memref<80xf32, #tpu.memory_space<vmem>>) target(%dma_start3A_102 : memref<10240xf32, #tpu.memory_space<vmem_shared>>) offsets(%dma_start3A_100 : memref<80xi32, #tpu.memory_space<vmem>>) semaphore(%arg7 : memref<!tpu.dma_semaphore, #tpu.memory_space<semaphore_mem>>) {add = true}
      %dma_start3A_103 = arith.constant 9 : i32
      %dma_start3A_104 = arith.constant 0 : i32
      %dma_start3A_105 = tpu.memref_slice %arg5[%dma_start3A_103, %dma_start3A_104] : memref<25x80xi32, #tpu.memory_space<vmem>> -> memref<1x80xi32, #tpu.memory_space<vmem>>
      %dma_start3A_106 = tpu.memref_squeeze %dma_start3A_105 : memref<1x80xi32, #tpu.memory_space<vmem>> -> memref<80xi32, #tpu.memory_space<vmem>>
      %dma_start3A_107 = arith.constant 0 : i32
      %dma_start3A_108 = tpu.memref_slice %arg8[%dma_start3A_107] : memref<10240xf32, #tpu.memory_space<vmem_shared>> -> memref<10240xf32, #tpu.memory_space<vmem_shared>>
      tpu.enqueue_indirect_dma source(%arg6 : memref<80xf32, #tpu.memory_space<vmem>>) target(%dma_start3A_108 : memref<10240xf32, #tpu.memory_space<vmem_shared>>) offsets(%dma_start3A_106 : memref<80xi32, #tpu.memory_space<vmem>>) semaphore(%arg7 : memref<!tpu.dma_semaphore, #tpu.memory_space<semaphore_mem>>) {add = true}
      %dma_start3A_109 = arith.constant 10 : i32
      %dma_start3A_110 = arith.constant 0 : i32
      %dma_start3A_111 = tpu.memref_slice %arg5[%dma_start3A_109, %dma_start3A_110] : memref<25x80xi32, #tpu.memory_space<vmem>> -> memref<1x80xi32, #tpu.memory_space<vmem>>
      %dma_start3A_112 = tpu.memref_squeeze %dma_start3A_111 : memref<1x80xi32, #tpu.memory_space<vmem>> -> memref<80xi32, #tpu.memory_space<vmem>>
      %dma_start3A_113 = arith.constant 0 : i32
      %dma_start3A_114 = tpu.memref_slice %arg8[%dma_start3A_113] : memref<10240xf32, #tpu.memory_space<vmem_shared>> -> memref<10240xf32, #tpu.memory_space<vmem_shared>>
      tpu.enqueue_indirect_dma source(%arg6 : memref<80xf32, #tpu.memory_space<vmem>>) target(%dma_start3A_114 : memref<10240xf32, #tpu.memory_space<vmem_shared>>) offsets(%dma_start3A_112 : memref<80xi32, #tpu.memory_space<vmem>>) semaphore(%arg7 : memref<!tpu.dma_semaphore, #tpu.memory_space<semaphore_mem>>) {add = true}
      %dma_start3A_115 = arith.constant 11 : i32
      %dma_start3A_116 = arith.constant 0 : i32
      %dma_start3A_117 = tpu.memref_slice %arg5[%dma_start3A_115, %dma_start3A_116] : memref<25x80xi32, #tpu.memory_space<vmem>> -> memref<1x80xi32, #tpu.memory_space<vmem>>
      %dma_start3A_118 = tpu.memref_squeeze %dma_start3A_117 : memref<1x80xi32, #tpu.memory_space<vmem>> -> memref<80xi32, #tpu.memory_space<vmem>>
      %dma_start3A_119 = arith.constant 0 : i32
      %dma_start3A_120 = tpu.memref_slice %arg8[%dma_start3A_119] : memref<10240xf32, #tpu.memory_space<vmem_shared>> -> memref<10240xf32, #tpu.memory_space<vmem_shared>>
      tpu.enqueue_indirect_dma source(%arg6 : memref<80xf32, #tpu.memory_space<vmem>>) target(%dma_start3A_120 : memref<10240xf32, #tpu.memory_space<vmem_shared>>) offsets(%dma_start3A_118 : memref<80xi32, #tpu.memory_space<vmem>>) semaphore(%arg7 : memref<!tpu.dma_semaphore, #tpu.memory_space<semaphore_mem>>) {add = true}
      %dma_start3A_121 = arith.constant 12 : i32
      %dma_start3A_122 = arith.constant 0 : i32
      %dma_start3A_123 = tpu.memref_slice %arg5[%dma_start3A_121, %dma_start3A_122] : memref<25x80xi32, #tpu.memory_space<vmem>> -> memref<1x80xi32, #tpu.memory_space<vmem>>
      %dma_start3A_124 = tpu.memref_squeeze %dma_start3A_123 : memref<1x80xi32, #tpu.memory_space<vmem>> -> memref<80xi32, #tpu.memory_space<vmem>>
      %dma_start3A_125 = arith.constant 0 : i32
      %dma_start3A_126 = tpu.memref_slice %arg8[%dma_start3A_125] : memref<10240xf32, #tpu.memory_space<vmem_shared>> -> memref<10240xf32, #tpu.memory_space<vmem_shared>>
      tpu.enqueue_indirect_dma source(%arg6 : memref<80xf32, #tpu.memory_space<vmem>>) target(%dma_start3A_126 : memref<10240xf32, #tpu.memory_space<vmem_shared>>) offsets(%dma_start3A_124 : memref<80xi32, #tpu.memory_space<vmem>>) semaphore(%arg7 : memref<!tpu.dma_semaphore, #tpu.memory_space<semaphore_mem>>) {add = true}
      %dma_start3A_127 = arith.constant 13 : i32
      %dma_start3A_128 = arith.constant 0 : i32
      %dma_start3A_129 = tpu.memref_slice %arg5[%dma_start3A_127, %dma_start3A_128] : memref<25x80xi32, #tpu.memory_space<vmem>> -> memref<1x80xi32, #tpu.memory_space<vmem>>
      %dma_start3A_130 = tpu.memref_squeeze %dma_start3A_129 : memref<1x80xi32, #tpu.memory_space<vmem>> -> memref<80xi32, #tpu.memory_space<vmem>>
      %dma_start3A_131 = arith.constant 0 : i32
      %dma_start3A_132 = tpu.memref_slice %arg8[%dma_start3A_131] : memref<10240xf32, #tpu.memory_space<vmem_shared>> -> memref<10240xf32, #tpu.memory_space<vmem_shared>>
      tpu.enqueue_indirect_dma source(%arg6 : memref<80xf32, #tpu.memory_space<vmem>>) target(%dma_start3A_132 : memref<10240xf32, #tpu.memory_space<vmem_shared>>) offsets(%dma_start3A_130 : memref<80xi32, #tpu.memory_space<vmem>>) semaphore(%arg7 : memref<!tpu.dma_semaphore, #tpu.memory_space<semaphore_mem>>) {add = true}
      %dma_start3A_133 = arith.constant 14 : i32
      %dma_start3A_134 = arith.constant 0 : i32
      %dma_start3A_135 = tpu.memref_slice %arg5[%dma_start3A_133, %dma_start3A_134] : memref<25x80xi32, #tpu.memory_space<vmem>> -> memref<1x80xi32, #tpu.memory_space<vmem>>
      %dma_start3A_136 = tpu.memref_squeeze %dma_start3A_135 : memref<1x80xi32, #tpu.memory_space<vmem>> -> memref<80xi32, #tpu.memory_space<vmem>>
      %dma_start3A_137 = arith.constant 0 : i32
      %dma_start3A_138 = tpu.memref_slice %arg8[%dma_start3A_137] : memref<10240xf32, #tpu.memory_space<vmem_shared>> -> memref<10240xf32, #tpu.memory_space<vmem_shared>>
      tpu.enqueue_indirect_dma source(%arg6 : memref<80xf32, #tpu.memory_space<vmem>>) target(%dma_start3A_138 : memref<10240xf32, #tpu.memory_space<vmem_shared>>) offsets(%dma_start3A_136 : memref<80xi32, #tpu.memory_space<vmem>>) semaphore(%arg7 : memref<!tpu.dma_semaphore, #tpu.memory_space<semaphore_mem>>) {add = true}
      %dma_start3A_139 = arith.constant 15 : i32
      %dma_start3A_140 = arith.constant 0 : i32
      %dma_start3A_141 = tpu.memref_slice %arg5[%dma_start3A_139, %dma_start3A_140] : memref<25x80xi32, #tpu.memory_space<vmem>> -> memref<1x80xi32, #tpu.memory_space<vmem>>
      %dma_start3A_142 = tpu.memref_squeeze %dma_start3A_141 : memref<1x80xi32, #tpu.memory_space<vmem>> -> memref<80xi32, #tpu.memory_space<vmem>>
      %dma_start3A_143 = arith.constant 0 : i32
      %dma_start3A_144 = tpu.memref_slice %arg8[%dma_start3A_143] : memref<10240xf32, #tpu.memory_space<vmem_shared>> -> memref<10240xf32, #tpu.memory_space<vmem_shared>>
      tpu.enqueue_indirect_dma source(%arg6 : memref<80xf32, #tpu.memory_space<vmem>>) target(%dma_start3A_144 : memref<10240xf32, #tpu.memory_space<vmem_shared>>) offsets(%dma_start3A_142 : memref<80xi32, #tpu.memory_space<vmem>>) semaphore(%arg7 : memref<!tpu.dma_semaphore, #tpu.memory_space<semaphore_mem>>) {add = true}
      %dma_start3A_145 = arith.constant 16 : i32
      %dma_start3A_146 = arith.constant 0 : i32
      %dma_start3A_147 = tpu.memref_slice %arg5[%dma_start3A_145, %dma_start3A_146] : memref<25x80xi32, #tpu.memory_space<vmem>> -> memref<1x80xi32, #tpu.memory_space<vmem>>
      %dma_start3A_148 = tpu.memref_squeeze %dma_start3A_147 : memref<1x80xi32, #tpu.memory_space<vmem>> -> memref<80xi32, #tpu.memory_space<vmem>>
      %dma_start3A_149 = arith.constant 0 : i32
      %dma_start3A_150 = tpu.memref_slice %arg8[%dma_start3A_149] : memref<10240xf32, #tpu.memory_space<vmem_shared>> -> memref<10240xf32, #tpu.memory_space<vmem_shared>>
      tpu.enqueue_indirect_dma source(%arg6 : memref<80xf32, #tpu.memory_space<vmem>>) target(%dma_start3A_150 : memref<10240xf32, #tpu.memory_space<vmem_shared>>) offsets(%dma_start3A_148 : memref<80xi32, #tpu.memory_space<vmem>>) semaphore(%arg7 : memref<!tpu.dma_semaphore, #tpu.memory_space<semaphore_mem>>) {add = true}
      %dma_start3A_151 = arith.constant 17 : i32
      %dma_start3A_152 = arith.constant 0 : i32
      %dma_start3A_153 = tpu.memref_slice %arg5[%dma_start3A_151, %dma_start3A_152] : memref<25x80xi32, #tpu.memory_space<vmem>> -> memref<1x80xi32, #tpu.memory_space<vmem>>
      %dma_start3A_154 = tpu.memref_squeeze %dma_start3A_153 : memref<1x80xi32, #tpu.memory_space<vmem>> -> memref<80xi32, #tpu.memory_space<vmem>>
      %dma_start3A_155 = arith.constant 0 : i32
      %dma_start3A_156 = tpu.memref_slice %arg8[%dma_start3A_155] : memref<10240xf32, #tpu.memory_space<vmem_shared>> -> memref<10240xf32, #tpu.memory_space<vmem_shared>>
      tpu.enqueue_indirect_dma source(%arg6 : memref<80xf32, #tpu.memory_space<vmem>>) target(%dma_start3A_156 : memref<10240xf32, #tpu.memory_space<vmem_shared>>) offsets(%dma_start3A_154 : memref<80xi32, #tpu.memory_space<vmem>>) semaphore(%arg7 : memref<!tpu.dma_semaphore, #tpu.memory_space<semaphore_mem>>) {add = true}
      %dma_start3A_157 = arith.constant 18 : i32
      %dma_start3A_158 = arith.constant 0 : i32
      %dma_start3A_159 = tpu.memref_slice %arg5[%dma_start3A_157, %dma_start3A_158] : memref<25x80xi32, #tpu.memory_space<vmem>> -> memref<1x80xi32, #tpu.memory_space<vmem>>
      %dma_start3A_160 = tpu.memref_squeeze %dma_start3A_159 : memref<1x80xi32, #tpu.memory_space<vmem>> -> memref<80xi32, #tpu.memory_space<vmem>>
      %dma_start3A_161 = arith.constant 0 : i32
      %dma_start3A_162 = tpu.memref_slice %arg8[%dma_start3A_161] : memref<10240xf32, #tpu.memory_space<vmem_shared>> -> memref<10240xf32, #tpu.memory_space<vmem_shared>>
      tpu.enqueue_indirect_dma source(%arg6 : memref<80xf32, #tpu.memory_space<vmem>>) target(%dma_start3A_162 : memref<10240xf32, #tpu.memory_space<vmem_shared>>) offsets(%dma_start3A_160 : memref<80xi32, #tpu.memory_space<vmem>>) semaphore(%arg7 : memref<!tpu.dma_semaphore, #tpu.memory_space<semaphore_mem>>) {add = true}
      %dma_start3A_163 = arith.constant 19 : i32
      %dma_start3A_164 = arith.constant 0 : i32
      %dma_start3A_165 = tpu.memref_slice %arg5[%dma_start3A_163, %dma_start3A_164] : memref<25x80xi32, #tpu.memory_space<vmem>> -> memref<1x80xi32, #tpu.memory_space<vmem>>
      %dma_start3A_166 = tpu.memref_squeeze %dma_start3A_165 : memref<1x80xi32, #tpu.memory_space<vmem>> -> memref<80xi32, #tpu.memory_space<vmem>>
      %dma_start3A_167 = arith.constant 0 : i32
      %dma_start3A_168 = tpu.memref_slice %arg8[%dma_start3A_167] : memref<10240xf32, #tpu.memory_space<vmem_shared>> -> memref<10240xf32, #tpu.memory_space<vmem_shared>>
      tpu.enqueue_indirect_dma source(%arg6 : memref<80xf32, #tpu.memory_space<vmem>>) target(%dma_start3A_168 : memref<10240xf32, #tpu.memory_space<vmem_shared>>) offsets(%dma_start3A_166 : memref<80xi32, #tpu.memory_space<vmem>>) semaphore(%arg7 : memref<!tpu.dma_semaphore, #tpu.memory_space<semaphore_mem>>) {add = true}
      %dma_start3A_169 = arith.constant 20 : i32
      %dma_start3A_170 = arith.constant 0 : i32
      %dma_start3A_171 = tpu.memref_slice %arg5[%dma_start3A_169, %dma_start3A_170] : memref<25x80xi32, #tpu.memory_space<vmem>> -> memref<1x80xi32, #tpu.memory_space<vmem>>
      %dma_start3A_172 = tpu.memref_squeeze %dma_start3A_171 : memref<1x80xi32, #tpu.memory_space<vmem>> -> memref<80xi32, #tpu.memory_space<vmem>>
      %dma_start3A_173 = arith.constant 0 : i32
      %dma_start3A_174 = tpu.memref_slice %arg8[%dma_start3A_173] : memref<10240xf32, #tpu.memory_space<vmem_shared>> -> memref<10240xf32, #tpu.memory_space<vmem_shared>>
      tpu.enqueue_indirect_dma source(%arg6 : memref<80xf32, #tpu.memory_space<vmem>>) target(%dma_start3A_174 : memref<10240xf32, #tpu.memory_space<vmem_shared>>) offsets(%dma_start3A_172 : memref<80xi32, #tpu.memory_space<vmem>>) semaphore(%arg7 : memref<!tpu.dma_semaphore, #tpu.memory_space<semaphore_mem>>) {add = true}
      %dma_start3A_175 = arith.constant 21 : i32
      %dma_start3A_176 = arith.constant 0 : i32
      %dma_start3A_177 = tpu.memref_slice %arg5[%dma_start3A_175, %dma_start3A_176] : memref<25x80xi32, #tpu.memory_space<vmem>> -> memref<1x80xi32, #tpu.memory_space<vmem>>
      %dma_start3A_178 = tpu.memref_squeeze %dma_start3A_177 : memref<1x80xi32, #tpu.memory_space<vmem>> -> memref<80xi32, #tpu.memory_space<vmem>>
      %dma_start3A_179 = arith.constant 0 : i32
      %dma_start3A_180 = tpu.memref_slice %arg8[%dma_start3A_179] : memref<10240xf32, #tpu.memory_space<vmem_shared>> -> memref<10240xf32, #tpu.memory_space<vmem_shared>>
      tpu.enqueue_indirect_dma source(%arg6 : memref<80xf32, #tpu.memory_space<vmem>>) target(%dma_start3A_180 : memref<10240xf32, #tpu.memory_space<vmem_shared>>) offsets(%dma_start3A_178 : memref<80xi32, #tpu.memory_space<vmem>>) semaphore(%arg7 : memref<!tpu.dma_semaphore, #tpu.memory_space<semaphore_mem>>) {add = true}
      %dma_start3A_181 = arith.constant 22 : i32
      %dma_start3A_182 = arith.constant 0 : i32
      %dma_start3A_183 = tpu.memref_slice %arg5[%dma_start3A_181, %dma_start3A_182] : memref<25x80xi32, #tpu.memory_space<vmem>> -> memref<1x80xi32, #tpu.memory_space<vmem>>
      %dma_start3A_184 = tpu.memref_squeeze %dma_start3A_183 : memref<1x80xi32, #tpu.memory_space<vmem>> -> memref<80xi32, #tpu.memory_space<vmem>>
      %dma_start3A_185 = arith.constant 0 : i32
      %dma_start3A_186 = tpu.memref_slice %arg8[%dma_start3A_185] : memref<10240xf32, #tpu.memory_space<vmem_shared>> -> memref<10240xf32, #tpu.memory_space<vmem_shared>>
      tpu.enqueue_indirect_dma source(%arg6 : memref<80xf32, #tpu.memory_space<vmem>>) target(%dma_start3A_186 : memref<10240xf32, #tpu.memory_space<vmem_shared>>) offsets(%dma_start3A_184 : memref<80xi32, #tpu.memory_space<vmem>>) semaphore(%arg7 : memref<!tpu.dma_semaphore, #tpu.memory_space<semaphore_mem>>) {add = true}
      %dma_start3A_187 = arith.constant 23 : i32
      %dma_start3A_188 = arith.constant 0 : i32
      %dma_start3A_189 = tpu.memref_slice %arg5[%dma_start3A_187, %dma_start3A_188] : memref<25x80xi32, #tpu.memory_space<vmem>> -> memref<1x80xi32, #tpu.memory_space<vmem>>
      %dma_start3A_190 = tpu.memref_squeeze %dma_start3A_189 : memref<1x80xi32, #tpu.memory_space<vmem>> -> memref<80xi32, #tpu.memory_space<vmem>>
      %dma_start3A_191 = arith.constant 0 : i32
      %dma_start3A_192 = tpu.memref_slice %arg8[%dma_start3A_191] : memref<10240xf32, #tpu.memory_space<vmem_shared>> -> memref<10240xf32, #tpu.memory_space<vmem_shared>>
      tpu.enqueue_indirect_dma source(%arg6 : memref<80xf32, #tpu.memory_space<vmem>>) target(%dma_start3A_192 : memref<10240xf32, #tpu.memory_space<vmem_shared>>) offsets(%dma_start3A_190 : memref<80xi32, #tpu.memory_space<vmem>>) semaphore(%arg7 : memref<!tpu.dma_semaphore, #tpu.memory_space<semaphore_mem>>) {add = true}
      %dma_start3A_193 = arith.constant 24 : i32
      %dma_start3A_194 = arith.constant 0 : i32
      %dma_start3A_195 = tpu.memref_slice %arg5[%dma_start3A_193, %dma_start3A_194] : memref<25x80xi32, #tpu.memory_space<vmem>> -> memref<1x80xi32, #tpu.memory_space<vmem>>
      %dma_start3A_196 = tpu.memref_squeeze %dma_start3A_195 : memref<1x80xi32, #tpu.memory_space<vmem>> -> memref<80xi32, #tpu.memory_space<vmem>>
      %dma_start3A_197 = arith.constant 0 : i32
      %dma_start3A_198 = tpu.memref_slice %arg8[%dma_start3A_197] : memref<10240xf32, #tpu.memory_space<vmem_shared>> -> memref<10240xf32, #tpu.memory_space<vmem_shared>>
      tpu.enqueue_indirect_dma source(%arg6 : memref<80xf32, #tpu.memory_space<vmem>>) target(%dma_start3A_198 : memref<10240xf32, #tpu.memory_space<vmem_shared>>) offsets(%dma_start3A_196 : memref<80xi32, #tpu.memory_space<vmem>>) semaphore(%arg7 : memref<!tpu.dma_semaphore, #tpu.memory_space<semaphore_mem>>) {add = true}
      %dma_wait3A = arith.constant 0 : i32
      %dma_wait3A_199 = arith.constant 0 : i32
      %dma_wait3A_200 = tpu.memref_slice %arg5[%dma_wait3A, %dma_wait3A_199] : memref<25x80xi32, #tpu.memory_space<vmem>> -> memref<1x80xi32, #tpu.memory_space<vmem>>
      %dma_wait3A_201 = tpu.memref_squeeze %dma_wait3A_200 : memref<1x80xi32, #tpu.memory_space<vmem>> -> memref<80xi32, #tpu.memory_space<vmem>>
      %dma_wait3A_202 = arith.constant 0 : i32
      %dma_wait3A_203 = tpu.memref_slice %arg8[%dma_wait3A_202] : memref<10240xf32, #tpu.memory_space<vmem_shared>> -> memref<10240xf32, #tpu.memory_space<vmem_shared>>
      tpu.wait_indirect_dma semaphore(%arg7 : memref<!tpu.dma_semaphore, #tpu.memory_space<semaphore_mem>>) src(%arg6 : memref<80xf32, #tpu.memory_space<vmem>>) dst(%dma_wait3A_203 : memref<10240xf32, #tpu.memory_space<vmem_shared>>)
      %dma_wait3A_204 = arith.constant 1 : i32
      %dma_wait3A_205 = arith.constant 0 : i32
      %dma_wait3A_206 = tpu.memref_slice %arg5[%dma_wait3A_204, %dma_wait3A_205] : memref<25x80xi32, #tpu.memory_space<vmem>> -> memref<1x80xi32, #tpu.memory_space<vmem>>
      %dma_wait3A_207 = tpu.memref_squeeze %dma_wait3A_206 : memref<1x80xi32, #tpu.memory_space<vmem>> -> memref<80xi32, #tpu.memory_space<vmem>>
      %dma_wait3A_208 = arith.constant 0 : i32
      %dma_wait3A_209 = tpu.memref_slice %arg8[%dma_wait3A_208] : memref<10240xf32, #tpu.memory_space<vmem_shared>> -> memref<10240xf32, #tpu.memory_space<vmem_shared>>
      tpu.wait_indirect_dma semaphore(%arg7 : memref<!tpu.dma_semaphore, #tpu.memory_space<semaphore_mem>>) src(%arg6 : memref<80xf32, #tpu.memory_space<vmem>>) dst(%dma_wait3A_209 : memref<10240xf32, #tpu.memory_space<vmem_shared>>)
      %dma_wait3A_210 = arith.constant 2 : i32
      %dma_wait3A_211 = arith.constant 0 : i32
      %dma_wait3A_212 = tpu.memref_slice %arg5[%dma_wait3A_210, %dma_wait3A_211] : memref<25x80xi32, #tpu.memory_space<vmem>> -> memref<1x80xi32, #tpu.memory_space<vmem>>
      %dma_wait3A_213 = tpu.memref_squeeze %dma_wait3A_212 : memref<1x80xi32, #tpu.memory_space<vmem>> -> memref<80xi32, #tpu.memory_space<vmem>>
      %dma_wait3A_214 = arith.constant 0 : i32
      %dma_wait3A_215 = tpu.memref_slice %arg8[%dma_wait3A_214] : memref<10240xf32, #tpu.memory_space<vmem_shared>> -> memref<10240xf32, #tpu.memory_space<vmem_shared>>
      tpu.wait_indirect_dma semaphore(%arg7 : memref<!tpu.dma_semaphore, #tpu.memory_space<semaphore_mem>>) src(%arg6 : memref<80xf32, #tpu.memory_space<vmem>>) dst(%dma_wait3A_215 : memref<10240xf32, #tpu.memory_space<vmem_shared>>)
      %dma_wait3A_216 = arith.constant 3 : i32
      %dma_wait3A_217 = arith.constant 0 : i32
      %dma_wait3A_218 = tpu.memref_slice %arg5[%dma_wait3A_216, %dma_wait3A_217] : memref<25x80xi32, #tpu.memory_space<vmem>> -> memref<1x80xi32, #tpu.memory_space<vmem>>
      %dma_wait3A_219 = tpu.memref_squeeze %dma_wait3A_218 : memref<1x80xi32, #tpu.memory_space<vmem>> -> memref<80xi32, #tpu.memory_space<vmem>>
      %dma_wait3A_220 = arith.constant 0 : i32
      %dma_wait3A_221 = tpu.memref_slice %arg8[%dma_wait3A_220] : memref<10240xf32, #tpu.memory_space<vmem_shared>> -> memref<10240xf32, #tpu.memory_space<vmem_shared>>
      tpu.wait_indirect_dma semaphore(%arg7 : memref<!tpu.dma_semaphore, #tpu.memory_space<semaphore_mem>>) src(%arg6 : memref<80xf32, #tpu.memory_space<vmem>>) dst(%dma_wait3A_221 : memref<10240xf32, #tpu.memory_space<vmem_shared>>)
      %dma_wait3A_222 = arith.constant 4 : i32
      %dma_wait3A_223 = arith.constant 0 : i32
      %dma_wait3A_224 = tpu.memref_slice %arg5[%dma_wait3A_222, %dma_wait3A_223] : memref<25x80xi32, #tpu.memory_space<vmem>> -> memref<1x80xi32, #tpu.memory_space<vmem>>
      %dma_wait3A_225 = tpu.memref_squeeze %dma_wait3A_224 : memref<1x80xi32, #tpu.memory_space<vmem>> -> memref<80xi32, #tpu.memory_space<vmem>>
      %dma_wait3A_226 = arith.constant 0 : i32
      %dma_wait3A_227 = tpu.memref_slice %arg8[%dma_wait3A_226] : memref<10240xf32, #tpu.memory_space<vmem_shared>> -> memref<10240xf32, #tpu.memory_space<vmem_shared>>
      tpu.wait_indirect_dma semaphore(%arg7 : memref<!tpu.dma_semaphore, #tpu.memory_space<semaphore_mem>>) src(%arg6 : memref<80xf32, #tpu.memory_space<vmem>>) dst(%dma_wait3A_227 : memref<10240xf32, #tpu.memory_space<vmem_shared>>)
      %dma_wait3A_228 = arith.constant 5 : i32
      %dma_wait3A_229 = arith.constant 0 : i32
      %dma_wait3A_230 = tpu.memref_slice %arg5[%dma_wait3A_228, %dma_wait3A_229] : memref<25x80xi32, #tpu.memory_space<vmem>> -> memref<1x80xi32, #tpu.memory_space<vmem>>
      %dma_wait3A_231 = tpu.memref_squeeze %dma_wait3A_230 : memref<1x80xi32, #tpu.memory_space<vmem>> -> memref<80xi32, #tpu.memory_space<vmem>>
      %dma_wait3A_232 = arith.constant 0 : i32
      %dma_wait3A_233 = tpu.memref_slice %arg8[%dma_wait3A_232] : memref<10240xf32, #tpu.memory_space<vmem_shared>> -> memref<10240xf32, #tpu.memory_space<vmem_shared>>
      tpu.wait_indirect_dma semaphore(%arg7 : memref<!tpu.dma_semaphore, #tpu.memory_space<semaphore_mem>>) src(%arg6 : memref<80xf32, #tpu.memory_space<vmem>>) dst(%dma_wait3A_233 : memref<10240xf32, #tpu.memory_space<vmem_shared>>)
      %dma_wait3A_234 = arith.constant 6 : i32
      %dma_wait3A_235 = arith.constant 0 : i32
      %dma_wait3A_236 = tpu.memref_slice %arg5[%dma_wait3A_234, %dma_wait3A_235] : memref<25x80xi32, #tpu.memory_space<vmem>> -> memref<1x80xi32, #tpu.memory_space<vmem>>
      %dma_wait3A_237 = tpu.memref_squeeze %dma_wait3A_236 : memref<1x80xi32, #tpu.memory_space<vmem>> -> memref<80xi32, #tpu.memory_space<vmem>>
      %dma_wait3A_238 = arith.constant 0 : i32
      %dma_wait3A_239 = tpu.memref_slice %arg8[%dma_wait3A_238] : memref<10240xf32, #tpu.memory_space<vmem_shared>> -> memref<10240xf32, #tpu.memory_space<vmem_shared>>
      tpu.wait_indirect_dma semaphore(%arg7 : memref<!tpu.dma_semaphore, #tpu.memory_space<semaphore_mem>>) src(%arg6 : memref<80xf32, #tpu.memory_space<vmem>>) dst(%dma_wait3A_239 : memref<10240xf32, #tpu.memory_space<vmem_shared>>)
      %dma_wait3A_240 = arith.constant 7 : i32
      %dma_wait3A_241 = arith.constant 0 : i32
      %dma_wait3A_242 = tpu.memref_slice %arg5[%dma_wait3A_240, %dma_wait3A_241] : memref<25x80xi32, #tpu.memory_space<vmem>> -> memref<1x80xi32, #tpu.memory_space<vmem>>
      %dma_wait3A_243 = tpu.memref_squeeze %dma_wait3A_242 : memref<1x80xi32, #tpu.memory_space<vmem>> -> memref<80xi32, #tpu.memory_space<vmem>>
      %dma_wait3A_244 = arith.constant 0 : i32
      %dma_wait3A_245 = tpu.memref_slice %arg8[%dma_wait3A_244] : memref<10240xf32, #tpu.memory_space<vmem_shared>> -> memref<10240xf32, #tpu.memory_space<vmem_shared>>
      tpu.wait_indirect_dma semaphore(%arg7 : memref<!tpu.dma_semaphore, #tpu.memory_space<semaphore_mem>>) src(%arg6 : memref<80xf32, #tpu.memory_space<vmem>>) dst(%dma_wait3A_245 : memref<10240xf32, #tpu.memory_space<vmem_shared>>)
      %dma_wait3A_246 = arith.constant 8 : i32
      %dma_wait3A_247 = arith.constant 0 : i32
      %dma_wait3A_248 = tpu.memref_slice %arg5[%dma_wait3A_246, %dma_wait3A_247] : memref<25x80xi32, #tpu.memory_space<vmem>> -> memref<1x80xi32, #tpu.memory_space<vmem>>
      %dma_wait3A_249 = tpu.memref_squeeze %dma_wait3A_248 : memref<1x80xi32, #tpu.memory_space<vmem>> -> memref<80xi32, #tpu.memory_space<vmem>>
      %dma_wait3A_250 = arith.constant 0 : i32
      %dma_wait3A_251 = tpu.memref_slice %arg8[%dma_wait3A_250] : memref<10240xf32, #tpu.memory_space<vmem_shared>> -> memref<10240xf32, #tpu.memory_space<vmem_shared>>
      tpu.wait_indirect_dma semaphore(%arg7 : memref<!tpu.dma_semaphore, #tpu.memory_space<semaphore_mem>>) src(%arg6 : memref<80xf32, #tpu.memory_space<vmem>>) dst(%dma_wait3A_251 : memref<10240xf32, #tpu.memory_space<vmem_shared>>)
      %dma_wait3A_252 = arith.constant 9 : i32
      %dma_wait3A_253 = arith.constant 0 : i32
      %dma_wait3A_254 = tpu.memref_slice %arg5[%dma_wait3A_252, %dma_wait3A_253] : memref<25x80xi32, #tpu.memory_space<vmem>> -> memref<1x80xi32, #tpu.memory_space<vmem>>
      %dma_wait3A_255 = tpu.memref_squeeze %dma_wait3A_254 : memref<1x80xi32, #tpu.memory_space<vmem>> -> memref<80xi32, #tpu.memory_space<vmem>>
      %dma_wait3A_256 = arith.constant 0 : i32
      %dma_wait3A_257 = tpu.memref_slice %arg8[%dma_wait3A_256] : memref<10240xf32, #tpu.memory_space<vmem_shared>> -> memref<10240xf32, #tpu.memory_space<vmem_shared>>
      tpu.wait_indirect_dma semaphore(%arg7 : memref<!tpu.dma_semaphore, #tpu.memory_space<semaphore_mem>>) src(%arg6 : memref<80xf32, #tpu.memory_space<vmem>>) dst(%dma_wait3A_257 : memref<10240xf32, #tpu.memory_space<vmem_shared>>)
      %dma_wait3A_258 = arith.constant 10 : i32
      %dma_wait3A_259 = arith.constant 0 : i32
      %dma_wait3A_260 = tpu.memref_slice %arg5[%dma_wait3A_258, %dma_wait3A_259] : memref<25x80xi32, #tpu.memory_space<vmem>> -> memref<1x80xi32, #tpu.memory_space<vmem>>
      %dma_wait3A_261 = tpu.memref_squeeze %dma_wait3A_260 : memref<1x80xi32, #tpu.memory_space<vmem>> -> memref<80xi32, #tpu.memory_space<vmem>>
      %dma_wait3A_262 = arith.constant 0 : i32
      %dma_wait3A_263 = tpu.memref_slice %arg8[%dma_wait3A_262] : memref<10240xf32, #tpu.memory_space<vmem_shared>> -> memref<10240xf32, #tpu.memory_space<vmem_shared>>
      tpu.wait_indirect_dma semaphore(%arg7 : memref<!tpu.dma_semaphore, #tpu.memory_space<semaphore_mem>>) src(%arg6 : memref<80xf32, #tpu.memory_space<vmem>>) dst(%dma_wait3A_263 : memref<10240xf32, #tpu.memory_space<vmem_shared>>)
      %dma_wait3A_264 = arith.constant 11 : i32
      %dma_wait3A_265 = arith.constant 0 : i32
      %dma_wait3A_266 = tpu.memref_slice %arg5[%dma_wait3A_264, %dma_wait3A_265] : memref<25x80xi32, #tpu.memory_space<vmem>> -> memref<1x80xi32, #tpu.memory_space<vmem>>
      %dma_wait3A_267 = tpu.memref_squeeze %dma_wait3A_266 : memref<1x80xi32, #tpu.memory_space<vmem>> -> memref<80xi32, #tpu.memory_space<vmem>>
      %dma_wait3A_268 = arith.constant 0 : i32
      %dma_wait3A_269 = tpu.memref_slice %arg8[%dma_wait3A_268] : memref<10240xf32, #tpu.memory_space<vmem_shared>> -> memref<10240xf32, #tpu.memory_space<vmem_shared>>
      tpu.wait_indirect_dma semaphore(%arg7 : memref<!tpu.dma_semaphore, #tpu.memory_space<semaphore_mem>>) src(%arg6 : memref<80xf32, #tpu.memory_space<vmem>>) dst(%dma_wait3A_269 : memref<10240xf32, #tpu.memory_space<vmem_shared>>)
      %dma_wait3A_270 = arith.constant 12 : i32
      %dma_wait3A_271 = arith.constant 0 : i32
      %dma_wait3A_272 = tpu.memref_slice %arg5[%dma_wait3A_270, %dma_wait3A_271] : memref<25x80xi32, #tpu.memory_space<vmem>> -> memref<1x80xi32, #tpu.memory_space<vmem>>
      %dma_wait3A_273 = tpu.memref_squeeze %dma_wait3A_272 : memref<1x80xi32, #tpu.memory_space<vmem>> -> memref<80xi32, #tpu.memory_space<vmem>>
      %dma_wait3A_274 = arith.constant 0 : i32
      %dma_wait3A_275 = tpu.memref_slice %arg8[%dma_wait3A_274] : memref<10240xf32, #tpu.memory_space<vmem_shared>> -> memref<10240xf32, #tpu.memory_space<vmem_shared>>
      tpu.wait_indirect_dma semaphore(%arg7 : memref<!tpu.dma_semaphore, #tpu.memory_space<semaphore_mem>>) src(%arg6 : memref<80xf32, #tpu.memory_space<vmem>>) dst(%dma_wait3A_275 : memref<10240xf32, #tpu.memory_space<vmem_shared>>)
      %dma_wait3A_276 = arith.constant 13 : i32
      %dma_wait3A_277 = arith.constant 0 : i32
      %dma_wait3A_278 = tpu.memref_slice %arg5[%dma_wait3A_276, %dma_wait3A_277] : memref<25x80xi32, #tpu.memory_space<vmem>> -> memref<1x80xi32, #tpu.memory_space<vmem>>
      %dma_wait3A_279 = tpu.memref_squeeze %dma_wait3A_278 : memref<1x80xi32, #tpu.memory_space<vmem>> -> memref<80xi32, #tpu.memory_space<vmem>>
      %dma_wait3A_280 = arith.constant 0 : i32
      %dma_wait3A_281 = tpu.memref_slice %arg8[%dma_wait3A_280] : memref<10240xf32, #tpu.memory_space<vmem_shared>> -> memref<10240xf32, #tpu.memory_space<vmem_shared>>
      tpu.wait_indirect_dma semaphore(%arg7 : memref<!tpu.dma_semaphore, #tpu.memory_space<semaphore_mem>>) src(%arg6 : memref<80xf32, #tpu.memory_space<vmem>>) dst(%dma_wait3A_281 : memref<10240xf32, #tpu.memory_space<vmem_shared>>)
      %dma_wait3A_282 = arith.constant 14 : i32
      %dma_wait3A_283 = arith.constant 0 : i32
      %dma_wait3A_284 = tpu.memref_slice %arg5[%dma_wait3A_282, %dma_wait3A_283] : memref<25x80xi32, #tpu.memory_space<vmem>> -> memref<1x80xi32, #tpu.memory_space<vmem>>
      %dma_wait3A_285 = tpu.memref_squeeze %dma_wait3A_284 : memref<1x80xi32, #tpu.memory_space<vmem>> -> memref<80xi32, #tpu.memory_space<vmem>>
      %dma_wait3A_286 = arith.constant 0 : i32
      %dma_wait3A_287 = tpu.memref_slice %arg8[%dma_wait3A_286] : memref<10240xf32, #tpu.memory_space<vmem_shared>> -> memref<10240xf32, #tpu.memory_space<vmem_shared>>
      tpu.wait_indirect_dma semaphore(%arg7 : memref<!tpu.dma_semaphore, #tpu.memory_space<semaphore_mem>>) src(%arg6 : memref<80xf32, #tpu.memory_space<vmem>>) dst(%dma_wait3A_287 : memref<10240xf32, #tpu.memory_space<vmem_shared>>)
      %dma_wait3A_288 = arith.constant 15 : i32
      %dma_wait3A_289 = arith.constant 0 : i32
      %dma_wait3A_290 = tpu.memref_slice %arg5[%dma_wait3A_288, %dma_wait3A_289] : memref<25x80xi32, #tpu.memory_space<vmem>> -> memref<1x80xi32, #tpu.memory_space<vmem>>
      %dma_wait3A_291 = tpu.memref_squeeze %dma_wait3A_290 : memref<1x80xi32, #tpu.memory_space<vmem>> -> memref<80xi32, #tpu.memory_space<vmem>>
      %dma_wait3A_292 = arith.constant 0 : i32
      %dma_wait3A_293 = tpu.memref_slice %arg8[%dma_wait3A_292] : memref<10240xf32, #tpu.memory_space<vmem_shared>> -> memref<10240xf32, #tpu.memory_space<vmem_shared>>
      tpu.wait_indirect_dma semaphore(%arg7 : memref<!tpu.dma_semaphore, #tpu.memory_space<semaphore_mem>>) src(%arg6 : memref<80xf32, #tpu.memory_space<vmem>>) dst(%dma_wait3A_293 : memref<10240xf32, #tpu.memory_space<vmem_shared>>)
      %dma_wait3A_294 = arith.constant 16 : i32
      %dma_wait3A_295 = arith.constant 0 : i32
      %dma_wait3A_296 = tpu.memref_slice %arg5[%dma_wait3A_294, %dma_wait3A_295] : memref<25x80xi32, #tpu.memory_space<vmem>> -> memref<1x80xi32, #tpu.memory_space<vmem>>
      %dma_wait3A_297 = tpu.memref_squeeze %dma_wait3A_296 : memref<1x80xi32, #tpu.memory_space<vmem>> -> memref<80xi32, #tpu.memory_space<vmem>>
      %dma_wait3A_298 = arith.constant 0 : i32
      %dma_wait3A_299 = tpu.memref_slice %arg8[%dma_wait3A_298] : memref<10240xf32, #tpu.memory_space<vmem_shared>> -> memref<10240xf32, #tpu.memory_space<vmem_shared>>
      tpu.wait_indirect_dma semaphore(%arg7 : memref<!tpu.dma_semaphore, #tpu.memory_space<semaphore_mem>>) src(%arg6 : memref<80xf32, #tpu.memory_space<vmem>>) dst(%dma_wait3A_299 : memref<10240xf32, #tpu.memory_space<vmem_shared>>)
      %dma_wait3A_300 = arith.constant 17 : i32
      %dma_wait3A_301 = arith.constant 0 : i32
      %dma_wait3A_302 = tpu.memref_slice %arg5[%dma_wait3A_300, %dma_wait3A_301] : memref<25x80xi32, #tpu.memory_space<vmem>> -> memref<1x80xi32, #tpu.memory_space<vmem>>
      %dma_wait3A_303 = tpu.memref_squeeze %dma_wait3A_302 : memref<1x80xi32, #tpu.memory_space<vmem>> -> memref<80xi32, #tpu.memory_space<vmem>>
      %dma_wait3A_304 = arith.constant 0 : i32
      %dma_wait3A_305 = tpu.memref_slice %arg8[%dma_wait3A_304] : memref<10240xf32, #tpu.memory_space<vmem_shared>> -> memref<10240xf32, #tpu.memory_space<vmem_shared>>
      tpu.wait_indirect_dma semaphore(%arg7 : memref<!tpu.dma_semaphore, #tpu.memory_space<semaphore_mem>>) src(%arg6 : memref<80xf32, #tpu.memory_space<vmem>>) dst(%dma_wait3A_305 : memref<10240xf32, #tpu.memory_space<vmem_shared>>)
      %dma_wait3A_306 = arith.constant 18 : i32
      %dma_wait3A_307 = arith.constant 0 : i32
      %dma_wait3A_308 = tpu.memref_slice %arg5[%dma_wait3A_306, %dma_wait3A_307] : memref<25x80xi32, #tpu.memory_space<vmem>> -> memref<1x80xi32, #tpu.memory_space<vmem>>
      %dma_wait3A_309 = tpu.memref_squeeze %dma_wait3A_308 : memref<1x80xi32, #tpu.memory_space<vmem>> -> memref<80xi32, #tpu.memory_space<vmem>>
      %dma_wait3A_310 = arith.constant 0 : i32
      %dma_wait3A_311 = tpu.memref_slice %arg8[%dma_wait3A_310] : memref<10240xf32, #tpu.memory_space<vmem_shared>> -> memref<10240xf32, #tpu.memory_space<vmem_shared>>
      tpu.wait_indirect_dma semaphore(%arg7 : memref<!tpu.dma_semaphore, #tpu.memory_space<semaphore_mem>>) src(%arg6 : memref<80xf32, #tpu.memory_space<vmem>>) dst(%dma_wait3A_311 : memref<10240xf32, #tpu.memory_space<vmem_shared>>)
      %dma_wait3A_312 = arith.constant 19 : i32
      %dma_wait3A_313 = arith.constant 0 : i32
      %dma_wait3A_314 = tpu.memref_slice %arg5[%dma_wait3A_312, %dma_wait3A_313] : memref<25x80xi32, #tpu.memory_space<vmem>> -> memref<1x80xi32, #tpu.memory_space<vmem>>
      %dma_wait3A_315 = tpu.memref_squeeze %dma_wait3A_314 : memref<1x80xi32, #tpu.memory_space<vmem>> -> memref<80xi32, #tpu.memory_space<vmem>>
      %dma_wait3A_316 = arith.constant 0 : i32
      %dma_wait3A_317 = tpu.memref_slice %arg8[%dma_wait3A_316] : memref<10240xf32, #tpu.memory_space<vmem_shared>> -> memref<10240xf32, #tpu.memory_space<vmem_shared>>
      tpu.wait_indirect_dma semaphore(%arg7 : memref<!tpu.dma_semaphore, #tpu.memory_space<semaphore_mem>>) src(%arg6 : memref<80xf32, #tpu.memory_space<vmem>>) dst(%dma_wait3A_317 : memref<10240xf32, #tpu.memory_space<vmem_shared>>)
      %dma_wait3A_318 = arith.constant 20 : i32
      %dma_wait3A_319 = arith.constant 0 : i32
      %dma_wait3A_320 = tpu.memref_slice %arg5[%dma_wait3A_318, %dma_wait3A_319] : memref<25x80xi32, #tpu.memory_space<vmem>> -> memref<1x80xi32, #tpu.memory_space<vmem>>
      %dma_wait3A_321 = tpu.memref_squeeze %dma_wait3A_320 : memref<1x80xi32, #tpu.memory_space<vmem>> -> memref<80xi32, #tpu.memory_space<vmem>>
      %dma_wait3A_322 = arith.constant 0 : i32
      %dma_wait3A_323 = tpu.memref_slice %arg8[%dma_wait3A_322] : memref<10240xf32, #tpu.memory_space<vmem_shared>> -> memref<10240xf32, #tpu.memory_space<vmem_shared>>
      tpu.wait_indirect_dma semaphore(%arg7 : memref<!tpu.dma_semaphore, #tpu.memory_space<semaphore_mem>>) src(%arg6 : memref<80xf32, #tpu.memory_space<vmem>>) dst(%dma_wait3A_323 : memref<10240xf32, #tpu.memory_space<vmem_shared>>)
      %dma_wait3A_324 = arith.constant 21 : i32
      %dma_wait3A_325 = arith.constant 0 : i32
      %dma_wait3A_326 = tpu.memref_slice %arg5[%dma_wait3A_324, %dma_wait3A_325] : memref<25x80xi32, #tpu.memory_space<vmem>> -> memref<1x80xi32, #tpu.memory_space<vmem>>
      %dma_wait3A_327 = tpu.memref_squeeze %dma_wait3A_326 : memref<1x80xi32, #tpu.memory_space<vmem>> -> memref<80xi32, #tpu.memory_space<vmem>>
      %dma_wait3A_328 = arith.constant 0 : i32
      %dma_wait3A_329 = tpu.memref_slice %arg8[%dma_wait3A_328] : memref<10240xf32, #tpu.memory_space<vmem_shared>> -> memref<10240xf32, #tpu.memory_space<vmem_shared>>
      tpu.wait_indirect_dma semaphore(%arg7 : memref<!tpu.dma_semaphore, #tpu.memory_space<semaphore_mem>>) src(%arg6 : memref<80xf32, #tpu.memory_space<vmem>>) dst(%dma_wait3A_329 : memref<10240xf32, #tpu.memory_space<vmem_shared>>)
      %dma_wait3A_330 = arith.constant 22 : i32
      %dma_wait3A_331 = arith.constant 0 : i32
      %dma_wait3A_332 = tpu.memref_slice %arg5[%dma_wait3A_330, %dma_wait3A_331] : memref<25x80xi32, #tpu.memory_space<vmem>> -> memref<1x80xi32, #tpu.memory_space<vmem>>
      %dma_wait3A_333 = tpu.memref_squeeze %dma_wait3A_332 : memref<1x80xi32, #tpu.memory_space<vmem>> -> memref<80xi32, #tpu.memory_space<vmem>>
      %dma_wait3A_334 = arith.constant 0 : i32
      %dma_wait3A_335 = tpu.memref_slice %arg8[%dma_wait3A_334] : memref<10240xf32, #tpu.memory_space<vmem_shared>> -> memref<10240xf32, #tpu.memory_space<vmem_shared>>
      tpu.wait_indirect_dma semaphore(%arg7 : memref<!tpu.dma_semaphore, #tpu.memory_space<semaphore_mem>>) src(%arg6 : memref<80xf32, #tpu.memory_space<vmem>>) dst(%dma_wait3A_335 : memref<10240xf32, #tpu.memory_space<vmem_shared>>)
      %dma_wait3A_336 = arith.constant 23 : i32
      %dma_wait3A_337 = arith.constant 0 : i32
      %dma_wait3A_338 = tpu.memref_slice %arg5[%dma_wait3A_336, %dma_wait3A_337] : memref<25x80xi32, #tpu.memory_space<vmem>> -> memref<1x80xi32, #tpu.memory_space<vmem>>
      %dma_wait3A_339 = tpu.memref_squeeze %dma_wait3A_338 : memref<1x80xi32, #tpu.memory_space<vmem>> -> memref<80xi32, #tpu.memory_space<vmem>>
      %dma_wait3A_340 = arith.constant 0 : i32
      %dma_wait3A_341 = tpu.memref_slice %arg8[%dma_wait3A_340] : memref<10240xf32, #tpu.memory_space<vmem_shared>> -> memref<10240xf32, #tpu.memory_space<vmem_shared>>
      tpu.wait_indirect_dma semaphore(%arg7 : memref<!tpu.dma_semaphore, #tpu.memory_space<semaphore_mem>>) src(%arg6 : memref<80xf32, #tpu.memory_space<vmem>>) dst(%dma_wait3A_341 : memref<10240xf32, #tpu.memory_space<vmem_shared>>)
      %dma_wait3A_342 = arith.constant 24 : i32
      %dma_wait3A_343 = arith.constant 0 : i32
      %dma_wait3A_344 = tpu.memref_slice %arg5[%dma_wait3A_342, %dma_wait3A_343] : memref<25x80xi32, #tpu.memory_space<vmem>> -> memref<1x80xi32, #tpu.memory_space<vmem>>
      %dma_wait3A_345 = tpu.memref_squeeze %dma_wait3A_344 : memref<1x80xi32, #tpu.memory_space<vmem>> -> memref<80xi32, #tpu.memory_space<vmem>>
      %dma_wait3A_346 = arith.constant 0 : i32
      %dma_wait3A_347 = tpu.memref_slice %arg8[%dma_wait3A_346] : memref<10240xf32, #tpu.memory_space<vmem_shared>> -> memref<10240xf32, #tpu.memory_space<vmem_shared>>
      tpu.wait_indirect_dma semaphore(%arg7 : memref<!tpu.dma_semaphore, #tpu.memory_space<semaphore_mem>>) src(%arg6 : memref<80xf32, #tpu.memory_space<vmem>>) dst(%dma_wait3A_347 : memref<10240xf32, #tpu.memory_space<vmem_shared>>)
    }
    %scan3A_36 = arith.constant 5 : i32
    %barrier3A_37 = arith.constant 0 : index
    tpu.barrier barrier_id(%barrier3A_37)
    %mul3A_38 = arith.constant 640 : i32
    %mul3A_39 = arith.muli %arg1, %mul3A_38 : i32
    %mul3A_40 = arith.constant 10240 : i32
    %mul3A_41 = arith.muli %arg0, %mul3A_40 : i32
    %mul3A_42 = arith.constant 640 : i32
    %mul3A_43 = arith.muli %arg1, %mul3A_42 : i32
    %add3A_44 = arith.addi %mul3A_41, %mul3A_43 : i32
    "tpu.region"() ({
      %run_scoped3A = tpu.sem_alloc : memref<!tpu.dma_semaphore, #tpu.memory_space<semaphore_mem>>
      %dma_start3A = tpu.memref_slice %arg4[%add3A_44] : memref<20480xf32, #tpu.memory_space<hbm>> -> memref<640xf32, #tpu.memory_space<hbm>>
      %dma_start3A_45 = tpu.memref_slice %arg8[%mul3A_39] : memref<10240xf32, #tpu.memory_space<vmem_shared>> -> memref<640xf32, #tpu.memory_space<vmem_shared>>
      tpu.enqueue_dma source(%dma_start3A_45 : memref<640xf32, #tpu.memory_space<vmem_shared>>) target(%dma_start3A : memref<640xf32, #tpu.memory_space<hbm>>) target_semaphore(%run_scoped3A : memref<!tpu.dma_semaphore, #tpu.memory_space<semaphore_mem>>)
      %dma_wait3A = tpu.memref_slice %arg4[%add3A_44] : memref<20480xf32, #tpu.memory_space<hbm>> -> memref<640xf32, #tpu.memory_space<hbm>>
      %dma_wait3A_46 = tpu.memref_slice %arg8[%mul3A_39] : memref<10240xf32, #tpu.memory_space<vmem_shared>> -> memref<640xf32, #tpu.memory_space<vmem_shared>>
      tpu.wait_dma2 semaphore(%run_scoped3A : memref<!tpu.dma_semaphore, #tpu.memory_space<semaphore_mem>>) src(%dma_wait3A_46 : memref<640xf32, #tpu.memory_space<vmem_shared>>) dst(%dma_wait3A : memref<640xf32, #tpu.memory_space<hbm>>)
      tpu.yield
    }) : () -> ()
    return
  }
}

#map = affine_map<(d0, d1) -> (0, 0)>
#map1 = affine_map<(d0, d1) -> (0, 0, 0)>
module attributes {stable_mosaic.version = 14 : i64} {
  func.func @_sc_agg_body(%arg0: i32, %arg1: i32, %arg2: memref<10240x128xf32, #tpu.memory_space<hbm>>, %arg3: memref<32x10000xi32, #tpu.memory_space<hbm>>, %arg4: memref<32x125x80xi32, #tpu.memory_space<hbm>>, %arg5: memref<10240x128xf32, #tpu.memory_space<hbm>>, %arg6: memref<20480x128xf32, #tpu.memory_space<hbm>>, %arg7: memref<10000xi32, #tpu.memory_space<vmem>>, %arg8: memref<125x80xi32, #tpu.memory_space<vmem>>, %arg9: memref<160x128xf32, #tpu.memory_space<vmem>>, %arg10: memref<!tpu.dma_semaphore, #tpu.memory_space<semaphore_mem>>, %arg11: memref<!tpu.dma_semaphore, #tpu.memory_space<semaphore_mem>>, %arg12: memref<!tpu.dma_semaphore, #tpu.memory_space<semaphore_mem>>, %arg13: memref<10240x128xf32, #tpu.memory_space<vmem_shared>>) attributes {dimension_semantics = [#tpu.dimension_semantics<core_parallel>, #tpu.dimension_semantics<subcore_parallel>], iteration_bounds = array<i64: 2, 16>, scalar_prefetch = 0 : i64, scratch_operands = 7 : i64, tpu.core_type = #tpu.core_type<sc_vector_subcore>, window_params = [{transform_indices = #map}, {transform_indices = #map}, {transform_indices = #map1}, {transform_indices = #map}, {transform_indices = #map}]} {
    %mul3A = arith.constant 16 : i32
    %mul3A_0 = arith.muli %arg0, %mul3A : i32
    %add3A = arith.addi %mul3A_0, %arg1 : i32
    %mul3A_1 = arith.constant 640 : i32
    %mul3A_2 = arith.muli %arg1, %mul3A_1 : i32
    %mul3A_3 = arith.constant 640 : i32
    %mul3A_4 = arith.muli %arg1, %mul3A_3 : i32
    %dma_start3A = arith.constant 0 : i32
    %dma_start3A_5 = tpu.memref_slice %arg13[%mul3A_4, %dma_start3A] : memref<10240x128xf32, #tpu.memory_space<vmem_shared>> -> memref<640x128xf32, #tpu.memory_space<vmem_shared>>
    %dma_start3A_6 = arith.constant 0 : i32
    %dma_start3A_7 = tpu.memref_slice %arg5[%mul3A_2, %dma_start3A_6] : memref<10240x128xf32, #tpu.memory_space<hbm>> -> memref<640x128xf32, #tpu.memory_space<hbm>>
    tpu.enqueue_dma source(%dma_start3A_7 : memref<640x128xf32, #tpu.memory_space<hbm>>) target(%dma_start3A_5 : memref<640x128xf32, #tpu.memory_space<vmem_shared>>) target_semaphore(%arg12 : memref<!tpu.dma_semaphore, #tpu.memory_space<semaphore_mem>>)
    "tpu.region"() ({
      %run_scoped3A_51 = tpu.sem_alloc : memref<!tpu.dma_semaphore, #tpu.memory_space<semaphore_mem>>
      %dma_start3A_52 = arith.constant 0 : i32
      %dma_start3A_53 = tpu.memref_slice %arg3[%add3A, %dma_start3A_52] : memref<32x10000xi32, #tpu.memory_space<hbm>> -> memref<1x10000xi32, #tpu.memory_space<hbm>>
      %dma_start3A_54 = tpu.memref_squeeze %dma_start3A_53 : memref<1x10000xi32, #tpu.memory_space<hbm>> -> memref<10000xi32, #tpu.memory_space<hbm>>
      %dma_start3A_55 = arith.constant 0 : i32
      %dma_start3A_56 = tpu.memref_slice %arg3[%add3A, %dma_start3A_55] : memref<32x10000xi32, #tpu.memory_space<hbm>> -> memref<1x10000xi32, #tpu.memory_space<hbm>>
      %dma_start3A_57 = tpu.memref_squeeze %dma_start3A_56 : memref<1x10000xi32, #tpu.memory_space<hbm>> -> memref<10000xi32, #tpu.memory_space<hbm>>
      tpu.enqueue_dma source(%dma_start3A_57 : memref<10000xi32, #tpu.memory_space<hbm>>) target(%arg7 : memref<10000xi32, #tpu.memory_space<vmem>>) target_semaphore(%run_scoped3A_51 : memref<!tpu.dma_semaphore, #tpu.memory_space<semaphore_mem>>)
      %dma_wait3A_58 = arith.constant 0 : i32
      %dma_wait3A_59 = tpu.memref_slice %arg3[%add3A, %dma_wait3A_58] : memref<32x10000xi32, #tpu.memory_space<hbm>> -> memref<1x10000xi32, #tpu.memory_space<hbm>>
      %dma_wait3A_60 = tpu.memref_squeeze %dma_wait3A_59 : memref<1x10000xi32, #tpu.memory_space<hbm>> -> memref<10000xi32, #tpu.memory_space<hbm>>
      %dma_wait3A_61 = arith.constant 0 : i32
      %dma_wait3A_62 = tpu.memref_slice %arg3[%add3A, %dma_wait3A_61] : memref<32x10000xi32, #tpu.memory_space<hbm>> -> memref<1x10000xi32, #tpu.memory_space<hbm>>
      %dma_wait3A_63 = tpu.memref_squeeze %dma_wait3A_62 : memref<1x10000xi32, #tpu.memory_space<hbm>> -> memref<10000xi32, #tpu.memory_space<hbm>>
      tpu.wait_dma2 semaphore(%run_scoped3A_51 : memref<!tpu.dma_semaphore, #tpu.memory_space<semaphore_mem>>) src(%dma_wait3A_63 : memref<10000xi32, #tpu.memory_space<hbm>>) dst(%arg7 : memref<10000xi32, #tpu.memory_space<vmem>>)
      tpu.yield
    }) : () -> ()
    "tpu.region"() ({
      %run_scoped3A_51 = tpu.sem_alloc : memref<!tpu.dma_semaphore, #tpu.memory_space<semaphore_mem>>
      %dma_start3A_52 = arith.constant 0 : i32
      %dma_start3A_53 = arith.constant 0 : i32
      %dma_start3A_54 = tpu.memref_slice %arg4[%add3A, %dma_start3A_52, %dma_start3A_53] : memref<32x125x80xi32, #tpu.memory_space<hbm>> -> memref<1x125x80xi32, #tpu.memory_space<hbm>>
      %dma_start3A_55 = tpu.memref_squeeze %dma_start3A_54 : memref<1x125x80xi32, #tpu.memory_space<hbm>> -> memref<125x80xi32, #tpu.memory_space<hbm>>
      %dma_start3A_56 = arith.constant 0 : i32
      %dma_start3A_57 = arith.constant 0 : i32
      %dma_start3A_58 = tpu.memref_slice %arg4[%add3A, %dma_start3A_56, %dma_start3A_57] : memref<32x125x80xi32, #tpu.memory_space<hbm>> -> memref<1x125x80xi32, #tpu.memory_space<hbm>>
      %dma_start3A_59 = tpu.memref_squeeze %dma_start3A_58 : memref<1x125x80xi32, #tpu.memory_space<hbm>> -> memref<125x80xi32, #tpu.memory_space<hbm>>
      tpu.enqueue_dma source(%dma_start3A_59 : memref<125x80xi32, #tpu.memory_space<hbm>>) target(%arg8 : memref<125x80xi32, #tpu.memory_space<vmem>>) target_semaphore(%run_scoped3A_51 : memref<!tpu.dma_semaphore, #tpu.memory_space<semaphore_mem>>)
      %dma_wait3A_60 = arith.constant 0 : i32
      %dma_wait3A_61 = arith.constant 0 : i32
      %dma_wait3A_62 = tpu.memref_slice %arg4[%add3A, %dma_wait3A_60, %dma_wait3A_61] : memref<32x125x80xi32, #tpu.memory_space<hbm>> -> memref<1x125x80xi32, #tpu.memory_space<hbm>>
      %dma_wait3A_63 = tpu.memref_squeeze %dma_wait3A_62 : memref<1x125x80xi32, #tpu.memory_space<hbm>> -> memref<125x80xi32, #tpu.memory_space<hbm>>
      %dma_wait3A_64 = arith.constant 0 : i32
      %dma_wait3A_65 = arith.constant 0 : i32
      %dma_wait3A_66 = tpu.memref_slice %arg4[%add3A, %dma_wait3A_64, %dma_wait3A_65] : memref<32x125x80xi32, #tpu.memory_space<hbm>> -> memref<1x125x80xi32, #tpu.memory_space<hbm>>
      %dma_wait3A_67 = tpu.memref_squeeze %dma_wait3A_66 : memref<1x125x80xi32, #tpu.memory_space<hbm>> -> memref<125x80xi32, #tpu.memory_space<hbm>>
      tpu.wait_dma2 semaphore(%run_scoped3A_51 : memref<!tpu.dma_semaphore, #tpu.memory_space<semaphore_mem>>) src(%dma_wait3A_67 : memref<125x80xi32, #tpu.memory_space<hbm>>) dst(%arg8 : memref<125x80xi32, #tpu.memory_space<vmem>>)
      tpu.yield
    }) : () -> ()
    %dma_start3A_8 = arith.constant 0 : i32
    %dma_start3A_9 = arith.constant 0 : i32
    %dma_start3A_10 = tpu.memref_slice %arg9[%dma_start3A_8, %dma_start3A_9] : memref<160x128xf32, #tpu.memory_space<vmem>> -> memref<80x128xf32, #tpu.memory_space<vmem>>
    %dma_start3A_11 = arith.constant 0 : i32
    %dma_start3A_12 = tpu.memref_slice %arg7[%dma_start3A_11] : memref<10000xi32, #tpu.memory_space<vmem>> -> memref<80xi32, #tpu.memory_space<vmem>>
    %dma_start3A_13 = arith.constant 0 : i32
    %dma_start3A_14 = arith.constant 0 : i32
    %dma_start3A_15 = tpu.memref_slice %arg2[%dma_start3A_13, %dma_start3A_14] : memref<10240x128xf32, #tpu.memory_space<hbm>> -> memref<10240x128xf32, #tpu.memory_space<hbm>>
    tpu.enqueue_indirect_dma source(%dma_start3A_15 : memref<10240x128xf32, #tpu.memory_space<hbm>>) target(%dma_start3A_10 : memref<80x128xf32, #tpu.memory_space<vmem>>) offsets(%dma_start3A_12 : memref<80xi32, #tpu.memory_space<vmem>>) semaphore(%arg10 : memref<!tpu.dma_semaphore, #tpu.memory_space<semaphore_mem>>)
    %dma_start3A_16 = arith.constant 80 : i32
    %dma_start3A_17 = arith.constant 0 : i32
    %dma_start3A_18 = tpu.memref_slice %arg9[%dma_start3A_16, %dma_start3A_17] : memref<160x128xf32, #tpu.memory_space<vmem>> -> memref<80x128xf32, #tpu.memory_space<vmem>>
    %dma_start3A_19 = arith.constant 80 : i32
    %dma_start3A_20 = tpu.memref_slice %arg7[%dma_start3A_19] : memref<10000xi32, #tpu.memory_space<vmem>> -> memref<80xi32, #tpu.memory_space<vmem>>
    %dma_start3A_21 = arith.constant 0 : i32
    %dma_start3A_22 = arith.constant 0 : i32
    %dma_start3A_23 = tpu.memref_slice %arg2[%dma_start3A_21, %dma_start3A_22] : memref<10240x128xf32, #tpu.memory_space<hbm>> -> memref<10240x128xf32, #tpu.memory_space<hbm>>
    tpu.enqueue_indirect_dma source(%dma_start3A_23 : memref<10240x128xf32, #tpu.memory_space<hbm>>) target(%dma_start3A_18 : memref<80x128xf32, #tpu.memory_space<vmem>>) offsets(%dma_start3A_20 : memref<80xi32, #tpu.memory_space<vmem>>) semaphore(%arg11 : memref<!tpu.dma_semaphore, #tpu.memory_space<semaphore_mem>>)
    %mul3A_24 = arith.constant 640 : i32
    %mul3A_25 = arith.muli %arg1, %mul3A_24 : i32
    %mul3A_26 = arith.constant 640 : i32
    %mul3A_27 = arith.muli %arg1, %mul3A_26 : i32
    %dma_wait3A = arith.constant 0 : i32
    %dma_wait3A_28 = tpu.memref_slice %arg13[%mul3A_27, %dma_wait3A] : memref<10240x128xf32, #tpu.memory_space<vmem_shared>> -> memref<640x128xf32, #tpu.memory_space<vmem_shared>>
    %dma_wait3A_29 = arith.constant 0 : i32
    %dma_wait3A_30 = tpu.memref_slice %arg5[%mul3A_25, %dma_wait3A_29] : memref<10240x128xf32, #tpu.memory_space<hbm>> -> memref<640x128xf32, #tpu.memory_space<hbm>>
    tpu.wait_dma2 semaphore(%arg12 : memref<!tpu.dma_semaphore, #tpu.memory_space<semaphore_mem>>) src(%dma_wait3A_30 : memref<640x128xf32, #tpu.memory_space<hbm>>) dst(%dma_wait3A_28 : memref<640x128xf32, #tpu.memory_space<vmem_shared>>)
    %barrier3A = arith.constant 0 : index
    tpu.barrier barrier_id(%barrier3A)
    %scan3A = arith.constant 0 : i32
    %scan3A_31 = arith.constant 62 : i32
    %scan3A_32 = arith.addi %scan3A, %scan3A_31 : i32
    %scan3A_33 = arith.constant 1 : i32
    scf.for %scan3A_51 = %scan3A to %scan3A_32 step %scan3A_33  : i32 {
      %mul3A_52 = arith.constant 2 : i32
      %mul3A_53 = arith.muli %scan3A_51, %mul3A_52 : i32
      %add3A_54 = arith.constant 0 : i32
      %add3A_55 = arith.addi %add3A_54, %mul3A_53 : i32
      %mul3A_56 = arith.constant 80 : i32
      %mul3A_57 = arith.muli %add3A_55, %mul3A_56 : i32
      %dma_wait3A_58 = arith.constant 0 : i32
      %dma_wait3A_59 = arith.constant 0 : i32
      %dma_wait3A_60 = tpu.memref_slice %arg9[%dma_wait3A_58, %dma_wait3A_59] : memref<160x128xf32, #tpu.memory_space<vmem>> -> memref<80x128xf32, #tpu.memory_space<vmem>>
      %dma_wait3A_61 = tpu.memref_slice %arg7[%mul3A_57] : memref<10000xi32, #tpu.memory_space<vmem>> -> memref<80xi32, #tpu.memory_space<vmem>>
      %dma_wait3A_62 = arith.constant 0 : i32
      %dma_wait3A_63 = arith.constant 0 : i32
      %dma_wait3A_64 = tpu.memref_slice %arg2[%dma_wait3A_62, %dma_wait3A_63] : memref<10240x128xf32, #tpu.memory_space<hbm>> -> memref<10240x128xf32, #tpu.memory_space<hbm>>
      tpu.wait_indirect_dma semaphore(%arg10 : memref<!tpu.dma_semaphore, #tpu.memory_space<semaphore_mem>>) src(%dma_wait3A_64 : memref<10240x128xf32, #tpu.memory_space<hbm>>) dst(%dma_wait3A_60 : memref<80x128xf32, #tpu.memory_space<vmem>>)
      "tpu.region"() ({
        %run_scoped3A_93 = tpu.sem_alloc : memref<!tpu.dma_semaphore, #tpu.memory_space<semaphore_mem>>
        %dma_start3A_94 = arith.constant 0 : i32
        %dma_start3A_95 = arith.constant 0 : i32
        %dma_start3A_96 = tpu.memref_slice %arg9[%dma_start3A_94, %dma_start3A_95] : memref<160x128xf32, #tpu.memory_space<vmem>> -> memref<80x128xf32, #tpu.memory_space<vmem>>
        %dma_start3A_97 = arith.constant 0 : i32
        %dma_start3A_98 = tpu.memref_slice %arg8[%add3A_55, %dma_start3A_97] : memref<125x80xi32, #tpu.memory_space<vmem>> -> memref<1x80xi32, #tpu.memory_space<vmem>>
        %dma_start3A_99 = tpu.memref_squeeze %dma_start3A_98 : memref<1x80xi32, #tpu.memory_space<vmem>> -> memref<80xi32, #tpu.memory_space<vmem>>
        %dma_start3A_100 = arith.constant 0 : i32
        %dma_start3A_101 = arith.constant 0 : i32
        %dma_start3A_102 = tpu.memref_slice %arg13[%dma_start3A_100, %dma_start3A_101] : memref<10240x128xf32, #tpu.memory_space<vmem_shared>> -> memref<10240x128xf32, #tpu.memory_space<vmem_shared>>
        tpu.enqueue_indirect_dma source(%dma_start3A_96 : memref<80x128xf32, #tpu.memory_space<vmem>>) target(%dma_start3A_102 : memref<10240x128xf32, #tpu.memory_space<vmem_shared>>) offsets(%dma_start3A_99 : memref<80xi32, #tpu.memory_space<vmem>>) semaphore(%run_scoped3A_93 : memref<!tpu.dma_semaphore, #tpu.memory_space<semaphore_mem>>) {add = true}
        %dma_wait3A_103 = arith.constant 0 : i32
        %dma_wait3A_104 = arith.constant 0 : i32
        %dma_wait3A_105 = tpu.memref_slice %arg9[%dma_wait3A_103, %dma_wait3A_104] : memref<160x128xf32, #tpu.memory_space<vmem>> -> memref<80x128xf32, #tpu.memory_space<vmem>>
        %dma_wait3A_106 = arith.constant 0 : i32
        %dma_wait3A_107 = tpu.memref_slice %arg8[%add3A_55, %dma_wait3A_106] : memref<125x80xi32, #tpu.memory_space<vmem>> -> memref<1x80xi32, #tpu.memory_space<vmem>>
        %dma_wait3A_108 = tpu.memref_squeeze %dma_wait3A_107 : memref<1x80xi32, #tpu.memory_space<vmem>> -> memref<80xi32, #tpu.memory_space<vmem>>
        %dma_wait3A_109 = arith.constant 0 : i32
        %dma_wait3A_110 = arith.constant 0 : i32
        %dma_wait3A_111 = tpu.memref_slice %arg13[%dma_wait3A_109, %dma_wait3A_110] : memref<10240x128xf32, #tpu.memory_space<vmem_shared>> -> memref<10240x128xf32, #tpu.memory_space<vmem_shared>>
        tpu.wait_indirect_dma semaphore(%run_scoped3A_93 : memref<!tpu.dma_semaphore, #tpu.memory_space<semaphore_mem>>) src(%dma_wait3A_105 : memref<80x128xf32, #tpu.memory_space<vmem>>) dst(%dma_wait3A_111 : memref<10240x128xf32, #tpu.memory_space<vmem_shared>>)
        tpu.yield
      }) : () -> ()
      %add3A_65 = arith.constant 2 : i32
      %add3A_66 = arith.addi %add3A_55, %add3A_65 : i32
      %mul3A_67 = arith.constant 80 : i32
      %mul3A_68 = arith.muli %add3A_66, %mul3A_67 : i32
      %dma_start3A_69 = arith.constant 0 : i32
      %dma_start3A_70 = arith.constant 0 : i32
      %dma_start3A_71 = tpu.memref_slice %arg9[%dma_start3A_69, %dma_start3A_70] : memref<160x128xf32, #tpu.memory_space<vmem>> -> memref<80x128xf32, #tpu.memory_space<vmem>>
      %dma_start3A_72 = tpu.memref_slice %arg7[%mul3A_68] : memref<10000xi32, #tpu.memory_space<vmem>> -> memref<80xi32, #tpu.memory_space<vmem>>
      %dma_start3A_73 = arith.constant 0 : i32
      %dma_start3A_74 = arith.constant 0 : i32
      %dma_start3A_75 = tpu.memref_slice %arg2[%dma_start3A_73, %dma_start3A_74] : memref<10240x128xf32, #tpu.memory_space<hbm>> -> memref<10240x128xf32, #tpu.memory_space<hbm>>
      tpu.enqueue_indirect_dma source(%dma_start3A_75 : memref<10240x128xf32, #tpu.memory_space<hbm>>) target(%dma_start3A_71 : memref<80x128xf32, #tpu.memory_space<vmem>>) offsets(%dma_start3A_72 : memref<80xi32, #tpu.memory_space<vmem>>) semaphore(%arg10 : memref<!tpu.dma_semaphore, #tpu.memory_space<semaphore_mem>>)
      %add3A_76 = arith.constant 1 : i32
      %add3A_77 = arith.addi %add3A_55, %add3A_76 : i32
      %mul3A_78 = arith.constant 80 : i32
      %mul3A_79 = arith.muli %add3A_77, %mul3A_78 : i32
      %dma_wait3A_80 = arith.constant 80 : i32
      %dma_wait3A_81 = arith.constant 0 : i32
      %dma_wait3A_82 = tpu.memref_slice %arg9[%dma_wait3A_80, %dma_wait3A_81] : memref<160x128xf32, #tpu.memory_space<vmem>> -> memref<80x128xf32, #tpu.memory_space<vmem>>
      %dma_wait3A_83 = tpu.memref_slice %arg7[%mul3A_79] : memref<10000xi32, #tpu.memory_space<vmem>> -> memref<80xi32, #tpu.memory_space<vmem>>
      %dma_wait3A_84 = arith.constant 0 : i32
      %dma_wait3A_85 = arith.constant 0 : i32
      %dma_wait3A_86 = tpu.memref_slice %arg2[%dma_wait3A_84, %dma_wait3A_85] : memref<10240x128xf32, #tpu.memory_space<hbm>> -> memref<10240x128xf32, #tpu.memory_space<hbm>>
      tpu.wait_indirect_dma semaphore(%arg11 : memref<!tpu.dma_semaphore, #tpu.memory_space<semaphore_mem>>) src(%dma_wait3A_86 : memref<10240x128xf32, #tpu.memory_space<hbm>>) dst(%dma_wait3A_82 : memref<80x128xf32, #tpu.memory_space<vmem>>)
      %add3A_87 = arith.constant 1 : i32
      %add3A_88 = arith.addi %add3A_55, %add3A_87 : i32
      "tpu.region"() ({
        %run_scoped3A_93 = tpu.sem_alloc : memref<!tpu.dma_semaphore, #tpu.memory_space<semaphore_mem>>
        %dma_start3A_94 = arith.constant 80 : i32
        %dma_start3A_95 = arith.constant 0 : i32
        %dma_start3A_96 = tpu.memref_slice %arg9[%dma_start3A_94, %dma_start3A_95] : memref<160x128xf32, #tpu.memory_space<vmem>> -> memref<80x128xf32, #tpu.memory_space<vmem>>
        %dma_start3A_97 = arith.constant 0 : i32
        %dma_start3A_98 = tpu.memref_slice %arg8[%add3A_88, %dma_start3A_97] : memref<125x80xi32, #tpu.memory_space<vmem>> -> memref<1x80xi32, #tpu.memory_space<vmem>>
        %dma_start3A_99 = tpu.memref_squeeze %dma_start3A_98 : memref<1x80xi32, #tpu.memory_space<vmem>> -> memref<80xi32, #tpu.memory_space<vmem>>
        %dma_start3A_100 = arith.constant 0 : i32
        %dma_start3A_101 = arith.constant 0 : i32
        %dma_start3A_102 = tpu.memref_slice %arg13[%dma_start3A_100, %dma_start3A_101] : memref<10240x128xf32, #tpu.memory_space<vmem_shared>> -> memref<10240x128xf32, #tpu.memory_space<vmem_shared>>
        tpu.enqueue_indirect_dma source(%dma_start3A_96 : memref<80x128xf32, #tpu.memory_space<vmem>>) target(%dma_start3A_102 : memref<10240x128xf32, #tpu.memory_space<vmem_shared>>) offsets(%dma_start3A_99 : memref<80xi32, #tpu.memory_space<vmem>>) semaphore(%run_scoped3A_93 : memref<!tpu.dma_semaphore, #tpu.memory_space<semaphore_mem>>) {add = true}
        %dma_wait3A_103 = arith.constant 80 : i32
        %dma_wait3A_104 = arith.constant 0 : i32
        %dma_wait3A_105 = tpu.memref_slice %arg9[%dma_wait3A_103, %dma_wait3A_104] : memref<160x128xf32, #tpu.memory_space<vmem>> -> memref<80x128xf32, #tpu.memory_space<vmem>>
        %dma_wait3A_106 = arith.constant 0 : i32
        %dma_wait3A_107 = tpu.memref_slice %arg8[%add3A_88, %dma_wait3A_106] : memref<125x80xi32, #tpu.memory_space<vmem>> -> memref<1x80xi32, #tpu.memory_space<vmem>>
        %dma_wait3A_108 = tpu.memref_squeeze %dma_wait3A_107 : memref<1x80xi32, #tpu.memory_space<vmem>> -> memref<80xi32, #tpu.memory_space<vmem>>
        %dma_wait3A_109 = arith.constant 0 : i32
        %dma_wait3A_110 = arith.constant 0 : i32
        %dma_wait3A_111 = tpu.memref_slice %arg13[%dma_wait3A_109, %dma_wait3A_110] : memref<10240x128xf32, #tpu.memory_space<vmem_shared>> -> memref<10240x128xf32, #tpu.memory_space<vmem_shared>>
        tpu.wait_indirect_dma semaphore(%run_scoped3A_93 : memref<!tpu.dma_semaphore, #tpu.memory_space<semaphore_mem>>) src(%dma_wait3A_105 : memref<80x128xf32, #tpu.memory_space<vmem>>) dst(%dma_wait3A_111 : memref<10240x128xf32, #tpu.memory_space<vmem_shared>>)
        tpu.yield
      }) : () -> ()
      %add3A_89 = arith.constant 3 : i32
      %add3A_90 = arith.addi %add3A_55, %add3A_89 : i32
      %lt3A = arith.constant 125 : i32
      %lt3A_91 = arith.cmpi slt, %add3A_90, %lt3A : i32
      %convert_element_type3A = arith.extui %lt3A_91 : i1 to i32
      %cond3A = arith.constant 0 : i32
      %cond3A_92 = arith.cmpi ne, %convert_element_type3A, %cond3A : i32
      scf.if %cond3A_92 {
        %add3A_93 = arith.constant 3 : i32
        %add3A_94 = arith.addi %add3A_55, %add3A_93 : i32
        %mul3A_95 = arith.constant 80 : i32
        %mul3A_96 = arith.muli %add3A_94, %mul3A_95 : i32
        %dma_start3A_97 = arith.constant 80 : i32
        %dma_start3A_98 = arith.constant 0 : i32
        %dma_start3A_99 = tpu.memref_slice %arg9[%dma_start3A_97, %dma_start3A_98] : memref<160x128xf32, #tpu.memory_space<vmem>> -> memref<80x128xf32, #tpu.memory_space<vmem>>
        %dma_start3A_100 = tpu.memref_slice %arg7[%mul3A_96] : memref<10000xi32, #tpu.memory_space<vmem>> -> memref<80xi32, #tpu.memory_space<vmem>>
        %dma_start3A_101 = arith.constant 0 : i32
        %dma_start3A_102 = arith.constant 0 : i32
        %dma_start3A_103 = tpu.memref_slice %arg2[%dma_start3A_101, %dma_start3A_102] : memref<10240x128xf32, #tpu.memory_space<hbm>> -> memref<10240x128xf32, #tpu.memory_space<hbm>>
        tpu.enqueue_indirect_dma source(%dma_start3A_103 : memref<10240x128xf32, #tpu.memory_space<hbm>>) target(%dma_start3A_99 : memref<80x128xf32, #tpu.memory_space<vmem>>) offsets(%dma_start3A_100 : memref<80xi32, #tpu.memory_space<vmem>>) semaphore(%arg11 : memref<!tpu.dma_semaphore, #tpu.memory_space<semaphore_mem>>)
      } else {
      }
    }
    %scan3A_34 = arith.constant 62 : i32
    %dma_wait3A_35 = arith.constant 0 : i32
    %dma_wait3A_36 = arith.constant 0 : i32
    %dma_wait3A_37 = tpu.memref_slice %arg9[%dma_wait3A_35, %dma_wait3A_36] : memref<160x128xf32, #tpu.memory_space<vmem>> -> memref<80x128xf32, #tpu.memory_space<vmem>>
    %dma_wait3A_38 = arith.constant 9920 : i32
    %dma_wait3A_39 = tpu.memref_slice %arg7[%dma_wait3A_38] : memref<10000xi32, #tpu.memory_space<vmem>> -> memref<80xi32, #tpu.memory_space<vmem>>
    %dma_wait3A_40 = arith.constant 0 : i32
    %dma_wait3A_41 = arith.constant 0 : i32
    %dma_wait3A_42 = tpu.memref_slice %arg2[%dma_wait3A_40, %dma_wait3A_41] : memref<10240x128xf32, #tpu.memory_space<hbm>> -> memref<10240x128xf32, #tpu.memory_space<hbm>>
    tpu.wait_indirect_dma semaphore(%arg10 : memref<!tpu.dma_semaphore, #tpu.memory_space<semaphore_mem>>) src(%dma_wait3A_42 : memref<10240x128xf32, #tpu.memory_space<hbm>>) dst(%dma_wait3A_37 : memref<80x128xf32, #tpu.memory_space<vmem>>)
    %run_scoped3A = arith.constant 124 : i32
    "tpu.region"() ({
      %run_scoped3A_51 = tpu.sem_alloc : memref<!tpu.dma_semaphore, #tpu.memory_space<semaphore_mem>>
      %dma_start3A_52 = arith.constant 0 : i32
      %dma_start3A_53 = arith.constant 0 : i32
      %dma_start3A_54 = tpu.memref_slice %arg9[%dma_start3A_52, %dma_start3A_53] : memref<160x128xf32, #tpu.memory_space<vmem>> -> memref<80x128xf32, #tpu.memory_space<vmem>>
      %dma_start3A_55 = arith.constant 0 : i32
      %dma_start3A_56 = tpu.memref_slice %arg8[%run_scoped3A, %dma_start3A_55] : memref<125x80xi32, #tpu.memory_space<vmem>> -> memref<1x80xi32, #tpu.memory_space<vmem>>
      %dma_start3A_57 = tpu.memref_squeeze %dma_start3A_56 : memref<1x80xi32, #tpu.memory_space<vmem>> -> memref<80xi32, #tpu.memory_space<vmem>>
      %dma_start3A_58 = arith.constant 0 : i32
      %dma_start3A_59 = arith.constant 0 : i32
      %dma_start3A_60 = tpu.memref_slice %arg13[%dma_start3A_58, %dma_start3A_59] : memref<10240x128xf32, #tpu.memory_space<vmem_shared>> -> memref<10240x128xf32, #tpu.memory_space<vmem_shared>>
      tpu.enqueue_indirect_dma source(%dma_start3A_54 : memref<80x128xf32, #tpu.memory_space<vmem>>) target(%dma_start3A_60 : memref<10240x128xf32, #tpu.memory_space<vmem_shared>>) offsets(%dma_start3A_57 : memref<80xi32, #tpu.memory_space<vmem>>) semaphore(%run_scoped3A_51 : memref<!tpu.dma_semaphore, #tpu.memory_space<semaphore_mem>>) {add = true}
      %dma_wait3A_61 = arith.constant 0 : i32
      %dma_wait3A_62 = arith.constant 0 : i32
      %dma_wait3A_63 = tpu.memref_slice %arg9[%dma_wait3A_61, %dma_wait3A_62] : memref<160x128xf32, #tpu.memory_space<vmem>> -> memref<80x128xf32, #tpu.memory_space<vmem>>
      %dma_wait3A_64 = arith.constant 0 : i32
      %dma_wait3A_65 = tpu.memref_slice %arg8[%run_scoped3A, %dma_wait3A_64] : memref<125x80xi32, #tpu.memory_space<vmem>> -> memref<1x80xi32, #tpu.memory_space<vmem>>
      %dma_wait3A_66 = tpu.memref_squeeze %dma_wait3A_65 : memref<1x80xi32, #tpu.memory_space<vmem>> -> memref<80xi32, #tpu.memory_space<vmem>>
      %dma_wait3A_67 = arith.constant 0 : i32
      %dma_wait3A_68 = arith.constant 0 : i32
      %dma_wait3A_69 = tpu.memref_slice %arg13[%dma_wait3A_67, %dma_wait3A_68] : memref<10240x128xf32, #tpu.memory_space<vmem_shared>> -> memref<10240x128xf32, #tpu.memory_space<vmem_shared>>
      tpu.wait_indirect_dma semaphore(%run_scoped3A_51 : memref<!tpu.dma_semaphore, #tpu.memory_space<semaphore_mem>>) src(%dma_wait3A_63 : memref<80x128xf32, #tpu.memory_space<vmem>>) dst(%dma_wait3A_69 : memref<10240x128xf32, #tpu.memory_space<vmem_shared>>)
      tpu.yield
    }) : () -> ()
    %barrier3A_43 = arith.constant 0 : index
    tpu.barrier barrier_id(%barrier3A_43)
    %mul3A_44 = arith.constant 640 : i32
    %mul3A_45 = arith.muli %arg1, %mul3A_44 : i32
    %mul3A_46 = arith.constant 10240 : i32
    %mul3A_47 = arith.muli %arg0, %mul3A_46 : i32
    %mul3A_48 = arith.constant 640 : i32
    %mul3A_49 = arith.muli %arg1, %mul3A_48 : i32
    %add3A_50 = arith.addi %mul3A_47, %mul3A_49 : i32
    "tpu.region"() ({
      %run_scoped3A_51 = tpu.sem_alloc : memref<!tpu.dma_semaphore, #tpu.memory_space<semaphore_mem>>
      %dma_start3A_52 = arith.constant 0 : i32
      %dma_start3A_53 = tpu.memref_slice %arg6[%add3A_50, %dma_start3A_52] : memref<20480x128xf32, #tpu.memory_space<hbm>> -> memref<640x128xf32, #tpu.memory_space<hbm>>
      %dma_start3A_54 = arith.constant 0 : i32
      %dma_start3A_55 = tpu.memref_slice %arg13[%mul3A_45, %dma_start3A_54] : memref<10240x128xf32, #tpu.memory_space<vmem_shared>> -> memref<640x128xf32, #tpu.memory_space<vmem_shared>>
      tpu.enqueue_dma source(%dma_start3A_55 : memref<640x128xf32, #tpu.memory_space<vmem_shared>>) target(%dma_start3A_53 : memref<640x128xf32, #tpu.memory_space<hbm>>) target_semaphore(%run_scoped3A_51 : memref<!tpu.dma_semaphore, #tpu.memory_space<semaphore_mem>>)
      %dma_wait3A_56 = arith.constant 0 : i32
      %dma_wait3A_57 = tpu.memref_slice %arg6[%add3A_50, %dma_wait3A_56] : memref<20480x128xf32, #tpu.memory_space<hbm>> -> memref<640x128xf32, #tpu.memory_space<hbm>>
      %dma_wait3A_58 = arith.constant 0 : i32
      %dma_wait3A_59 = tpu.memref_slice %arg13[%mul3A_45, %dma_wait3A_58] : memref<10240x128xf32, #tpu.memory_space<vmem_shared>> -> memref<640x128xf32, #tpu.memory_space<vmem_shared>>
      tpu.wait_dma2 semaphore(%run_scoped3A_51 : memref<!tpu.dma_semaphore, #tpu.memory_space<semaphore_mem>>) src(%dma_wait3A_59 : memref<640x128xf32, #tpu.memory_space<vmem_shared>>) dst(%dma_wait3A_57 : memref<640x128xf32, #tpu.memory_space<hbm>>)
      tpu.yield
    }) : () -> ()
    return
  }
}

#map = affine_map<(d0, d1) -> (0, 0)>
#map1 = affine_map<(d0, d1) -> (0, 0, 0)>
module attributes {stable_mosaic.version = 14 : i64} {
  func.func @_sc_agg_body(%arg0: i32, %arg1: i32, %arg2: memref<10240x128xf32, #tpu.memory_space<hbm>>, %arg3: memref<32x10000xi32, #tpu.memory_space<hbm>>, %arg4: memref<32x125x80xi32, #tpu.memory_space<hbm>>, %arg5: memref<10240x128xf32, #tpu.memory_space<hbm>>, %arg6: memref<20480x128xf32, #tpu.memory_space<hbm>>, %arg7: memref<10000xi32, #tpu.memory_space<vmem>>, %arg8: memref<125x80xi32, #tpu.memory_space<vmem>>, %arg9: memref<160x128xf32, #tpu.memory_space<vmem>>, %arg10: memref<!tpu.dma_semaphore, #tpu.memory_space<semaphore_mem>>, %arg11: memref<!tpu.dma_semaphore, #tpu.memory_space<semaphore_mem>>, %arg12: memref<!tpu.dma_semaphore, #tpu.memory_space<semaphore_mem>>, %arg13: memref<10240x128xf32, #tpu.memory_space<vmem_shared>>) attributes {dimension_semantics = [#tpu.dimension_semantics<core_parallel>, #tpu.dimension_semantics<subcore_parallel>], iteration_bounds = array<i64: 2, 16>, scalar_prefetch = 0 : i64, scratch_operands = 7 : i64, tpu.core_type = #tpu.core_type<sc_vector_subcore>, window_params = [{transform_indices = #map}, {transform_indices = #map}, {transform_indices = #map1}, {transform_indices = #map}, {transform_indices = #map}]} {
    %mul3A = arith.constant 16 : i32
    %mul3A_0 = arith.muli %arg0, %mul3A : i32
    %add3A = arith.addi %mul3A_0, %arg1 : i32
    %mul3A_1 = arith.constant 640 : i32
    %mul3A_2 = arith.muli %arg1, %mul3A_1 : i32
    %mul3A_3 = arith.constant 640 : i32
    %mul3A_4 = arith.muli %arg1, %mul3A_3 : i32
    %dma_start3A = arith.constant 0 : i32
    %dma_start3A_5 = tpu.memref_slice %arg13[%mul3A_4, %dma_start3A] : memref<10240x128xf32, #tpu.memory_space<vmem_shared>> -> memref<640x128xf32, #tpu.memory_space<vmem_shared>>
    %dma_start3A_6 = arith.constant 0 : i32
    %dma_start3A_7 = tpu.memref_slice %arg5[%mul3A_2, %dma_start3A_6] : memref<10240x128xf32, #tpu.memory_space<hbm>> -> memref<640x128xf32, #tpu.memory_space<hbm>>
    tpu.enqueue_dma source(%dma_start3A_7 : memref<640x128xf32, #tpu.memory_space<hbm>>) target(%dma_start3A_5 : memref<640x128xf32, #tpu.memory_space<vmem_shared>>) target_semaphore(%arg12 : memref<!tpu.dma_semaphore, #tpu.memory_space<semaphore_mem>>)
    "tpu.region"() ({
      %run_scoped3A_51 = tpu.sem_alloc : memref<!tpu.dma_semaphore, #tpu.memory_space<semaphore_mem>>
      %dma_start3A_52 = arith.constant 0 : i32
      %dma_start3A_53 = tpu.memref_slice %arg3[%add3A, %dma_start3A_52] : memref<32x10000xi32, #tpu.memory_space<hbm>> -> memref<1x10000xi32, #tpu.memory_space<hbm>>
      %dma_start3A_54 = tpu.memref_squeeze %dma_start3A_53 : memref<1x10000xi32, #tpu.memory_space<hbm>> -> memref<10000xi32, #tpu.memory_space<hbm>>
      %dma_start3A_55 = arith.constant 0 : i32
      %dma_start3A_56 = tpu.memref_slice %arg3[%add3A, %dma_start3A_55] : memref<32x10000xi32, #tpu.memory_space<hbm>> -> memref<1x10000xi32, #tpu.memory_space<hbm>>
      %dma_start3A_57 = tpu.memref_squeeze %dma_start3A_56 : memref<1x10000xi32, #tpu.memory_space<hbm>> -> memref<10000xi32, #tpu.memory_space<hbm>>
      tpu.enqueue_dma source(%dma_start3A_57 : memref<10000xi32, #tpu.memory_space<hbm>>) target(%arg7 : memref<10000xi32, #tpu.memory_space<vmem>>) target_semaphore(%run_scoped3A_51 : memref<!tpu.dma_semaphore, #tpu.memory_space<semaphore_mem>>)
      %dma_wait3A_58 = arith.constant 0 : i32
      %dma_wait3A_59 = tpu.memref_slice %arg3[%add3A, %dma_wait3A_58] : memref<32x10000xi32, #tpu.memory_space<hbm>> -> memref<1x10000xi32, #tpu.memory_space<hbm>>
      %dma_wait3A_60 = tpu.memref_squeeze %dma_wait3A_59 : memref<1x10000xi32, #tpu.memory_space<hbm>> -> memref<10000xi32, #tpu.memory_space<hbm>>
      %dma_wait3A_61 = arith.constant 0 : i32
      %dma_wait3A_62 = tpu.memref_slice %arg3[%add3A, %dma_wait3A_61] : memref<32x10000xi32, #tpu.memory_space<hbm>> -> memref<1x10000xi32, #tpu.memory_space<hbm>>
      %dma_wait3A_63 = tpu.memref_squeeze %dma_wait3A_62 : memref<1x10000xi32, #tpu.memory_space<hbm>> -> memref<10000xi32, #tpu.memory_space<hbm>>
      tpu.wait_dma2 semaphore(%run_scoped3A_51 : memref<!tpu.dma_semaphore, #tpu.memory_space<semaphore_mem>>) src(%dma_wait3A_63 : memref<10000xi32, #tpu.memory_space<hbm>>) dst(%arg7 : memref<10000xi32, #tpu.memory_space<vmem>>)
      tpu.yield
    }) : () -> ()
    "tpu.region"() ({
      %run_scoped3A_51 = tpu.sem_alloc : memref<!tpu.dma_semaphore, #tpu.memory_space<semaphore_mem>>
      %dma_start3A_52 = arith.constant 0 : i32
      %dma_start3A_53 = arith.constant 0 : i32
      %dma_start3A_54 = tpu.memref_slice %arg4[%add3A, %dma_start3A_52, %dma_start3A_53] : memref<32x125x80xi32, #tpu.memory_space<hbm>> -> memref<1x125x80xi32, #tpu.memory_space<hbm>>
      %dma_start3A_55 = tpu.memref_squeeze %dma_start3A_54 : memref<1x125x80xi32, #tpu.memory_space<hbm>> -> memref<125x80xi32, #tpu.memory_space<hbm>>
      %dma_start3A_56 = arith.constant 0 : i32
      %dma_start3A_57 = arith.constant 0 : i32
      %dma_start3A_58 = tpu.memref_slice %arg4[%add3A, %dma_start3A_56, %dma_start3A_57] : memref<32x125x80xi32, #tpu.memory_space<hbm>> -> memref<1x125x80xi32, #tpu.memory_space<hbm>>
      %dma_start3A_59 = tpu.memref_squeeze %dma_start3A_58 : memref<1x125x80xi32, #tpu.memory_space<hbm>> -> memref<125x80xi32, #tpu.memory_space<hbm>>
      tpu.enqueue_dma source(%dma_start3A_59 : memref<125x80xi32, #tpu.memory_space<hbm>>) target(%arg8 : memref<125x80xi32, #tpu.memory_space<vmem>>) target_semaphore(%run_scoped3A_51 : memref<!tpu.dma_semaphore, #tpu.memory_space<semaphore_mem>>)
      %dma_wait3A_60 = arith.constant 0 : i32
      %dma_wait3A_61 = arith.constant 0 : i32
      %dma_wait3A_62 = tpu.memref_slice %arg4[%add3A, %dma_wait3A_60, %dma_wait3A_61] : memref<32x125x80xi32, #tpu.memory_space<hbm>> -> memref<1x125x80xi32, #tpu.memory_space<hbm>>
      %dma_wait3A_63 = tpu.memref_squeeze %dma_wait3A_62 : memref<1x125x80xi32, #tpu.memory_space<hbm>> -> memref<125x80xi32, #tpu.memory_space<hbm>>
      %dma_wait3A_64 = arith.constant 0 : i32
      %dma_wait3A_65 = arith.constant 0 : i32
      %dma_wait3A_66 = tpu.memref_slice %arg4[%add3A, %dma_wait3A_64, %dma_wait3A_65] : memref<32x125x80xi32, #tpu.memory_space<hbm>> -> memref<1x125x80xi32, #tpu.memory_space<hbm>>
      %dma_wait3A_67 = tpu.memref_squeeze %dma_wait3A_66 : memref<1x125x80xi32, #tpu.memory_space<hbm>> -> memref<125x80xi32, #tpu.memory_space<hbm>>
      tpu.wait_dma2 semaphore(%run_scoped3A_51 : memref<!tpu.dma_semaphore, #tpu.memory_space<semaphore_mem>>) src(%dma_wait3A_67 : memref<125x80xi32, #tpu.memory_space<hbm>>) dst(%arg8 : memref<125x80xi32, #tpu.memory_space<vmem>>)
      tpu.yield
    }) : () -> ()
    %dma_start3A_8 = arith.constant 0 : i32
    %dma_start3A_9 = arith.constant 0 : i32
    %dma_start3A_10 = tpu.memref_slice %arg9[%dma_start3A_8, %dma_start3A_9] : memref<160x128xf32, #tpu.memory_space<vmem>> -> memref<80x128xf32, #tpu.memory_space<vmem>>
    %dma_start3A_11 = arith.constant 0 : i32
    %dma_start3A_12 = tpu.memref_slice %arg7[%dma_start3A_11] : memref<10000xi32, #tpu.memory_space<vmem>> -> memref<80xi32, #tpu.memory_space<vmem>>
    %dma_start3A_13 = arith.constant 0 : i32
    %dma_start3A_14 = arith.constant 0 : i32
    %dma_start3A_15 = tpu.memref_slice %arg2[%dma_start3A_13, %dma_start3A_14] : memref<10240x128xf32, #tpu.memory_space<hbm>> -> memref<10240x128xf32, #tpu.memory_space<hbm>>
    tpu.enqueue_indirect_dma source(%dma_start3A_15 : memref<10240x128xf32, #tpu.memory_space<hbm>>) target(%dma_start3A_10 : memref<80x128xf32, #tpu.memory_space<vmem>>) offsets(%dma_start3A_12 : memref<80xi32, #tpu.memory_space<vmem>>) semaphore(%arg10 : memref<!tpu.dma_semaphore, #tpu.memory_space<semaphore_mem>>)
    %dma_start3A_16 = arith.constant 80 : i32
    %dma_start3A_17 = arith.constant 0 : i32
    %dma_start3A_18 = tpu.memref_slice %arg9[%dma_start3A_16, %dma_start3A_17] : memref<160x128xf32, #tpu.memory_space<vmem>> -> memref<80x128xf32, #tpu.memory_space<vmem>>
    %dma_start3A_19 = arith.constant 80 : i32
    %dma_start3A_20 = tpu.memref_slice %arg7[%dma_start3A_19] : memref<10000xi32, #tpu.memory_space<vmem>> -> memref<80xi32, #tpu.memory_space<vmem>>
    %dma_start3A_21 = arith.constant 0 : i32
    %dma_start3A_22 = arith.constant 0 : i32
    %dma_start3A_23 = tpu.memref_slice %arg2[%dma_start3A_21, %dma_start3A_22] : memref<10240x128xf32, #tpu.memory_space<hbm>> -> memref<10240x128xf32, #tpu.memory_space<hbm>>
    tpu.enqueue_indirect_dma source(%dma_start3A_23 : memref<10240x128xf32, #tpu.memory_space<hbm>>) target(%dma_start3A_18 : memref<80x128xf32, #tpu.memory_space<vmem>>) offsets(%dma_start3A_20 : memref<80xi32, #tpu.memory_space<vmem>>) semaphore(%arg11 : memref<!tpu.dma_semaphore, #tpu.memory_space<semaphore_mem>>)
    %mul3A_24 = arith.constant 640 : i32
    %mul3A_25 = arith.muli %arg1, %mul3A_24 : i32
    %mul3A_26 = arith.constant 640 : i32
    %mul3A_27 = arith.muli %arg1, %mul3A_26 : i32
    %dma_wait3A = arith.constant 0 : i32
    %dma_wait3A_28 = tpu.memref_slice %arg13[%mul3A_27, %dma_wait3A] : memref<10240x128xf32, #tpu.memory_space<vmem_shared>> -> memref<640x128xf32, #tpu.memory_space<vmem_shared>>
    %dma_wait3A_29 = arith.constant 0 : i32
    %dma_wait3A_30 = tpu.memref_slice %arg5[%mul3A_25, %dma_wait3A_29] : memref<10240x128xf32, #tpu.memory_space<hbm>> -> memref<640x128xf32, #tpu.memory_space<hbm>>
    tpu.wait_dma2 semaphore(%arg12 : memref<!tpu.dma_semaphore, #tpu.memory_space<semaphore_mem>>) src(%dma_wait3A_30 : memref<640x128xf32, #tpu.memory_space<hbm>>) dst(%dma_wait3A_28 : memref<640x128xf32, #tpu.memory_space<vmem_shared>>)
    %barrier3A = arith.constant 0 : index
    tpu.barrier barrier_id(%barrier3A)
    %scan3A = arith.constant 0 : i32
    %scan3A_31 = arith.constant 62 : i32
    %scan3A_32 = arith.addi %scan3A, %scan3A_31 : i32
    %scan3A_33 = arith.constant 1 : i32
    scf.for %scan3A_51 = %scan3A to %scan3A_32 step %scan3A_33  : i32 {
      %mul3A_52 = arith.constant 2 : i32
      %mul3A_53 = arith.muli %scan3A_51, %mul3A_52 : i32
      %add3A_54 = arith.constant 0 : i32
      %add3A_55 = arith.addi %add3A_54, %mul3A_53 : i32
      %mul3A_56 = arith.constant 80 : i32
      %mul3A_57 = arith.muli %add3A_55, %mul3A_56 : i32
      %dma_wait3A_58 = arith.constant 0 : i32
      %dma_wait3A_59 = arith.constant 0 : i32
      %dma_wait3A_60 = tpu.memref_slice %arg9[%dma_wait3A_58, %dma_wait3A_59] : memref<160x128xf32, #tpu.memory_space<vmem>> -> memref<80x128xf32, #tpu.memory_space<vmem>>
      %dma_wait3A_61 = tpu.memref_slice %arg7[%mul3A_57] : memref<10000xi32, #tpu.memory_space<vmem>> -> memref<80xi32, #tpu.memory_space<vmem>>
      %dma_wait3A_62 = arith.constant 0 : i32
      %dma_wait3A_63 = arith.constant 0 : i32
      %dma_wait3A_64 = tpu.memref_slice %arg2[%dma_wait3A_62, %dma_wait3A_63] : memref<10240x128xf32, #tpu.memory_space<hbm>> -> memref<10240x128xf32, #tpu.memory_space<hbm>>
      tpu.wait_indirect_dma semaphore(%arg10 : memref<!tpu.dma_semaphore, #tpu.memory_space<semaphore_mem>>) src(%dma_wait3A_64 : memref<10240x128xf32, #tpu.memory_space<hbm>>) dst(%dma_wait3A_60 : memref<80x128xf32, #tpu.memory_space<vmem>>)
      "tpu.region"() ({
        %run_scoped3A_93 = tpu.sem_alloc : memref<!tpu.dma_semaphore, #tpu.memory_space<semaphore_mem>>
        %dma_start3A_94 = arith.constant 0 : i32
        %dma_start3A_95 = arith.constant 0 : i32
        %dma_start3A_96 = tpu.memref_slice %arg9[%dma_start3A_94, %dma_start3A_95] : memref<160x128xf32, #tpu.memory_space<vmem>> -> memref<80x128xf32, #tpu.memory_space<vmem>>
        %dma_start3A_97 = arith.constant 0 : i32
        %dma_start3A_98 = tpu.memref_slice %arg8[%add3A_55, %dma_start3A_97] : memref<125x80xi32, #tpu.memory_space<vmem>> -> memref<1x80xi32, #tpu.memory_space<vmem>>
        %dma_start3A_99 = tpu.memref_squeeze %dma_start3A_98 : memref<1x80xi32, #tpu.memory_space<vmem>> -> memref<80xi32, #tpu.memory_space<vmem>>
        %dma_start3A_100 = arith.constant 0 : i32
        %dma_start3A_101 = arith.constant 0 : i32
        %dma_start3A_102 = tpu.memref_slice %arg13[%dma_start3A_100, %dma_start3A_101] : memref<10240x128xf32, #tpu.memory_space<vmem_shared>> -> memref<10240x128xf32, #tpu.memory_space<vmem_shared>>
        tpu.enqueue_indirect_dma source(%dma_start3A_96 : memref<80x128xf32, #tpu.memory_space<vmem>>) target(%dma_start3A_102 : memref<10240x128xf32, #tpu.memory_space<vmem_shared>>) offsets(%dma_start3A_99 : memref<80xi32, #tpu.memory_space<vmem>>) semaphore(%run_scoped3A_93 : memref<!tpu.dma_semaphore, #tpu.memory_space<semaphore_mem>>) {add = true}
        %dma_wait3A_103 = arith.constant 0 : i32
        %dma_wait3A_104 = arith.constant 0 : i32
        %dma_wait3A_105 = tpu.memref_slice %arg9[%dma_wait3A_103, %dma_wait3A_104] : memref<160x128xf32, #tpu.memory_space<vmem>> -> memref<80x128xf32, #tpu.memory_space<vmem>>
        %dma_wait3A_106 = arith.constant 0 : i32
        %dma_wait3A_107 = tpu.memref_slice %arg8[%add3A_55, %dma_wait3A_106] : memref<125x80xi32, #tpu.memory_space<vmem>> -> memref<1x80xi32, #tpu.memory_space<vmem>>
        %dma_wait3A_108 = tpu.memref_squeeze %dma_wait3A_107 : memref<1x80xi32, #tpu.memory_space<vmem>> -> memref<80xi32, #tpu.memory_space<vmem>>
        %dma_wait3A_109 = arith.constant 0 : i32
        %dma_wait3A_110 = arith.constant 0 : i32
        %dma_wait3A_111 = tpu.memref_slice %arg13[%dma_wait3A_109, %dma_wait3A_110] : memref<10240x128xf32, #tpu.memory_space<vmem_shared>> -> memref<10240x128xf32, #tpu.memory_space<vmem_shared>>
        tpu.wait_indirect_dma semaphore(%run_scoped3A_93 : memref<!tpu.dma_semaphore, #tpu.memory_space<semaphore_mem>>) src(%dma_wait3A_105 : memref<80x128xf32, #tpu.memory_space<vmem>>) dst(%dma_wait3A_111 : memref<10240x128xf32, #tpu.memory_space<vmem_shared>>)
        tpu.yield
      }) : () -> ()
      %add3A_65 = arith.constant 2 : i32
      %add3A_66 = arith.addi %add3A_55, %add3A_65 : i32
      %mul3A_67 = arith.constant 80 : i32
      %mul3A_68 = arith.muli %add3A_66, %mul3A_67 : i32
      %dma_start3A_69 = arith.constant 0 : i32
      %dma_start3A_70 = arith.constant 0 : i32
      %dma_start3A_71 = tpu.memref_slice %arg9[%dma_start3A_69, %dma_start3A_70] : memref<160x128xf32, #tpu.memory_space<vmem>> -> memref<80x128xf32, #tpu.memory_space<vmem>>
      %dma_start3A_72 = tpu.memref_slice %arg7[%mul3A_68] : memref<10000xi32, #tpu.memory_space<vmem>> -> memref<80xi32, #tpu.memory_space<vmem>>
      %dma_start3A_73 = arith.constant 0 : i32
      %dma_start3A_74 = arith.constant 0 : i32
      %dma_start3A_75 = tpu.memref_slice %arg2[%dma_start3A_73, %dma_start3A_74] : memref<10240x128xf32, #tpu.memory_space<hbm>> -> memref<10240x128xf32, #tpu.memory_space<hbm>>
      tpu.enqueue_indirect_dma source(%dma_start3A_75 : memref<10240x128xf32, #tpu.memory_space<hbm>>) target(%dma_start3A_71 : memref<80x128xf32, #tpu.memory_space<vmem>>) offsets(%dma_start3A_72 : memref<80xi32, #tpu.memory_space<vmem>>) semaphore(%arg10 : memref<!tpu.dma_semaphore, #tpu.memory_space<semaphore_mem>>)
      %add3A_76 = arith.constant 1 : i32
      %add3A_77 = arith.addi %add3A_55, %add3A_76 : i32
      %mul3A_78 = arith.constant 80 : i32
      %mul3A_79 = arith.muli %add3A_77, %mul3A_78 : i32
      %dma_wait3A_80 = arith.constant 80 : i32
      %dma_wait3A_81 = arith.constant 0 : i32
      %dma_wait3A_82 = tpu.memref_slice %arg9[%dma_wait3A_80, %dma_wait3A_81] : memref<160x128xf32, #tpu.memory_space<vmem>> -> memref<80x128xf32, #tpu.memory_space<vmem>>
      %dma_wait3A_83 = tpu.memref_slice %arg7[%mul3A_79] : memref<10000xi32, #tpu.memory_space<vmem>> -> memref<80xi32, #tpu.memory_space<vmem>>
      %dma_wait3A_84 = arith.constant 0 : i32
      %dma_wait3A_85 = arith.constant 0 : i32
      %dma_wait3A_86 = tpu.memref_slice %arg2[%dma_wait3A_84, %dma_wait3A_85] : memref<10240x128xf32, #tpu.memory_space<hbm>> -> memref<10240x128xf32, #tpu.memory_space<hbm>>
      tpu.wait_indirect_dma semaphore(%arg11 : memref<!tpu.dma_semaphore, #tpu.memory_space<semaphore_mem>>) src(%dma_wait3A_86 : memref<10240x128xf32, #tpu.memory_space<hbm>>) dst(%dma_wait3A_82 : memref<80x128xf32, #tpu.memory_space<vmem>>)
      %add3A_87 = arith.constant 1 : i32
      %add3A_88 = arith.addi %add3A_55, %add3A_87 : i32
      "tpu.region"() ({
        %run_scoped3A_93 = tpu.sem_alloc : memref<!tpu.dma_semaphore, #tpu.memory_space<semaphore_mem>>
        %dma_start3A_94 = arith.constant 80 : i32
        %dma_start3A_95 = arith.constant 0 : i32
        %dma_start3A_96 = tpu.memref_slice %arg9[%dma_start3A_94, %dma_start3A_95] : memref<160x128xf32, #tpu.memory_space<vmem>> -> memref<80x128xf32, #tpu.memory_space<vmem>>
        %dma_start3A_97 = arith.constant 0 : i32
        %dma_start3A_98 = tpu.memref_slice %arg8[%add3A_88, %dma_start3A_97] : memref<125x80xi32, #tpu.memory_space<vmem>> -> memref<1x80xi32, #tpu.memory_space<vmem>>
        %dma_start3A_99 = tpu.memref_squeeze %dma_start3A_98 : memref<1x80xi32, #tpu.memory_space<vmem>> -> memref<80xi32, #tpu.memory_space<vmem>>
        %dma_start3A_100 = arith.constant 0 : i32
        %dma_start3A_101 = arith.constant 0 : i32
        %dma_start3A_102 = tpu.memref_slice %arg13[%dma_start3A_100, %dma_start3A_101] : memref<10240x128xf32, #tpu.memory_space<vmem_shared>> -> memref<10240x128xf32, #tpu.memory_space<vmem_shared>>
        tpu.enqueue_indirect_dma source(%dma_start3A_96 : memref<80x128xf32, #tpu.memory_space<vmem>>) target(%dma_start3A_102 : memref<10240x128xf32, #tpu.memory_space<vmem_shared>>) offsets(%dma_start3A_99 : memref<80xi32, #tpu.memory_space<vmem>>) semaphore(%run_scoped3A_93 : memref<!tpu.dma_semaphore, #tpu.memory_space<semaphore_mem>>) {add = true}
        %dma_wait3A_103 = arith.constant 80 : i32
        %dma_wait3A_104 = arith.constant 0 : i32
        %dma_wait3A_105 = tpu.memref_slice %arg9[%dma_wait3A_103, %dma_wait3A_104] : memref<160x128xf32, #tpu.memory_space<vmem>> -> memref<80x128xf32, #tpu.memory_space<vmem>>
        %dma_wait3A_106 = arith.constant 0 : i32
        %dma_wait3A_107 = tpu.memref_slice %arg8[%add3A_88, %dma_wait3A_106] : memref<125x80xi32, #tpu.memory_space<vmem>> -> memref<1x80xi32, #tpu.memory_space<vmem>>
        %dma_wait3A_108 = tpu.memref_squeeze %dma_wait3A_107 : memref<1x80xi32, #tpu.memory_space<vmem>> -> memref<80xi32, #tpu.memory_space<vmem>>
        %dma_wait3A_109 = arith.constant 0 : i32
        %dma_wait3A_110 = arith.constant 0 : i32
        %dma_wait3A_111 = tpu.memref_slice %arg13[%dma_wait3A_109, %dma_wait3A_110] : memref<10240x128xf32, #tpu.memory_space<vmem_shared>> -> memref<10240x128xf32, #tpu.memory_space<vmem_shared>>
        tpu.wait_indirect_dma semaphore(%run_scoped3A_93 : memref<!tpu.dma_semaphore, #tpu.memory_space<semaphore_mem>>) src(%dma_wait3A_105 : memref<80x128xf32, #tpu.memory_space<vmem>>) dst(%dma_wait3A_111 : memref<10240x128xf32, #tpu.memory_space<vmem_shared>>)
        tpu.yield
      }) : () -> ()
      %add3A_89 = arith.constant 3 : i32
      %add3A_90 = arith.addi %add3A_55, %add3A_89 : i32
      %lt3A = arith.constant 125 : i32
      %lt3A_91 = arith.cmpi slt, %add3A_90, %lt3A : i32
      %convert_element_type3A = arith.extui %lt3A_91 : i1 to i32
      %cond3A = arith.constant 0 : i32
      %cond3A_92 = arith.cmpi ne, %convert_element_type3A, %cond3A : i32
      scf.if %cond3A_92 {
        %add3A_93 = arith.constant 3 : i32
        %add3A_94 = arith.addi %add3A_55, %add3A_93 : i32
        %mul3A_95 = arith.constant 80 : i32
        %mul3A_96 = arith.muli %add3A_94, %mul3A_95 : i32
        %dma_start3A_97 = arith.constant 80 : i32
        %dma_start3A_98 = arith.constant 0 : i32
        %dma_start3A_99 = tpu.memref_slice %arg9[%dma_start3A_97, %dma_start3A_98] : memref<160x128xf32, #tpu.memory_space<vmem>> -> memref<80x128xf32, #tpu.memory_space<vmem>>
        %dma_start3A_100 = tpu.memref_slice %arg7[%mul3A_96] : memref<10000xi32, #tpu.memory_space<vmem>> -> memref<80xi32, #tpu.memory_space<vmem>>
        %dma_start3A_101 = arith.constant 0 : i32
        %dma_start3A_102 = arith.constant 0 : i32
        %dma_start3A_103 = tpu.memref_slice %arg2[%dma_start3A_101, %dma_start3A_102] : memref<10240x128xf32, #tpu.memory_space<hbm>> -> memref<10240x128xf32, #tpu.memory_space<hbm>>
        tpu.enqueue_indirect_dma source(%dma_start3A_103 : memref<10240x128xf32, #tpu.memory_space<hbm>>) target(%dma_start3A_99 : memref<80x128xf32, #tpu.memory_space<vmem>>) offsets(%dma_start3A_100 : memref<80xi32, #tpu.memory_space<vmem>>) semaphore(%arg11 : memref<!tpu.dma_semaphore, #tpu.memory_space<semaphore_mem>>)
      } else {
      }
    }
    %scan3A_34 = arith.constant 62 : i32
    %dma_wait3A_35 = arith.constant 0 : i32
    %dma_wait3A_36 = arith.constant 0 : i32
    %dma_wait3A_37 = tpu.memref_slice %arg9[%dma_wait3A_35, %dma_wait3A_36] : memref<160x128xf32, #tpu.memory_space<vmem>> -> memref<80x128xf32, #tpu.memory_space<vmem>>
    %dma_wait3A_38 = arith.constant 9920 : i32
    %dma_wait3A_39 = tpu.memref_slice %arg7[%dma_wait3A_38] : memref<10000xi32, #tpu.memory_space<vmem>> -> memref<80xi32, #tpu.memory_space<vmem>>
    %dma_wait3A_40 = arith.constant 0 : i32
    %dma_wait3A_41 = arith.constant 0 : i32
    %dma_wait3A_42 = tpu.memref_slice %arg2[%dma_wait3A_40, %dma_wait3A_41] : memref<10240x128xf32, #tpu.memory_space<hbm>> -> memref<10240x128xf32, #tpu.memory_space<hbm>>
    tpu.wait_indirect_dma semaphore(%arg10 : memref<!tpu.dma_semaphore, #tpu.memory_space<semaphore_mem>>) src(%dma_wait3A_42 : memref<10240x128xf32, #tpu.memory_space<hbm>>) dst(%dma_wait3A_37 : memref<80x128xf32, #tpu.memory_space<vmem>>)
    %run_scoped3A = arith.constant 124 : i32
    "tpu.region"() ({
      %run_scoped3A_51 = tpu.sem_alloc : memref<!tpu.dma_semaphore, #tpu.memory_space<semaphore_mem>>
      %dma_start3A_52 = arith.constant 0 : i32
      %dma_start3A_53 = arith.constant 0 : i32
      %dma_start3A_54 = tpu.memref_slice %arg9[%dma_start3A_52, %dma_start3A_53] : memref<160x128xf32, #tpu.memory_space<vmem>> -> memref<80x128xf32, #tpu.memory_space<vmem>>
      %dma_start3A_55 = arith.constant 0 : i32
      %dma_start3A_56 = tpu.memref_slice %arg8[%run_scoped3A, %dma_start3A_55] : memref<125x80xi32, #tpu.memory_space<vmem>> -> memref<1x80xi32, #tpu.memory_space<vmem>>
      %dma_start3A_57 = tpu.memref_squeeze %dma_start3A_56 : memref<1x80xi32, #tpu.memory_space<vmem>> -> memref<80xi32, #tpu.memory_space<vmem>>
      %dma_start3A_58 = arith.constant 0 : i32
      %dma_start3A_59 = arith.constant 0 : i32
      %dma_start3A_60 = tpu.memref_slice %arg13[%dma_start3A_58, %dma_start3A_59] : memref<10240x128xf32, #tpu.memory_space<vmem_shared>> -> memref<10240x128xf32, #tpu.memory_space<vmem_shared>>
      tpu.enqueue_indirect_dma source(%dma_start3A_54 : memref<80x128xf32, #tpu.memory_space<vmem>>) target(%dma_start3A_60 : memref<10240x128xf32, #tpu.memory_space<vmem_shared>>) offsets(%dma_start3A_57 : memref<80xi32, #tpu.memory_space<vmem>>) semaphore(%run_scoped3A_51 : memref<!tpu.dma_semaphore, #tpu.memory_space<semaphore_mem>>) {add = true}
      %dma_wait3A_61 = arith.constant 0 : i32
      %dma_wait3A_62 = arith.constant 0 : i32
      %dma_wait3A_63 = tpu.memref_slice %arg9[%dma_wait3A_61, %dma_wait3A_62] : memref<160x128xf32, #tpu.memory_space<vmem>> -> memref<80x128xf32, #tpu.memory_space<vmem>>
      %dma_wait3A_64 = arith.constant 0 : i32
      %dma_wait3A_65 = tpu.memref_slice %arg8[%run_scoped3A, %dma_wait3A_64] : memref<125x80xi32, #tpu.memory_space<vmem>> -> memref<1x80xi32, #tpu.memory_space<vmem>>
      %dma_wait3A_66 = tpu.memref_squeeze %dma_wait3A_65 : memref<1x80xi32, #tpu.memory_space<vmem>> -> memref<80xi32, #tpu.memory_space<vmem>>
      %dma_wait3A_67 = arith.constant 0 : i32
      %dma_wait3A_68 = arith.constant 0 : i32
      %dma_wait3A_69 = tpu.memref_slice %arg13[%dma_wait3A_67, %dma_wait3A_68] : memref<10240x128xf32, #tpu.memory_space<vmem_shared>> -> memref<10240x128xf32, #tpu.memory_space<vmem_shared>>
      tpu.wait_indirect_dma semaphore(%run_scoped3A_51 : memref<!tpu.dma_semaphore, #tpu.memory_space<semaphore_mem>>) src(%dma_wait3A_63 : memref<80x128xf32, #tpu.memory_space<vmem>>) dst(%dma_wait3A_69 : memref<10240x128xf32, #tpu.memory_space<vmem_shared>>)
      tpu.yield
    }) : () -> ()
    %barrier3A_43 = arith.constant 0 : index
    tpu.barrier barrier_id(%barrier3A_43)
    %mul3A_44 = arith.constant 640 : i32
    %mul3A_45 = arith.muli %arg1, %mul3A_44 : i32
    %mul3A_46 = arith.constant 10240 : i32
    %mul3A_47 = arith.muli %arg0, %mul3A_46 : i32
    %mul3A_48 = arith.constant 640 : i32
    %mul3A_49 = arith.muli %arg1, %mul3A_48 : i32
    %add3A_50 = arith.addi %mul3A_47, %mul3A_49 : i32
    "tpu.region"() ({
      %run_scoped3A_51 = tpu.sem_alloc : memref<!tpu.dma_semaphore, #tpu.memory_space<semaphore_mem>>
      %dma_start3A_52 = arith.constant 0 : i32
      %dma_start3A_53 = tpu.memref_slice %arg6[%add3A_50, %dma_start3A_52] : memref<20480x128xf32, #tpu.memory_space<hbm>> -> memref<640x128xf32, #tpu.memory_space<hbm>>
      %dma_start3A_54 = arith.constant 0 : i32
      %dma_start3A_55 = tpu.memref_slice %arg13[%mul3A_45, %dma_start3A_54] : memref<10240x128xf32, #tpu.memory_space<vmem_shared>> -> memref<640x128xf32, #tpu.memory_space<vmem_shared>>
      tpu.enqueue_dma source(%dma_start3A_55 : memref<640x128xf32, #tpu.memory_space<vmem_shared>>) target(%dma_start3A_53 : memref<640x128xf32, #tpu.memory_space<hbm>>) target_semaphore(%run_scoped3A_51 : memref<!tpu.dma_semaphore, #tpu.memory_space<semaphore_mem>>)
      %dma_wait3A_56 = arith.constant 0 : i32
      %dma_wait3A_57 = tpu.memref_slice %arg6[%add3A_50, %dma_wait3A_56] : memref<20480x128xf32, #tpu.memory_space<hbm>> -> memref<640x128xf32, #tpu.memory_space<hbm>>
      %dma_wait3A_58 = arith.constant 0 : i32
      %dma_wait3A_59 = tpu.memref_slice %arg13[%mul3A_45, %dma_wait3A_58] : memref<10240x128xf32, #tpu.memory_space<vmem_shared>> -> memref<640x128xf32, #tpu.memory_space<vmem_shared>>
      tpu.wait_dma2 semaphore(%run_scoped3A_51 : memref<!tpu.dma_semaphore, #tpu.memory_space<semaphore_mem>>) src(%dma_wait3A_59 : memref<640x128xf32, #tpu.memory_space<vmem_shared>>) dst(%dma_wait3A_57 : memref<640x128xf32, #tpu.memory_space<hbm>>)
      tpu.yield
    }) : () -> ()
    return
  }
}

#map = affine_map<(d0, d1) -> (0, 0)>
#map1 = affine_map<(d0, d1) -> (0, 0, 0)>
module attributes {stable_mosaic.version = 14 : i64} {
  func.func @_sc_agg_body(%arg0: i32, %arg1: i32, %arg2: memref<10240x128xf32, #tpu.memory_space<hbm>>, %arg3: memref<32x10000xi32, #tpu.memory_space<hbm>>, %arg4: memref<32x125x80xi32, #tpu.memory_space<hbm>>, %arg5: memref<10240x128xf32, #tpu.memory_space<hbm>>, %arg6: memref<20480x128xf32, #tpu.memory_space<hbm>>, %arg7: memref<10000xi32, #tpu.memory_space<vmem>>, %arg8: memref<125x80xi32, #tpu.memory_space<vmem>>, %arg9: memref<160x128xf32, #tpu.memory_space<vmem>>, %arg10: memref<!tpu.dma_semaphore, #tpu.memory_space<semaphore_mem>>, %arg11: memref<!tpu.dma_semaphore, #tpu.memory_space<semaphore_mem>>, %arg12: memref<!tpu.dma_semaphore, #tpu.memory_space<semaphore_mem>>, %arg13: memref<10240x128xf32, #tpu.memory_space<vmem_shared>>) attributes {dimension_semantics = [#tpu.dimension_semantics<core_parallel>, #tpu.dimension_semantics<subcore_parallel>], iteration_bounds = array<i64: 2, 16>, scalar_prefetch = 0 : i64, scratch_operands = 7 : i64, tpu.core_type = #tpu.core_type<sc_vector_subcore>, window_params = [{transform_indices = #map}, {transform_indices = #map}, {transform_indices = #map1}, {transform_indices = #map}, {transform_indices = #map}]} {
    %mul3A = arith.constant 16 : i32
    %mul3A_0 = arith.muli %arg0, %mul3A : i32
    %add3A = arith.addi %mul3A_0, %arg1 : i32
    %mul3A_1 = arith.constant 640 : i32
    %mul3A_2 = arith.muli %arg1, %mul3A_1 : i32
    %mul3A_3 = arith.constant 640 : i32
    %mul3A_4 = arith.muli %arg1, %mul3A_3 : i32
    %dma_start3A = arith.constant 0 : i32
    %dma_start3A_5 = tpu.memref_slice %arg13[%mul3A_4, %dma_start3A] : memref<10240x128xf32, #tpu.memory_space<vmem_shared>> -> memref<640x128xf32, #tpu.memory_space<vmem_shared>>
    %dma_start3A_6 = arith.constant 0 : i32
    %dma_start3A_7 = tpu.memref_slice %arg5[%mul3A_2, %dma_start3A_6] : memref<10240x128xf32, #tpu.memory_space<hbm>> -> memref<640x128xf32, #tpu.memory_space<hbm>>
    tpu.enqueue_dma source(%dma_start3A_7 : memref<640x128xf32, #tpu.memory_space<hbm>>) target(%dma_start3A_5 : memref<640x128xf32, #tpu.memory_space<vmem_shared>>) target_semaphore(%arg12 : memref<!tpu.dma_semaphore, #tpu.memory_space<semaphore_mem>>)
    "tpu.region"() ({
      %run_scoped3A_51 = tpu.sem_alloc : memref<!tpu.dma_semaphore, #tpu.memory_space<semaphore_mem>>
      %dma_start3A_52 = arith.constant 0 : i32
      %dma_start3A_53 = tpu.memref_slice %arg3[%add3A, %dma_start3A_52] : memref<32x10000xi32, #tpu.memory_space<hbm>> -> memref<1x10000xi32, #tpu.memory_space<hbm>>
      %dma_start3A_54 = tpu.memref_squeeze %dma_start3A_53 : memref<1x10000xi32, #tpu.memory_space<hbm>> -> memref<10000xi32, #tpu.memory_space<hbm>>
      %dma_start3A_55 = arith.constant 0 : i32
      %dma_start3A_56 = tpu.memref_slice %arg3[%add3A, %dma_start3A_55] : memref<32x10000xi32, #tpu.memory_space<hbm>> -> memref<1x10000xi32, #tpu.memory_space<hbm>>
      %dma_start3A_57 = tpu.memref_squeeze %dma_start3A_56 : memref<1x10000xi32, #tpu.memory_space<hbm>> -> memref<10000xi32, #tpu.memory_space<hbm>>
      tpu.enqueue_dma source(%dma_start3A_57 : memref<10000xi32, #tpu.memory_space<hbm>>) target(%arg7 : memref<10000xi32, #tpu.memory_space<vmem>>) target_semaphore(%run_scoped3A_51 : memref<!tpu.dma_semaphore, #tpu.memory_space<semaphore_mem>>)
      %dma_wait3A_58 = arith.constant 0 : i32
      %dma_wait3A_59 = tpu.memref_slice %arg3[%add3A, %dma_wait3A_58] : memref<32x10000xi32, #tpu.memory_space<hbm>> -> memref<1x10000xi32, #tpu.memory_space<hbm>>
      %dma_wait3A_60 = tpu.memref_squeeze %dma_wait3A_59 : memref<1x10000xi32, #tpu.memory_space<hbm>> -> memref<10000xi32, #tpu.memory_space<hbm>>
      %dma_wait3A_61 = arith.constant 0 : i32
      %dma_wait3A_62 = tpu.memref_slice %arg3[%add3A, %dma_wait3A_61] : memref<32x10000xi32, #tpu.memory_space<hbm>> -> memref<1x10000xi32, #tpu.memory_space<hbm>>
      %dma_wait3A_63 = tpu.memref_squeeze %dma_wait3A_62 : memref<1x10000xi32, #tpu.memory_space<hbm>> -> memref<10000xi32, #tpu.memory_space<hbm>>
      tpu.wait_dma2 semaphore(%run_scoped3A_51 : memref<!tpu.dma_semaphore, #tpu.memory_space<semaphore_mem>>) src(%dma_wait3A_63 : memref<10000xi32, #tpu.memory_space<hbm>>) dst(%arg7 : memref<10000xi32, #tpu.memory_space<vmem>>)
      tpu.yield
    }) : () -> ()
    "tpu.region"() ({
      %run_scoped3A_51 = tpu.sem_alloc : memref<!tpu.dma_semaphore, #tpu.memory_space<semaphore_mem>>
      %dma_start3A_52 = arith.constant 0 : i32
      %dma_start3A_53 = arith.constant 0 : i32
      %dma_start3A_54 = tpu.memref_slice %arg4[%add3A, %dma_start3A_52, %dma_start3A_53] : memref<32x125x80xi32, #tpu.memory_space<hbm>> -> memref<1x125x80xi32, #tpu.memory_space<hbm>>
      %dma_start3A_55 = tpu.memref_squeeze %dma_start3A_54 : memref<1x125x80xi32, #tpu.memory_space<hbm>> -> memref<125x80xi32, #tpu.memory_space<hbm>>
      %dma_start3A_56 = arith.constant 0 : i32
      %dma_start3A_57 = arith.constant 0 : i32
      %dma_start3A_58 = tpu.memref_slice %arg4[%add3A, %dma_start3A_56, %dma_start3A_57] : memref<32x125x80xi32, #tpu.memory_space<hbm>> -> memref<1x125x80xi32, #tpu.memory_space<hbm>>
      %dma_start3A_59 = tpu.memref_squeeze %dma_start3A_58 : memref<1x125x80xi32, #tpu.memory_space<hbm>> -> memref<125x80xi32, #tpu.memory_space<hbm>>
      tpu.enqueue_dma source(%dma_start3A_59 : memref<125x80xi32, #tpu.memory_space<hbm>>) target(%arg8 : memref<125x80xi32, #tpu.memory_space<vmem>>) target_semaphore(%run_scoped3A_51 : memref<!tpu.dma_semaphore, #tpu.memory_space<semaphore_mem>>)
      %dma_wait3A_60 = arith.constant 0 : i32
      %dma_wait3A_61 = arith.constant 0 : i32
      %dma_wait3A_62 = tpu.memref_slice %arg4[%add3A, %dma_wait3A_60, %dma_wait3A_61] : memref<32x125x80xi32, #tpu.memory_space<hbm>> -> memref<1x125x80xi32, #tpu.memory_space<hbm>>
      %dma_wait3A_63 = tpu.memref_squeeze %dma_wait3A_62 : memref<1x125x80xi32, #tpu.memory_space<hbm>> -> memref<125x80xi32, #tpu.memory_space<hbm>>
      %dma_wait3A_64 = arith.constant 0 : i32
      %dma_wait3A_65 = arith.constant 0 : i32
      %dma_wait3A_66 = tpu.memref_slice %arg4[%add3A, %dma_wait3A_64, %dma_wait3A_65] : memref<32x125x80xi32, #tpu.memory_space<hbm>> -> memref<1x125x80xi32, #tpu.memory_space<hbm>>
      %dma_wait3A_67 = tpu.memref_squeeze %dma_wait3A_66 : memref<1x125x80xi32, #tpu.memory_space<hbm>> -> memref<125x80xi32, #tpu.memory_space<hbm>>
      tpu.wait_dma2 semaphore(%run_scoped3A_51 : memref<!tpu.dma_semaphore, #tpu.memory_space<semaphore_mem>>) src(%dma_wait3A_67 : memref<125x80xi32, #tpu.memory_space<hbm>>) dst(%arg8 : memref<125x80xi32, #tpu.memory_space<vmem>>)
      tpu.yield
    }) : () -> ()
    %dma_start3A_8 = arith.constant 0 : i32
    %dma_start3A_9 = arith.constant 0 : i32
    %dma_start3A_10 = tpu.memref_slice %arg9[%dma_start3A_8, %dma_start3A_9] : memref<160x128xf32, #tpu.memory_space<vmem>> -> memref<80x128xf32, #tpu.memory_space<vmem>>
    %dma_start3A_11 = arith.constant 0 : i32
    %dma_start3A_12 = tpu.memref_slice %arg7[%dma_start3A_11] : memref<10000xi32, #tpu.memory_space<vmem>> -> memref<80xi32, #tpu.memory_space<vmem>>
    %dma_start3A_13 = arith.constant 0 : i32
    %dma_start3A_14 = arith.constant 0 : i32
    %dma_start3A_15 = tpu.memref_slice %arg2[%dma_start3A_13, %dma_start3A_14] : memref<10240x128xf32, #tpu.memory_space<hbm>> -> memref<10240x128xf32, #tpu.memory_space<hbm>>
    tpu.enqueue_indirect_dma source(%dma_start3A_15 : memref<10240x128xf32, #tpu.memory_space<hbm>>) target(%dma_start3A_10 : memref<80x128xf32, #tpu.memory_space<vmem>>) offsets(%dma_start3A_12 : memref<80xi32, #tpu.memory_space<vmem>>) semaphore(%arg10 : memref<!tpu.dma_semaphore, #tpu.memory_space<semaphore_mem>>)
    %dma_start3A_16 = arith.constant 80 : i32
    %dma_start3A_17 = arith.constant 0 : i32
    %dma_start3A_18 = tpu.memref_slice %arg9[%dma_start3A_16, %dma_start3A_17] : memref<160x128xf32, #tpu.memory_space<vmem>> -> memref<80x128xf32, #tpu.memory_space<vmem>>
    %dma_start3A_19 = arith.constant 80 : i32
    %dma_start3A_20 = tpu.memref_slice %arg7[%dma_start3A_19] : memref<10000xi32, #tpu.memory_space<vmem>> -> memref<80xi32, #tpu.memory_space<vmem>>
    %dma_start3A_21 = arith.constant 0 : i32
    %dma_start3A_22 = arith.constant 0 : i32
    %dma_start3A_23 = tpu.memref_slice %arg2[%dma_start3A_21, %dma_start3A_22] : memref<10240x128xf32, #tpu.memory_space<hbm>> -> memref<10240x128xf32, #tpu.memory_space<hbm>>
    tpu.enqueue_indirect_dma source(%dma_start3A_23 : memref<10240x128xf32, #tpu.memory_space<hbm>>) target(%dma_start3A_18 : memref<80x128xf32, #tpu.memory_space<vmem>>) offsets(%dma_start3A_20 : memref<80xi32, #tpu.memory_space<vmem>>) semaphore(%arg11 : memref<!tpu.dma_semaphore, #tpu.memory_space<semaphore_mem>>)
    %mul3A_24 = arith.constant 640 : i32
    %mul3A_25 = arith.muli %arg1, %mul3A_24 : i32
    %mul3A_26 = arith.constant 640 : i32
    %mul3A_27 = arith.muli %arg1, %mul3A_26 : i32
    %dma_wait3A = arith.constant 0 : i32
    %dma_wait3A_28 = tpu.memref_slice %arg13[%mul3A_27, %dma_wait3A] : memref<10240x128xf32, #tpu.memory_space<vmem_shared>> -> memref<640x128xf32, #tpu.memory_space<vmem_shared>>
    %dma_wait3A_29 = arith.constant 0 : i32
    %dma_wait3A_30 = tpu.memref_slice %arg5[%mul3A_25, %dma_wait3A_29] : memref<10240x128xf32, #tpu.memory_space<hbm>> -> memref<640x128xf32, #tpu.memory_space<hbm>>
    tpu.wait_dma2 semaphore(%arg12 : memref<!tpu.dma_semaphore, #tpu.memory_space<semaphore_mem>>) src(%dma_wait3A_30 : memref<640x128xf32, #tpu.memory_space<hbm>>) dst(%dma_wait3A_28 : memref<640x128xf32, #tpu.memory_space<vmem_shared>>)
    %barrier3A = arith.constant 0 : index
    tpu.barrier barrier_id(%barrier3A)
    %scan3A = arith.constant 0 : i32
    %scan3A_31 = arith.constant 62 : i32
    %scan3A_32 = arith.addi %scan3A, %scan3A_31 : i32
    %scan3A_33 = arith.constant 1 : i32
    scf.for %scan3A_51 = %scan3A to %scan3A_32 step %scan3A_33  : i32 {
      %mul3A_52 = arith.constant 2 : i32
      %mul3A_53 = arith.muli %scan3A_51, %mul3A_52 : i32
      %add3A_54 = arith.constant 0 : i32
      %add3A_55 = arith.addi %add3A_54, %mul3A_53 : i32
      %mul3A_56 = arith.constant 80 : i32
      %mul3A_57 = arith.muli %add3A_55, %mul3A_56 : i32
      %dma_wait3A_58 = arith.constant 0 : i32
      %dma_wait3A_59 = arith.constant 0 : i32
      %dma_wait3A_60 = tpu.memref_slice %arg9[%dma_wait3A_58, %dma_wait3A_59] : memref<160x128xf32, #tpu.memory_space<vmem>> -> memref<80x128xf32, #tpu.memory_space<vmem>>
      %dma_wait3A_61 = tpu.memref_slice %arg7[%mul3A_57] : memref<10000xi32, #tpu.memory_space<vmem>> -> memref<80xi32, #tpu.memory_space<vmem>>
      %dma_wait3A_62 = arith.constant 0 : i32
      %dma_wait3A_63 = arith.constant 0 : i32
      %dma_wait3A_64 = tpu.memref_slice %arg2[%dma_wait3A_62, %dma_wait3A_63] : memref<10240x128xf32, #tpu.memory_space<hbm>> -> memref<10240x128xf32, #tpu.memory_space<hbm>>
      tpu.wait_indirect_dma semaphore(%arg10 : memref<!tpu.dma_semaphore, #tpu.memory_space<semaphore_mem>>) src(%dma_wait3A_64 : memref<10240x128xf32, #tpu.memory_space<hbm>>) dst(%dma_wait3A_60 : memref<80x128xf32, #tpu.memory_space<vmem>>)
      "tpu.region"() ({
        %run_scoped3A_93 = tpu.sem_alloc : memref<!tpu.dma_semaphore, #tpu.memory_space<semaphore_mem>>
        %dma_start3A_94 = arith.constant 0 : i32
        %dma_start3A_95 = arith.constant 0 : i32
        %dma_start3A_96 = tpu.memref_slice %arg9[%dma_start3A_94, %dma_start3A_95] : memref<160x128xf32, #tpu.memory_space<vmem>> -> memref<80x128xf32, #tpu.memory_space<vmem>>
        %dma_start3A_97 = arith.constant 0 : i32
        %dma_start3A_98 = tpu.memref_slice %arg8[%add3A_55, %dma_start3A_97] : memref<125x80xi32, #tpu.memory_space<vmem>> -> memref<1x80xi32, #tpu.memory_space<vmem>>
        %dma_start3A_99 = tpu.memref_squeeze %dma_start3A_98 : memref<1x80xi32, #tpu.memory_space<vmem>> -> memref<80xi32, #tpu.memory_space<vmem>>
        %dma_start3A_100 = arith.constant 0 : i32
        %dma_start3A_101 = arith.constant 0 : i32
        %dma_start3A_102 = tpu.memref_slice %arg13[%dma_start3A_100, %dma_start3A_101] : memref<10240x128xf32, #tpu.memory_space<vmem_shared>> -> memref<10240x128xf32, #tpu.memory_space<vmem_shared>>
        tpu.enqueue_indirect_dma source(%dma_start3A_96 : memref<80x128xf32, #tpu.memory_space<vmem>>) target(%dma_start3A_102 : memref<10240x128xf32, #tpu.memory_space<vmem_shared>>) offsets(%dma_start3A_99 : memref<80xi32, #tpu.memory_space<vmem>>) semaphore(%run_scoped3A_93 : memref<!tpu.dma_semaphore, #tpu.memory_space<semaphore_mem>>) {add = true}
        %dma_wait3A_103 = arith.constant 0 : i32
        %dma_wait3A_104 = arith.constant 0 : i32
        %dma_wait3A_105 = tpu.memref_slice %arg9[%dma_wait3A_103, %dma_wait3A_104] : memref<160x128xf32, #tpu.memory_space<vmem>> -> memref<80x128xf32, #tpu.memory_space<vmem>>
        %dma_wait3A_106 = arith.constant 0 : i32
        %dma_wait3A_107 = tpu.memref_slice %arg8[%add3A_55, %dma_wait3A_106] : memref<125x80xi32, #tpu.memory_space<vmem>> -> memref<1x80xi32, #tpu.memory_space<vmem>>
        %dma_wait3A_108 = tpu.memref_squeeze %dma_wait3A_107 : memref<1x80xi32, #tpu.memory_space<vmem>> -> memref<80xi32, #tpu.memory_space<vmem>>
        %dma_wait3A_109 = arith.constant 0 : i32
        %dma_wait3A_110 = arith.constant 0 : i32
        %dma_wait3A_111 = tpu.memref_slice %arg13[%dma_wait3A_109, %dma_wait3A_110] : memref<10240x128xf32, #tpu.memory_space<vmem_shared>> -> memref<10240x128xf32, #tpu.memory_space<vmem_shared>>
        tpu.wait_indirect_dma semaphore(%run_scoped3A_93 : memref<!tpu.dma_semaphore, #tpu.memory_space<semaphore_mem>>) src(%dma_wait3A_105 : memref<80x128xf32, #tpu.memory_space<vmem>>) dst(%dma_wait3A_111 : memref<10240x128xf32, #tpu.memory_space<vmem_shared>>)
        tpu.yield
      }) : () -> ()
      %add3A_65 = arith.constant 2 : i32
      %add3A_66 = arith.addi %add3A_55, %add3A_65 : i32
      %mul3A_67 = arith.constant 80 : i32
      %mul3A_68 = arith.muli %add3A_66, %mul3A_67 : i32
      %dma_start3A_69 = arith.constant 0 : i32
      %dma_start3A_70 = arith.constant 0 : i32
      %dma_start3A_71 = tpu.memref_slice %arg9[%dma_start3A_69, %dma_start3A_70] : memref<160x128xf32, #tpu.memory_space<vmem>> -> memref<80x128xf32, #tpu.memory_space<vmem>>
      %dma_start3A_72 = tpu.memref_slice %arg7[%mul3A_68] : memref<10000xi32, #tpu.memory_space<vmem>> -> memref<80xi32, #tpu.memory_space<vmem>>
      %dma_start3A_73 = arith.constant 0 : i32
      %dma_start3A_74 = arith.constant 0 : i32
      %dma_start3A_75 = tpu.memref_slice %arg2[%dma_start3A_73, %dma_start3A_74] : memref<10240x128xf32, #tpu.memory_space<hbm>> -> memref<10240x128xf32, #tpu.memory_space<hbm>>
      tpu.enqueue_indirect_dma source(%dma_start3A_75 : memref<10240x128xf32, #tpu.memory_space<hbm>>) target(%dma_start3A_71 : memref<80x128xf32, #tpu.memory_space<vmem>>) offsets(%dma_start3A_72 : memref<80xi32, #tpu.memory_space<vmem>>) semaphore(%arg10 : memref<!tpu.dma_semaphore, #tpu.memory_space<semaphore_mem>>)
      %add3A_76 = arith.constant 1 : i32
      %add3A_77 = arith.addi %add3A_55, %add3A_76 : i32
      %mul3A_78 = arith.constant 80 : i32
      %mul3A_79 = arith.muli %add3A_77, %mul3A_78 : i32
      %dma_wait3A_80 = arith.constant 80 : i32
      %dma_wait3A_81 = arith.constant 0 : i32
      %dma_wait3A_82 = tpu.memref_slice %arg9[%dma_wait3A_80, %dma_wait3A_81] : memref<160x128xf32, #tpu.memory_space<vmem>> -> memref<80x128xf32, #tpu.memory_space<vmem>>
      %dma_wait3A_83 = tpu.memref_slice %arg7[%mul3A_79] : memref<10000xi32, #tpu.memory_space<vmem>> -> memref<80xi32, #tpu.memory_space<vmem>>
      %dma_wait3A_84 = arith.constant 0 : i32
      %dma_wait3A_85 = arith.constant 0 : i32
      %dma_wait3A_86 = tpu.memref_slice %arg2[%dma_wait3A_84, %dma_wait3A_85] : memref<10240x128xf32, #tpu.memory_space<hbm>> -> memref<10240x128xf32, #tpu.memory_space<hbm>>
      tpu.wait_indirect_dma semaphore(%arg11 : memref<!tpu.dma_semaphore, #tpu.memory_space<semaphore_mem>>) src(%dma_wait3A_86 : memref<10240x128xf32, #tpu.memory_space<hbm>>) dst(%dma_wait3A_82 : memref<80x128xf32, #tpu.memory_space<vmem>>)
      %add3A_87 = arith.constant 1 : i32
      %add3A_88 = arith.addi %add3A_55, %add3A_87 : i32
      "tpu.region"() ({
        %run_scoped3A_93 = tpu.sem_alloc : memref<!tpu.dma_semaphore, #tpu.memory_space<semaphore_mem>>
        %dma_start3A_94 = arith.constant 80 : i32
        %dma_start3A_95 = arith.constant 0 : i32
        %dma_start3A_96 = tpu.memref_slice %arg9[%dma_start3A_94, %dma_start3A_95] : memref<160x128xf32, #tpu.memory_space<vmem>> -> memref<80x128xf32, #tpu.memory_space<vmem>>
        %dma_start3A_97 = arith.constant 0 : i32
        %dma_start3A_98 = tpu.memref_slice %arg8[%add3A_88, %dma_start3A_97] : memref<125x80xi32, #tpu.memory_space<vmem>> -> memref<1x80xi32, #tpu.memory_space<vmem>>
        %dma_start3A_99 = tpu.memref_squeeze %dma_start3A_98 : memref<1x80xi32, #tpu.memory_space<vmem>> -> memref<80xi32, #tpu.memory_space<vmem>>
        %dma_start3A_100 = arith.constant 0 : i32
        %dma_start3A_101 = arith.constant 0 : i32
        %dma_start3A_102 = tpu.memref_slice %arg13[%dma_start3A_100, %dma_start3A_101] : memref<10240x128xf32, #tpu.memory_space<vmem_shared>> -> memref<10240x128xf32, #tpu.memory_space<vmem_shared>>
        tpu.enqueue_indirect_dma source(%dma_start3A_96 : memref<80x128xf32, #tpu.memory_space<vmem>>) target(%dma_start3A_102 : memref<10240x128xf32, #tpu.memory_space<vmem_shared>>) offsets(%dma_start3A_99 : memref<80xi32, #tpu.memory_space<vmem>>) semaphore(%run_scoped3A_93 : memref<!tpu.dma_semaphore, #tpu.memory_space<semaphore_mem>>) {add = true}
        %dma_wait3A_103 = arith.constant 80 : i32
        %dma_wait3A_104 = arith.constant 0 : i32
        %dma_wait3A_105 = tpu.memref_slice %arg9[%dma_wait3A_103, %dma_wait3A_104] : memref<160x128xf32, #tpu.memory_space<vmem>> -> memref<80x128xf32, #tpu.memory_space<vmem>>
        %dma_wait3A_106 = arith.constant 0 : i32
        %dma_wait3A_107 = tpu.memref_slice %arg8[%add3A_88, %dma_wait3A_106] : memref<125x80xi32, #tpu.memory_space<vmem>> -> memref<1x80xi32, #tpu.memory_space<vmem>>
        %dma_wait3A_108 = tpu.memref_squeeze %dma_wait3A_107 : memref<1x80xi32, #tpu.memory_space<vmem>> -> memref<80xi32, #tpu.memory_space<vmem>>
        %dma_wait3A_109 = arith.constant 0 : i32
        %dma_wait3A_110 = arith.constant 0 : i32
        %dma_wait3A_111 = tpu.memref_slice %arg13[%dma_wait3A_109, %dma_wait3A_110] : memref<10240x128xf32, #tpu.memory_space<vmem_shared>> -> memref<10240x128xf32, #tpu.memory_space<vmem_shared>>
        tpu.wait_indirect_dma semaphore(%run_scoped3A_93 : memref<!tpu.dma_semaphore, #tpu.memory_space<semaphore_mem>>) src(%dma_wait3A_105 : memref<80x128xf32, #tpu.memory_space<vmem>>) dst(%dma_wait3A_111 : memref<10240x128xf32, #tpu.memory_space<vmem_shared>>)
        tpu.yield
      }) : () -> ()
      %add3A_89 = arith.constant 3 : i32
      %add3A_90 = arith.addi %add3A_55, %add3A_89 : i32
      %lt3A = arith.constant 125 : i32
      %lt3A_91 = arith.cmpi slt, %add3A_90, %lt3A : i32
      %convert_element_type3A = arith.extui %lt3A_91 : i1 to i32
      %cond3A = arith.constant 0 : i32
      %cond3A_92 = arith.cmpi ne, %convert_element_type3A, %cond3A : i32
      scf.if %cond3A_92 {
        %add3A_93 = arith.constant 3 : i32
        %add3A_94 = arith.addi %add3A_55, %add3A_93 : i32
        %mul3A_95 = arith.constant 80 : i32
        %mul3A_96 = arith.muli %add3A_94, %mul3A_95 : i32
        %dma_start3A_97 = arith.constant 80 : i32
        %dma_start3A_98 = arith.constant 0 : i32
        %dma_start3A_99 = tpu.memref_slice %arg9[%dma_start3A_97, %dma_start3A_98] : memref<160x128xf32, #tpu.memory_space<vmem>> -> memref<80x128xf32, #tpu.memory_space<vmem>>
        %dma_start3A_100 = tpu.memref_slice %arg7[%mul3A_96] : memref<10000xi32, #tpu.memory_space<vmem>> -> memref<80xi32, #tpu.memory_space<vmem>>
        %dma_start3A_101 = arith.constant 0 : i32
        %dma_start3A_102 = arith.constant 0 : i32
        %dma_start3A_103 = tpu.memref_slice %arg2[%dma_start3A_101, %dma_start3A_102] : memref<10240x128xf32, #tpu.memory_space<hbm>> -> memref<10240x128xf32, #tpu.memory_space<hbm>>
        tpu.enqueue_indirect_dma source(%dma_start3A_103 : memref<10240x128xf32, #tpu.memory_space<hbm>>) target(%dma_start3A_99 : memref<80x128xf32, #tpu.memory_space<vmem>>) offsets(%dma_start3A_100 : memref<80xi32, #tpu.memory_space<vmem>>) semaphore(%arg11 : memref<!tpu.dma_semaphore, #tpu.memory_space<semaphore_mem>>)
      } else {
      }
    }
    %scan3A_34 = arith.constant 62 : i32
    %dma_wait3A_35 = arith.constant 0 : i32
    %dma_wait3A_36 = arith.constant 0 : i32
    %dma_wait3A_37 = tpu.memref_slice %arg9[%dma_wait3A_35, %dma_wait3A_36] : memref<160x128xf32, #tpu.memory_space<vmem>> -> memref<80x128xf32, #tpu.memory_space<vmem>>
    %dma_wait3A_38 = arith.constant 9920 : i32
    %dma_wait3A_39 = tpu.memref_slice %arg7[%dma_wait3A_38] : memref<10000xi32, #tpu.memory_space<vmem>> -> memref<80xi32, #tpu.memory_space<vmem>>
    %dma_wait3A_40 = arith.constant 0 : i32
    %dma_wait3A_41 = arith.constant 0 : i32
    %dma_wait3A_42 = tpu.memref_slice %arg2[%dma_wait3A_40, %dma_wait3A_41] : memref<10240x128xf32, #tpu.memory_space<hbm>> -> memref<10240x128xf32, #tpu.memory_space<hbm>>
    tpu.wait_indirect_dma semaphore(%arg10 : memref<!tpu.dma_semaphore, #tpu.memory_space<semaphore_mem>>) src(%dma_wait3A_42 : memref<10240x128xf32, #tpu.memory_space<hbm>>) dst(%dma_wait3A_37 : memref<80x128xf32, #tpu.memory_space<vmem>>)
    %run_scoped3A = arith.constant 124 : i32
    "tpu.region"() ({
      %run_scoped3A_51 = tpu.sem_alloc : memref<!tpu.dma_semaphore, #tpu.memory_space<semaphore_mem>>
      %dma_start3A_52 = arith.constant 0 : i32
      %dma_start3A_53 = arith.constant 0 : i32
      %dma_start3A_54 = tpu.memref_slice %arg9[%dma_start3A_52, %dma_start3A_53] : memref<160x128xf32, #tpu.memory_space<vmem>> -> memref<80x128xf32, #tpu.memory_space<vmem>>
      %dma_start3A_55 = arith.constant 0 : i32
      %dma_start3A_56 = tpu.memref_slice %arg8[%run_scoped3A, %dma_start3A_55] : memref<125x80xi32, #tpu.memory_space<vmem>> -> memref<1x80xi32, #tpu.memory_space<vmem>>
      %dma_start3A_57 = tpu.memref_squeeze %dma_start3A_56 : memref<1x80xi32, #tpu.memory_space<vmem>> -> memref<80xi32, #tpu.memory_space<vmem>>
      %dma_start3A_58 = arith.constant 0 : i32
      %dma_start3A_59 = arith.constant 0 : i32
      %dma_start3A_60 = tpu.memref_slice %arg13[%dma_start3A_58, %dma_start3A_59] : memref<10240x128xf32, #tpu.memory_space<vmem_shared>> -> memref<10240x128xf32, #tpu.memory_space<vmem_shared>>
      tpu.enqueue_indirect_dma source(%dma_start3A_54 : memref<80x128xf32, #tpu.memory_space<vmem>>) target(%dma_start3A_60 : memref<10240x128xf32, #tpu.memory_space<vmem_shared>>) offsets(%dma_start3A_57 : memref<80xi32, #tpu.memory_space<vmem>>) semaphore(%run_scoped3A_51 : memref<!tpu.dma_semaphore, #tpu.memory_space<semaphore_mem>>) {add = true}
      %dma_wait3A_61 = arith.constant 0 : i32
      %dma_wait3A_62 = arith.constant 0 : i32
      %dma_wait3A_63 = tpu.memref_slice %arg9[%dma_wait3A_61, %dma_wait3A_62] : memref<160x128xf32, #tpu.memory_space<vmem>> -> memref<80x128xf32, #tpu.memory_space<vmem>>
      %dma_wait3A_64 = arith.constant 0 : i32
      %dma_wait3A_65 = tpu.memref_slice %arg8[%run_scoped3A, %dma_wait3A_64] : memref<125x80xi32, #tpu.memory_space<vmem>> -> memref<1x80xi32, #tpu.memory_space<vmem>>
      %dma_wait3A_66 = tpu.memref_squeeze %dma_wait3A_65 : memref<1x80xi32, #tpu.memory_space<vmem>> -> memref<80xi32, #tpu.memory_space<vmem>>
      %dma_wait3A_67 = arith.constant 0 : i32
      %dma_wait3A_68 = arith.constant 0 : i32
      %dma_wait3A_69 = tpu.memref_slice %arg13[%dma_wait3A_67, %dma_wait3A_68] : memref<10240x128xf32, #tpu.memory_space<vmem_shared>> -> memref<10240x128xf32, #tpu.memory_space<vmem_shared>>
      tpu.wait_indirect_dma semaphore(%run_scoped3A_51 : memref<!tpu.dma_semaphore, #tpu.memory_space<semaphore_mem>>) src(%dma_wait3A_63 : memref<80x128xf32, #tpu.memory_space<vmem>>) dst(%dma_wait3A_69 : memref<10240x128xf32, #tpu.memory_space<vmem_shared>>)
      tpu.yield
    }) : () -> ()
    %barrier3A_43 = arith.constant 0 : index
    tpu.barrier barrier_id(%barrier3A_43)
    %mul3A_44 = arith.constant 640 : i32
    %mul3A_45 = arith.muli %arg1, %mul3A_44 : i32
    %mul3A_46 = arith.constant 10240 : i32
    %mul3A_47 = arith.muli %arg0, %mul3A_46 : i32
    %mul3A_48 = arith.constant 640 : i32
    %mul3A_49 = arith.muli %arg1, %mul3A_48 : i32
    %add3A_50 = arith.addi %mul3A_47, %mul3A_49 : i32
    "tpu.region"() ({
      %run_scoped3A_51 = tpu.sem_alloc : memref<!tpu.dma_semaphore, #tpu.memory_space<semaphore_mem>>
      %dma_start3A_52 = arith.constant 0 : i32
      %dma_start3A_53 = tpu.memref_slice %arg6[%add3A_50, %dma_start3A_52] : memref<20480x128xf32, #tpu.memory_space<hbm>> -> memref<640x128xf32, #tpu.memory_space<hbm>>
      %dma_start3A_54 = arith.constant 0 : i32
      %dma_start3A_55 = tpu.memref_slice %arg13[%mul3A_45, %dma_start3A_54] : memref<10240x128xf32, #tpu.memory_space<vmem_shared>> -> memref<640x128xf32, #tpu.memory_space<vmem_shared>>
      tpu.enqueue_dma source(%dma_start3A_55 : memref<640x128xf32, #tpu.memory_space<vmem_shared>>) target(%dma_start3A_53 : memref<640x128xf32, #tpu.memory_space<hbm>>) target_semaphore(%run_scoped3A_51 : memref<!tpu.dma_semaphore, #tpu.memory_space<semaphore_mem>>)
      %dma_wait3A_56 = arith.constant 0 : i32
      %dma_wait3A_57 = tpu.memref_slice %arg6[%add3A_50, %dma_wait3A_56] : memref<20480x128xf32, #tpu.memory_space<hbm>> -> memref<640x128xf32, #tpu.memory_space<hbm>>
      %dma_wait3A_58 = arith.constant 0 : i32
      %dma_wait3A_59 = tpu.memref_slice %arg13[%mul3A_45, %dma_wait3A_58] : memref<10240x128xf32, #tpu.memory_space<vmem_shared>> -> memref<640x128xf32, #tpu.memory_space<vmem_shared>>
      tpu.wait_dma2 semaphore(%run_scoped3A_51 : memref<!tpu.dma_semaphore, #tpu.memory_space<semaphore_mem>>) src(%dma_wait3A_59 : memref<640x128xf32, #tpu.memory_space<vmem_shared>>) dst(%dma_wait3A_57 : memref<640x128xf32, #tpu.memory_space<hbm>>)
      tpu.yield
    }) : () -> ()
    return
  }
}

module attributes {stable_mosaic.version = 14 : i64} {
  func.func @_tc_prep_body(%arg0: i32, %arg1: memref<1280x1xf32, #tpu.memory_space<vmem>>, %arg2: memref<1280x1xf32, #tpu.memory_space<vmem>>, %arg3: memref<1280x128xf32, #tpu.memory_space<vmem>>, %arg4: memref<128x128xf32, #tpu.memory_space<vmem>>, %arg5: memref<1x128xf32, #tpu.memory_space<vmem>>, %arg6: memref<1280x1xf32, #tpu.memory_space<vmem>>, %arg7: memref<1280x128xf32, #tpu.memory_space<vmem>>, %arg8: memref<1280x128xf32, #tpu.memory_space<vmem>>) attributes {dimension_semantics = [#tpu.dimension_semantics<arbitrary>], iteration_bounds = array<i64: 8>, scalar_prefetch = 0 : i64, scratch_operands = 0 : i64, tpu.core_type = #tpu.core_type<tc>, window_params = [{transform_indices = @transform_0, window_bounds = array<i64: 1280, 1>}, {transform_indices = @transform_1, window_bounds = array<i64: 1280, 1>}, {transform_indices = @transform_2, window_bounds = array<i64: 1280, 128>}, {pipeline_mode = #tpu.pipeline_mode<synchronous>, transform_indices = @transform_3, window_bounds = array<i64: 128, 128>}, {pipeline_mode = #tpu.pipeline_mode<synchronous>, transform_indices = @transform_4, window_bounds = array<i64: 1, 128>}, {transform_indices = @transform_5, window_bounds = array<i64: 1280, 1>}, {transform_indices = @transform_6, window_bounds = array<i64: 1280, 128>}, {transform_indices = @transform_7, window_bounds = array<i64: 1280, 128>}]} {
    %get3A = arith.constant 0 : index
    %get3A_0 = arith.constant 0 : index
    %get3A_1 = vector.load %arg1[%get3A, %get3A_0] : memref<1280x1xf32, #tpu.memory_space<vmem>>, vector<1280x1xf32>
    %get3A_2 = arith.constant 0 : index
    %get3A_3 = arith.constant 0 : index
    %get3A_4 = vector.load %arg2[%get3A_2, %get3A_3] : memref<1280x1xf32, #tpu.memory_space<vmem>>, vector<1280x1xf32>
    %add3A = arith.addf %get3A_1, %get3A_4 : vector<1280x1xf32>
    %gt3A = arith.constant 0.000000e+00 : f32
    %gt3A_5 = vector.broadcast %gt3A : f32 to vector<1280x1xf32>
    %gt3A_6 = arith.cmpf ogt, %add3A, %gt3A_5 : vector<1280x1xf32>
    %rsqrt3A = math.rsqrt %add3A : vector<1280x1xf32>
    %jit3A = arith.constant 0.000000e+00 : f32
    %broadcast_in_dim3A = vector.broadcast %jit3A : f32 to vector<1280x1xf32>
    %select_n3A = arith.select %gt3A_6, %rsqrt3A, %broadcast_in_dim3A : vector<1280x1xi1>, vector<1280x1xf32>
    %swap3A = arith.constant 0 : index
    %swap3A_7 = arith.constant 0 : index
    %swap3A_8 = vector.load %arg6[%swap3A, %swap3A_7] : memref<1280x1xf32, #tpu.memory_space<vmem>>, vector<1280x1xf32>
    tpu.vector_store %arg6[%swap3A, %swap3A_7], %select_n3A {strides = array<i32>} : memref<1280x1xf32, #tpu.memory_space<vmem>>, vector<1280x1xf32>,
    %get3A_9 = arith.constant 0 : index
    %get3A_10 = arith.constant 0 : index
    %get3A_11 = vector.load %arg3[%get3A_9, %get3A_10] : memref<1280x128xf32, #tpu.memory_space<vmem>>, vector<1280x128xf32>
    %mul3A = vector.broadcast %select_n3A : vector<1280x1xf32> to vector<1280x128xf32>
    %mul3A_12 = arith.mulf %mul3A, %get3A_11 : vector<1280x128xf32>
    %swap3A_13 = arith.constant 0 : index
    %swap3A_14 = arith.constant 0 : index
    %swap3A_15 = vector.load %arg7[%swap3A_13, %swap3A_14] : memref<1280x128xf32, #tpu.memory_space<vmem>>, vector<1280x128xf32>
    tpu.vector_store %arg7[%swap3A_13, %swap3A_14], %mul3A_12 {strides = array<i32>} : memref<1280x128xf32, #tpu.memory_space<vmem>>, vector<1280x128xf32>,
    %get3A_16 = arith.constant 0 : index
    %get3A_17 = arith.constant 0 : index
    %get3A_18 = vector.load %arg3[%get3A_16, %get3A_17] : memref<1280x128xf32, #tpu.memory_space<vmem>>, vector<1280x128xf32>
    %get3A_19 = arith.constant 0 : index
    %get3A_20 = arith.constant 0 : index
    %get3A_21 = vector.load %arg4[%get3A_19, %get3A_20] : memref<128x128xf32, #tpu.memory_space<vmem>>, vector<128x128xf32>
    %dot_general3A = arith.constant dense<0.000000e+00> : vector<1280x128xf32>
    %dot_general3A_22 = tpu.matmul %get3A_18, %get3A_21, %dot_general3A {dimension_numbers = #tpu.dot_dimension_numbers<[1], [0], [0], [1], [0, 0, 1, 1], [], []>, transpose_lhs_hint = false} : vector<1280x128xf32>, vector<128x128xf32>, vector<1280x128xf32> -> vector<1280x128xf32>
    %get3A_23 = arith.constant 0 : index
    %get3A_24 = arith.constant 0 : index
    %get3A_25 = vector.load %arg5[%get3A_23, %get3A_24] : memref<1x128xf32, #tpu.memory_space<vmem>>, vector<1x128xf32>
    %add3A_26 = vector.broadcast %get3A_25 : vector<1x128xf32> to vector<1280x128xf32>
    %add3A_27 = arith.addf %dot_general3A_22, %add3A_26 : vector<1280x128xf32>
    %swap3A_28 = arith.constant 0 : index
    %swap3A_29 = arith.constant 0 : index
    %swap3A_30 = vector.load %arg8[%swap3A_28, %swap3A_29] : memref<1280x128xf32, #tpu.memory_space<vmem>>, vector<1280x128xf32>
    tpu.vector_store %arg8[%swap3A_28, %swap3A_29], %add3A_27 {strides = array<i32>} : memref<1280x128xf32, #tpu.memory_space<vmem>>, vector<1280x128xf32>,
    return
  }
  func.func @transform_0(%arg0: i32) -> (i32, i32) {
    %c0_i32 = arith.constant 0 : i32
    %c0_i32_0 = arith.constant 0 : i32
    return %arg0, %c0_i32 : i32, i32
  }
  func.func @transform_1(%arg0: i32) -> (i32, i32) {
    %c0_i32 = arith.constant 0 : i32
    %c0_i32_0 = arith.constant 0 : i32
    return %arg0, %c0_i32 : i32, i32
  }
  func.func @transform_2(%arg0: i32) -> (i32, i32) {
    %c0_i32 = arith.constant 0 : i32
    %c0_i32_0 = arith.constant 0 : i32
    return %arg0, %c0_i32 : i32, i32
  }
  func.func @transform_3(%arg0: i32) -> (i32, i32) {
    %c0_i32 = arith.constant 0 : i32
    %c0_i32_0 = arith.constant 0 : i32
    %c0_i32_1 = arith.constant 0 : i32
    return %c0_i32, %c0_i32_0 : i32, i32
  }
  func.func @transform_4(%arg0: i32) -> (i32, i32) {
    %c0_i32 = arith.constant 0 : i32
    %c0_i32_0 = arith.constant 0 : i32
    %c0_i32_1 = arith.constant 0 : i32
    return %c0_i32, %c0_i32_0 : i32, i32
  }
  func.func @transform_5(%arg0: i32) -> (i32, i32) {
    %c0_i32 = arith.constant 0 : i32
    %c0_i32_0 = arith.constant 0 : i32
    return %arg0, %c0_i32 : i32, i32
  }
  func.func @transform_6(%arg0: i32) -> (i32, i32) {
    %c0_i32 = arith.constant 0 : i32
    %c0_i32_0 = arith.constant 0 : i32
    return %arg0, %c0_i32 : i32, i32
  }
  func.func @transform_7(%arg0: i32) -> (i32, i32) {
    %c0_i32 = arith.constant 0 : i32
    %c0_i32_0 = arith.constant 0 : i32
    return %arg0, %c0_i32 : i32, i32
  }
}

module attributes {stable_mosaic.version = 14 : i64} {
  func.func @_tc_layer_body(%arg0: i32, %arg1: memref<1280x128xf32, #tpu.memory_space<vmem>>, %arg2: memref<1280x128xf32, #tpu.memory_space<vmem>>, %arg3: memref<1280x1xf32, #tpu.memory_space<vmem>>, %arg4: memref<1280x128xf32, #tpu.memory_space<vmem>>, %arg5: memref<128x128xf32, #tpu.memory_space<vmem>>, %arg6: memref<128x128xf32, #tpu.memory_space<vmem>>, %arg7: memref<1x128xf32, #tpu.memory_space<vmem>>, %arg8: memref<1280x128xf32, #tpu.memory_space<vmem>>, %arg9: memref<1280x128xf32, #tpu.memory_space<vmem>>, %arg10: memref<1280x128xf32, #tpu.memory_space<vmem>>) attributes {dimension_semantics = [#tpu.dimension_semantics<arbitrary>], iteration_bounds = array<i64: 8>, scalar_prefetch = 0 : i64, scratch_operands = 0 : i64, tpu.core_type = #tpu.core_type<tc>, window_params = [{transform_indices = @transform_0, window_bounds = array<i64: 1280, 128>}, {transform_indices = @transform_1, window_bounds = array<i64: 1280, 128>}, {transform_indices = @transform_2, window_bounds = array<i64: 1280, 1>}, {transform_indices = @transform_3, window_bounds = array<i64: 1280, 128>}, {pipeline_mode = #tpu.pipeline_mode<synchronous>, transform_indices = @transform_4, window_bounds = array<i64: 128, 128>}, {pipeline_mode = #tpu.pipeline_mode<synchronous>, transform_indices = @transform_5, window_bounds = array<i64: 128, 128>}, {pipeline_mode = #tpu.pipeline_mode<synchronous>, transform_indices = @transform_6, window_bounds = array<i64: 1, 128>}, {transform_indices = @transform_7, window_bounds = array<i64: 1280, 128>}, {transform_indices = @transform_8, window_bounds = array<i64: 1280, 128>}, {transform_indices = @transform_9, window_bounds = array<i64: 1280, 128>}]} {
    %get3A = arith.constant 0 : index
    %get3A_0 = arith.constant 0 : index
    %get3A_1 = vector.load %arg1[%get3A, %get3A_0] : memref<1280x128xf32, #tpu.memory_space<vmem>>, vector<1280x128xf32>
    %get3A_2 = arith.constant 0 : index
    %get3A_3 = arith.constant 0 : index
    %get3A_4 = vector.load %arg2[%get3A_2, %get3A_3] : memref<1280x128xf32, #tpu.memory_space<vmem>>, vector<1280x128xf32>
    %add3A = arith.addf %get3A_1, %get3A_4 : vector<1280x128xf32>
    %get3A_5 = arith.constant 0 : index
    %get3A_6 = arith.constant 0 : index
    %get3A_7 = vector.load %arg3[%get3A_5, %get3A_6] : memref<1280x1xf32, #tpu.memory_space<vmem>>, vector<1280x1xf32>
    %mul3A = vector.broadcast %get3A_7 : vector<1280x1xf32> to vector<1280x128xf32>
    %mul3A_8 = arith.mulf %mul3A, %add3A : vector<1280x128xf32>
    %get3A_9 = arith.constant 0 : index
    %get3A_10 = arith.constant 0 : index
    %get3A_11 = vector.load %arg5[%get3A_9, %get3A_10] : memref<128x128xf32, #tpu.memory_space<vmem>>, vector<128x128xf32>
    %dot_general3A = arith.constant dense<0.000000e+00> : vector<1280x128xf32>
    %dot_general3A_12 = tpu.matmul %mul3A_8, %get3A_11, %dot_general3A {dimension_numbers = #tpu.dot_dimension_numbers<[1], [0], [0], [1], [0, 0, 1, 1], [], []>, transpose_lhs_hint = false} : vector<1280x128xf32>, vector<128x128xf32>, vector<1280x128xf32> -> vector<1280x128xf32>
    %get3A_13 = arith.constant 0 : index
    %get3A_14 = arith.constant 0 : index
    %get3A_15 = vector.load %arg4[%get3A_13, %get3A_14] : memref<1280x128xf32, #tpu.memory_space<vmem>>, vector<1280x128xf32>
    %add3A_16 = arith.addf %dot_general3A_12, %get3A_15 : vector<1280x128xf32>
    %max3A = arith.constant 0.000000e+00 : f32
    %max3A_17 = vector.broadcast %max3A : f32 to vector<1280x128xf32>
    %max3A_18 = arith.maximumf %add3A_16, %max3A_17 : vector<1280x128xf32>
    %swap3A = arith.constant 0 : index
    %swap3A_19 = arith.constant 0 : index
    %swap3A_20 = vector.load %arg8[%swap3A, %swap3A_19] : memref<1280x128xf32, #tpu.memory_space<vmem>>, vector<1280x128xf32>
    tpu.vector_store %arg8[%swap3A, %swap3A_19], %max3A_18 {strides = array<i32>} : memref<1280x128xf32, #tpu.memory_space<vmem>>, vector<1280x128xf32>,
    %mul3A_21 = vector.broadcast %get3A_7 : vector<1280x1xf32> to vector<1280x128xf32>
    %mul3A_22 = arith.mulf %mul3A_21, %max3A_18 : vector<1280x128xf32>
    %swap3A_23 = arith.constant 0 : index
    %swap3A_24 = arith.constant 0 : index
    %swap3A_25 = vector.load %arg9[%swap3A_23, %swap3A_24] : memref<1280x128xf32, #tpu.memory_space<vmem>>, vector<1280x128xf32>
    tpu.vector_store %arg9[%swap3A_23, %swap3A_24], %mul3A_22 {strides = array<i32>} : memref<1280x128xf32, #tpu.memory_space<vmem>>, vector<1280x128xf32>,
    %get3A_26 = arith.constant 0 : index
    %get3A_27 = arith.constant 0 : index
    %get3A_28 = vector.load %arg6[%get3A_26, %get3A_27] : memref<128x128xf32, #tpu.memory_space<vmem>>, vector<128x128xf32>
    %dot_general3A_29 = arith.constant dense<0.000000e+00> : vector<1280x128xf32>
    %dot_general3A_30 = tpu.matmul %max3A_18, %get3A_28, %dot_general3A_29 {dimension_numbers = #tpu.dot_dimension_numbers<[1], [0], [0], [1], [0, 0, 1, 1], [], []>, transpose_lhs_hint = false} : vector<1280x128xf32>, vector<128x128xf32>, vector<1280x128xf32> -> vector<1280x128xf32>
    %get3A_31 = arith.constant 0 : index
    %get3A_32 = arith.constant 0 : index
    %get3A_33 = vector.load %arg7[%get3A_31, %get3A_32] : memref<1x128xf32, #tpu.memory_space<vmem>>, vector<1x128xf32>
    %add3A_34 = vector.broadcast %get3A_33 : vector<1x128xf32> to vector<1280x128xf32>
    %add3A_35 = arith.addf %dot_general3A_30, %add3A_34 : vector<1280x128xf32>
    %swap3A_36 = arith.constant 0 : index
    %swap3A_37 = arith.constant 0 : index
    %swap3A_38 = vector.load %arg10[%swap3A_36, %swap3A_37] : memref<1280x128xf32, #tpu.memory_space<vmem>>, vector<1280x128xf32>
    tpu.vector_store %arg10[%swap3A_36, %swap3A_37], %add3A_35 {strides = array<i32>} : memref<1280x128xf32, #tpu.memory_space<vmem>>, vector<1280x128xf32>,
    return
  }
  func.func @transform_0(%arg0: i32) -> (i32, i32) {
    %c0_i32 = arith.constant 0 : i32
    %c0_i32_0 = arith.constant 0 : i32
    return %arg0, %c0_i32 : i32, i32
  }
  func.func @transform_1(%arg0: i32) -> (i32, i32) {
    %c0_i32 = arith.constant 0 : i32
    %c0_i32_0 = arith.constant 0 : i32
    return %arg0, %c0_i32 : i32, i32
  }
  func.func @transform_2(%arg0: i32) -> (i32, i32) {
    %c0_i32 = arith.constant 0 : i32
    %c0_i32_0 = arith.constant 0 : i32
    return %arg0, %c0_i32 : i32, i32
  }
  func.func @transform_3(%arg0: i32) -> (i32, i32) {
    %c0_i32 = arith.constant 0 : i32
    %c0_i32_0 = arith.constant 0 : i32
    return %arg0, %c0_i32 : i32, i32
  }
  func.func @transform_4(%arg0: i32) -> (i32, i32) {
    %c0_i32 = arith.constant 0 : i32
    %c0_i32_0 = arith.constant 0 : i32
    %c0_i32_1 = arith.constant 0 : i32
    return %c0_i32, %c0_i32_0 : i32, i32
  }
  func.func @transform_5(%arg0: i32) -> (i32, i32) {
    %c0_i32 = arith.constant 0 : i32
    %c0_i32_0 = arith.constant 0 : i32
    %c0_i32_1 = arith.constant 0 : i32
    return %c0_i32, %c0_i32_0 : i32, i32
  }
  func.func @transform_6(%arg0: i32) -> (i32, i32) {
    %c0_i32 = arith.constant 0 : i32
    %c0_i32_0 = arith.constant 0 : i32
    %c0_i32_1 = arith.constant 0 : i32
    return %c0_i32, %c0_i32_0 : i32, i32
  }
  func.func @transform_7(%arg0: i32) -> (i32, i32) {
    %c0_i32 = arith.constant 0 : i32
    %c0_i32_0 = arith.constant 0 : i32
    return %arg0, %c0_i32 : i32, i32
  }
  func.func @transform_8(%arg0: i32) -> (i32, i32) {
    %c0_i32 = arith.constant 0 : i32
    %c0_i32_0 = arith.constant 0 : i32
    return %arg0, %c0_i32 : i32, i32
  }
  func.func @transform_9(%arg0: i32) -> (i32, i32) {
    %c0_i32 = arith.constant 0 : i32
    %c0_i32_0 = arith.constant 0 : i32
    return %arg0, %c0_i32 : i32, i32
  }
}

module attributes {stable_mosaic.version = 14 : i64} {
  func.func @_tc_final_body(%arg0: i32, %arg1: memref<1280x128xf32, #tpu.memory_space<vmem>>, %arg2: memref<1280x128xf32, #tpu.memory_space<vmem>>, %arg3: memref<1280x1xf32, #tpu.memory_space<vmem>>, %arg4: memref<1280x128xf32, #tpu.memory_space<vmem>>, %arg5: memref<128x128xf32, #tpu.memory_space<vmem>>, %arg6: memref<1280x128xf32, #tpu.memory_space<vmem>>) attributes {dimension_semantics = [#tpu.dimension_semantics<arbitrary>], iteration_bounds = array<i64: 8>, scalar_prefetch = 0 : i64, scratch_operands = 0 : i64, tpu.core_type = #tpu.core_type<tc>, window_params = [{transform_indices = @transform_0, window_bounds = array<i64: 1280, 128>}, {transform_indices = @transform_1, window_bounds = array<i64: 1280, 128>}, {transform_indices = @transform_2, window_bounds = array<i64: 1280, 1>}, {transform_indices = @transform_3, window_bounds = array<i64: 1280, 128>}, {pipeline_mode = #tpu.pipeline_mode<synchronous>, transform_indices = @transform_4, window_bounds = array<i64: 128, 128>}, {transform_indices = @transform_5, window_bounds = array<i64: 1280, 128>}]} {
    %get3A = arith.constant 0 : index
    %get3A_0 = arith.constant 0 : index
    %get3A_1 = vector.load %arg1[%get3A, %get3A_0] : memref<1280x128xf32, #tpu.memory_space<vmem>>, vector<1280x128xf32>
    %get3A_2 = arith.constant 0 : index
    %get3A_3 = arith.constant 0 : index
    %get3A_4 = vector.load %arg2[%get3A_2, %get3A_3] : memref<1280x128xf32, #tpu.memory_space<vmem>>, vector<1280x128xf32>
    %add3A = arith.addf %get3A_1, %get3A_4 : vector<1280x128xf32>
    %get3A_5 = arith.constant 0 : index
    %get3A_6 = arith.constant 0 : index
    %get3A_7 = vector.load %arg3[%get3A_5, %get3A_6] : memref<1280x1xf32, #tpu.memory_space<vmem>>, vector<1280x1xf32>
    %mul3A = vector.broadcast %get3A_7 : vector<1280x1xf32> to vector<1280x128xf32>
    %mul3A_8 = arith.mulf %mul3A, %add3A : vector<1280x128xf32>
    %get3A_9 = arith.constant 0 : index
    %get3A_10 = arith.constant 0 : index
    %get3A_11 = vector.load %arg5[%get3A_9, %get3A_10] : memref<128x128xf32, #tpu.memory_space<vmem>>, vector<128x128xf32>
    %dot_general3A = arith.constant dense<0.000000e+00> : vector<1280x128xf32>
    %dot_general3A_12 = tpu.matmul %mul3A_8, %get3A_11, %dot_general3A {dimension_numbers = #tpu.dot_dimension_numbers<[1], [0], [0], [1], [0, 0, 1, 1], [], []>, transpose_lhs_hint = false} : vector<1280x128xf32>, vector<128x128xf32>, vector<1280x128xf32> -> vector<1280x128xf32>
    %get3A_13 = arith.constant 0 : index
    %get3A_14 = arith.constant 0 : index
    %get3A_15 = vector.load %arg4[%get3A_13, %get3A_14] : memref<1280x128xf32, #tpu.memory_space<vmem>>, vector<1280x128xf32>
    %add3A_16 = arith.addf %dot_general3A_12, %get3A_15 : vector<1280x128xf32>
    %swap3A = arith.constant 0 : index
    %swap3A_17 = arith.constant 0 : index
    %swap3A_18 = vector.load %arg6[%swap3A, %swap3A_17] : memref<1280x128xf32, #tpu.memory_space<vmem>>, vector<1280x128xf32>
    tpu.vector_store %arg6[%swap3A, %swap3A_17], %add3A_16 {strides = array<i32>} : memref<1280x128xf32, #tpu.memory_space<vmem>>, vector<1280x128xf32>,
    return
  }
  func.func @transform_0(%arg0: i32) -> (i32, i32) {
    %c0_i32 = arith.constant 0 : i32
    %c0_i32_0 = arith.constant 0 : i32
    return %arg0, %c0_i32 : i32, i32
  }
  func.func @transform_1(%arg0: i32) -> (i32, i32) {
    %c0_i32 = arith.constant 0 : i32
    %c0_i32_0 = arith.constant 0 : i32
    return %arg0, %c0_i32 : i32, i32
  }
  func.func @transform_2(%arg0: i32) -> (i32, i32) {
    %c0_i32 = arith.constant 0 : i32
    %c0_i32_0 = arith.constant 0 : i32
    return %arg0, %c0_i32 : i32, i32
  }
  func.func @transform_3(%arg0: i32) -> (i32, i32) {
    %c0_i32 = arith.constant 0 : i32
    %c0_i32_0 = arith.constant 0 : i32
    return %arg0, %c0_i32 : i32, i32
  }
  func.func @transform_4(%arg0: i32) -> (i32, i32) {
    %c0_i32 = arith.constant 0 : i32
    %c0_i32_0 = arith.constant 0 : i32
    %c0_i32_1 = arith.constant 0 : i32
    return %c0_i32, %c0_i32_0 : i32, i32
  }
  func.func @transform_5(%arg0: i32) -> (i32, i32) {
    %c0_i32 = arith.constant 0 : i32
    %c0_i32_0 = arith.constant 0 : i32
    return %arg0, %c0_i32 : i32, i32
  }
}

</mosaic_0001>

<sc_bundles>
// kernel: kernel.10.cloned.1.call-start
scs
__scs_entry_jumppad:
0x0: {  	(pc) =	sbr.rel $0x88, $3  }
0x1: {  	(tag) =	ssettag $0x0;
	lr =	simm.s32 $0x1  }
0x2: {  	[smem:$0x3F99] =	sst lr;
	_ =	strace $0xD0000000  }
0x3: {  	_ = 	snop  }
0x4: {  	_ = 	snop  }
0x5: {  	_ = 	snop  }
0x6: {  	_ = 	snop  }
0x7: {  	_ = 	snop  }
__scs_overlays_trampoline_lowered:
0x8: {  	[smem:$0x3FA8] =	sst s0  }
0x9: {  	[smem:$0x3FA9] =	sst s1  }
0xa: {  	[smem:$0x3FAA] =	sst s2  }
0xb: {  	[smem:$0x3FAB] =	sst s3  }
0xc: {  	[smem:$0x3FAC] =	sst s4  }
0xd: {  	[smem:$0x3FAD] =	sst s5  }
0xe: {  	[smem:$0x3FAE] =	sst s6  }
0xf: {  	[smem:$0x3FAF] =	sst s7  }
0x10: {  	[smem:$0x3FB0] =	sst s8  }
0x11: {  	[smem:$0x3FB1] =	sst s9;
	s0 =	simm.s32 @!p0 $0x0  }
0x12: {  	s1 =	sld [smem:$0x3F97];
	s0 =	simm.s32 @p0 $0x1  }
0x13: {  	[smem:$0x3FB2] =	sst s0;
	s0 =	simm.s32 @!p1 $0x0  }
0x14: {  	s2 =	sld [smem:$0x3F96];
	s0 =	simm.s32 @p1 $0x1  }
0x15: {  	[smem:$0x3FB3] =	sst s0;
	s0 =	simm.s32 @!p2 $0x0  }
0x16: {  	s3 =	sld [smem:$0x3FDB];
	s0 =	simm.s32 @p2 $0x1  }
0x17: {  	s4 =	simm.s32 $0x1BF5;
	[smem:$0x3FB5] =	sst s0  }
0x18: {  	s0 =	sld [smem:$0x3F98];
	_ =	swait.ge [sflag:s4], $0x0  }
0x19: {  	s7 =	sld [smem:$0x3F99]  }
0x1a: {  	s8 =	sadd.s32 $0xFFFFE003, lr  }
0x1b: {  	s9 =	sadd.s32 $0xFFFFFEF7, lr;
	s5 =	simm.s32 $0xFFFFFFFF;
	p2 =	slt.u32 s8, $0xFFFFF086  }
0x1c: {  	p1 =	slt.u32 s9, $0xF7A;
	s5 =	simm.s32 @!p2 $0x0  }
0x1d: {  	s5 =	simm.s32 @p1 $0x1;
	p0 =	seq.s32 s7, s2  }
0x1e: {  	s7 =	smul.u32 @!p0 $0xF7A, s2;
	p2 =	seq.s32 @!p0 s5, $0x0  }
0x1f: {  	s9 =	smul.u32 $0xF7A, s1;
	s8 =	simm.s32 @!p0 $0x1BF5;
	p2 =	por !p2, p0  }
0x20: {  	[sflag:s8] =	ssyncset.s32 @!p0 $0xFFFFF086;
	s6 =	sadd.s32 @!p0 s3, s7;
	s7 =	simm.s32 @!p0 $0x108  }
0x21: {  	s3 =	sadd.s32 s3, s9;
	s6 =	sadd.s32 @!p0 $0x88, s6;
	s7 =	simm.s32 @p2 $0x1082  }
0x22: {  	[simem:s7], [sflag:s8] =	dma.local @!p0 [hbm:s6], $0xF7A  }
0x23: {  	s9 =	sor.u32 $0xD0000000, s2;
	s6 =	simm.s32 $0x108;
	_ =	swait.ge @!p0 [sflag:s8], $0x0  }
0x24: {  	s3 =	sadd.s32 $0x88, s3;
	s6 =	simm.s32 @!p1 $0x1082;
	[sflag:s4] =	ssyncset.s32 $0xFFFFF086  }
0x25: {  	[simem:s6], [sflag:s4] =	dma.local [hbm:s3], $0xF7A  }
0x26: {  	[smem:$0x3F99] =	sst s1;
	(tag) =	ssettag s2;
	_ =	strace s9  }
0x27: {  	s1 =	sld [smem:$0x3FA9]  }
0x28: {  	s2 =	sld [smem:$0x3FAA]  }
0x29: {  	s4 =	sld [smem:$0x3FAC]  }
0x2a: {  	p0 =	seq.s32 s5, $0x0;
	s5 =	sld [smem:$0x3FAD]  }
0x2b: {  	s6 =	sld [smem:$0x3FAE]  }
0x2c: {  	s7 =	sld [smem:$0x3FAF]  }
0x2d: {  	s3 =	simm.s32 $0x108;
	s8 =	sld [smem:$0x3FB0]  }
0x2e: {  	s3 =	simm.s32 @!p0 $0x1082;
	s9 =	sld [smem:$0x3FB1]  }
0x2f: {  	lr =	sadd.s32 s0, s3;
	s0 =	sld [smem:$0x3FA8]  }
0x30: {  	s3 =	sld [smem:$0x3FAB]  }
0x31: {  	[smem:$0x3FB4] =	sst s10  }
0x32: {  	s10 =	sld [smem:$0x3FB2];
	_ =	sdelay $0x3  }
0x33: {  	p0 =	seq.s32 s10, $0x1;
	s10 =	sld [smem:$0x3FB4];
	_ =	sdelay $0x3  }
0x34: {  	[smem:$0x3FB4] =	sst s10  }
0x35: {  	s10 =	sld [smem:$0x3FB3];
	_ =	sdelay $0x3  }
0x36: {  	p1 =	seq.s32 s10, $0x1;
	s10 =	sld [smem:$0x3FB4];
	_ =	sdelay $0x3  }
0x37: {  	[smem:$0x3FB4] =	sst s10  }
0x38: {  	s10 =	sld [smem:$0x3FB5]  }
0x39: {  	_ = 	snop;
	(pc) =	sbr.ind lr, $3  }
0x3a: {  	_ = 	snop  }
0x3b: {  	_ = 	snop  }
0x3c: {  	p2 =	seq.s32 s10, $0x1;
	s10 =	sld [smem:$0x3FB4]  }
0x3d: {  	_ =	shalt  }
0x3e: {  	_ =	shalt  }
0x3f: {  	_ =	shalt  }
0x40: {  	_ =	shalt  }
0x41: {  	_ =	shalt  }
0x42: {  	_ =	shalt  }
0x43: {  	_ =	shalt  }
0x44: {  	_ =	shalt  }
0x45: {  	_ =	shalt  }
0x46: {  	_ =	shalt  }
0x47: {  	_ =	shalt  }
0x48: {  	_ =	shalt  }
0x49: {  	_ =	shalt  }
0x4a: {  	_ =	shalt  }
0x4b: {  	_ =	shalt  }
0x4c: {  	_ =	shalt  }
0x4d: {  	_ =	shalt  }
0x4e: {  	_ =	shalt  }
0x4f: {  	_ =	shalt  }
0x50: {  	_ =	shalt  }
0x51: {  	_ =	shalt  }
0x52: {  	_ =	shalt  }
0x53: {  	_ =	shalt  }
0x54: {  	_ =	shalt  }
0x55: {  	_ =	shalt  }
0x56: {  	_ =	shalt  }
0x57: {  	_ =	shalt  }
0x58: {  	_ =	shalt  }
0x59: {  	_ =	shalt  }
0x5a: {  	_ =	shalt  }
0x5b: {  	_ =	shalt  }
0x5c: {  	_ =	shalt  }
0x5d: {  	_ =	shalt  }
0x5e: {  	_ =	shalt  }
0x5f: {  	_ =	shalt  }
0x60: {  	_ =	shalt  }
0x61: {  	_ =	shalt  }
0x62: {  	_ =	shalt  }
0x63: {  	_ =	shalt  }
0x64: {  	_ =	shalt  }
0x65: {  	_ =	shalt  }
0x66: {  	_ =	shalt  }
0x67: {  	_ =	shalt  }
0x68: {  	_ =	shalt  }
0x69: {  	_ =	shalt  }
0x6a: {  	_ =	shalt  }
0x6b: {  	_ =	shalt  }
0x6c: {  	_ =	shalt  }
0x6d: {  	_ =	shalt  }
0x6e: {  	_ =	shalt  }
0x6f: {  	_ =	shalt  }
0x70: {  	_ =	shalt  }
0x71: {  	_ =	shalt  }
0x72: {  	_ =	shalt  }
0x73: {  	_ =	shalt  }
0x74: {  	_ =	shalt  }
0x75: {  	_ =	shalt  }
0x76: {  	_ =	shalt  }
0x77: {  	_ =	shalt  }
0x78: {  	_ =	shalt  }
0x79: {  	_ =	shalt  }
0x7a: {  	_ =	shalt  }
0x7b: {  	_ =	shalt  }
0x7c: {  	_ =	shalt  }
0x7d: {  	_ =	shalt  }
0x7e: {  	_ =	shalt  }
0x7f: {  	_ =	shalt  }
0x80: {  	_ =	shalt  }
0x81: {  	_ =	shalt  }
0x82: {  	_ =	shalt  }
0x83: {  	_ =	shalt  }
0x84: {  	_ =	shalt  }
0x85: {  	_ =	shalt  }
0x86: {  	_ =	shalt  }
0x87: {  	_ =	shalt  }
.Lfunc_end0:
.L_simem_size_0:
called_computation_lowered:
.L_overlay_start_0:
0x88: {  	s2 =	sld [smem:$0x3FD9]  }
0x89: {  	s3 =	sld [smem:$0x3FFE];
	_ =	sdelay $0x1  }
0x8a: {  	s1 =	srdreg.scid  }
0x8b: {  	s0 =	sand.u32 $0x1, s1  }
0x8c: {  	s17 =	sshll.u32 s0, $0xA;
	s2 =	sadd.s32 s3, s2  }
0x8d: {  	s2 =	sadd.s32 s2, s17  }
0x8e: {  	[smem:$0x3FC0] =	sst s2  }
0x8f: {  	_ = 	snop  }
0x90: {  	s2 =	sld [smem:$0x3FD0];
	(tm) =	ssettm $0x1  }
0x91: {  	s18 =	sld [smem:$0x3FFB];
	_ =	sdelay $0x3  }
0x92: {  	_ =	strace s18  }
0x93: {  	s3 =	sld [smem:$0x3FFC];
	_ =	sdelay $0x3  }
0x94: {  	_ =	strace s3  }
0x95: {  	s3 =	sld [smem:$0x3FFD];
	_ =	sdelay $0x3  }
0x96: {  	_ =	strace s3  }
0x97: {  	_ =	strace $0x8FFFFFFF  }
0x98: {  	s19 =	sld [smem:$0x3FDB];
	_ =	sdelay $0x1  }
0x99: {  	s4 =	simm.s32 $_scs_section_size  }
0x9a: {  	s5 =	simm.s32 $_size__tile_overlayer_lowered;
	s6 =	simm.s32 $_tile_overlayer_lowered  }
0x9b: {  	s22 =	simm.s32 $0x1BFF;
	s21 =	sshll.u32 s6, $0x1;
	s3 =	sadd.s32 s4, s19  }
0x9c: {  	s7 =	simm.s32 $0x0;
	s20 =	sshll.u32 s5, $0x1;
	s5 =	sadd.s32 s21, s3  }
0x9d: {  	[timem:s7], [sflag:s22] =	dma.local [hbm:s5], s20  }
0x9e: {  	_ =	swait.ge [sflag:s22], s20  }
0x9f: {  	s4 =	ssub.s32 $0x0, s20;
	[sflag:s22] =	ssyncset.done $0x0  }
0xa0: {  	[sflag:s22] =	ssyncadd.s32 s4;
	_ =	sdelay $0x1  }
0xa1: {  	s23 =	simm.s32 $0x1B8B  }
0xa2: {  	_ =	swait.ge [sflag:s23], $0x1  }
0xa3: {  	[sflag:s23] =	ssyncset.done $0x0  }
0xa4: {  	s25 =	simm.s32 $0x1B8E;
	s24 =	sld [smem:$0x3FFE];
	[sflag:s23] =	ssyncadd.s32 $0xFFFFFFFF  }
0xa5: {  	s26 =	simm.s32 $execute0_lowered;
	[smem:$0x3FD2] =	sst s25  }
0xa6: {  	s5 =	sshll.u32 s26, $0x1;
	_ =	strace $0x80000046;
	[dreg:$0x1] =	wrdreg $0xFFFFFFFF  }
0xa7: {  	s28 =	simm.s32 $_size_execute0_lowered;
	s3 =	sadd.s32 s3, s5;
	[dreg:$0x0] =	wrdreg $0x0  }
0xa8: {  	s5 =	sshll.u32 s28, $0x1;
	[dreg:$0x2] =	wrdreg s3  }
0xa9: {  	[dreg:$0x3] =	wrdreg s5  }
0xaa: {  	[dreg:$0x4] =	wrdreg $0xC0  }
0xab: {  	_ =	task [dreg:s7], $0x5FFFF  }
0xac: {  	[dreg:$0x1] =	wrdreg $0xFFFFFFFF  }
0xad: {  	[dreg:$0x0] =	wrdreg $0x60  }
0xae: {  	[dreg:$0x2] =	wrdreg s2  }
0xaf: {  	[dreg:$0x3] =	wrdreg s24  }
0xb0: {  	[dreg:$0x4] =	wrdreg $0x10800  }
0xb1: {  	[dreg:$0x5] =	wrdreg $0x9  }
0xb2: {  	_ =	task.clear_ibuf [dreg:s7], $0x6FFFF;
	_ =	strace $0x90000046  }
0xb3: {  	s29 =	simm.s32 $0x9;
	_ =	strace $0x80000048  }
0xb4: {  	_ =	swait.ge [sflag:s29], $0x1  }
0xb5: {  	[sflag:s29] =	ssyncadd.s32 $0xFFFFFFFF  }
0xb6: {  	_ =	strace $0x90000048  }
0xb7: {  	_ =	sfence  }
0xb8: {  	s30 =	sld [smem:$0x0];
	_ =	sdelay $0x2  }
0xb9: {  	s31 =	sshll.u32 s1, $0xD;
	s1 =	sshrl.u32 s1, $0x2  }
0xba: {  	s3 =	sand.u32 $0x4000, s31;
	s1 =	sadd.s32 s1, s30  }
0xbb: {  	s0 =	sor.u32 s3, s0;
	s1 =	sshll.u32 s1, $0x11  }
0xbc: {  	s0 =	sor.u32 s1, s0  }
0xbd: {  	s0 =	sadd.s32 $0x8F2B, s0  }
0xbe: {  	[sflag:s0] =	ssyncadd.remote.s32 $0x1  }
0xbf: {  	_ =	sfence.sel $0xFFFF  }
0xc0: {  	[dreg:$0x0] =	wrdreg $0xFFFFFFFF;
	(pc) =	sbr.abs _section_cstart, $3  }
0xc1: {  	[dreg:$0x1] =	wrdreg $0xFFFFFFFF  }
0xc2: {  	_ =	task.clear_ibuf [dreg:s7], $0x2FFFF;
	_ =	strace $0x9FFFFFFF  }
0xc3: {  	(tm) =	ssettm $0x7FFFFFFF  }
tec
execute0_lowered:
.L_overlay_start_1:
0x0: {  	(tag) =	ssettag $0x1  }
0x1: {  	s0 =	rddreg [dreg:$0x0]  }
0x2: {  	s1 =	rddreg [dreg:$0x1]  }
0x3: {  	s2 =	rddreg [dreg:$0x2];
	s11 =	stileid.u32  }
0x4: {  	s4 =	srdreg.scid;
	s3 =	simm.s32 $0x0;
	s25 =	simm.s32 $0x80  }
0x5: {  	s26 =	simm.s32 $0x100;
	s13 =	simm.s32 $0x200;
	s14 =	simm.s32 $0x280  }
0x6: {  	s15 =	simm.s32 $0x300;
	s16 =	simm.s32 $0x380;
	s17 =	simm.s32 $0x400  }
0x7: {  	s18 =	simm.s32 $0x480;
	s19 =	simm.s32 $0x500;
	s20 =	simm.s32 $0x580  }
0x8: {  	s21 =	simm.s32 $0x600;
	s28 =	simm.s32 $0x900;
	s29 =	simm.s32 $0x980  }
0x9: {  	s30 =	simm.s32 $0xA00;
	s31 =	simm.s32 $0xA80;
	s12 =	simm.s32 $0x0  }
0xa: {  	s5 =	smul.u32 $0x280, s11;
	s4 =	sand.u32 $0x1, s4;
	[smem:$0x7FF] =	sst s3  }
0xb: {  	s10 =	smul.u32 $0x5000, s11;
	s23 =	sshll.u32 s11, $0x6;
	s11 =	simm.s32 $0x1000  }
0xc: {  	s6 =	smul.u32 $0x2800, s4;
	_ =	strace $0x80000047;
	[dreg:$0x5] =	wrdreg s25  }
0xd: {  	s8 =	ssub.s32 $0x2, s4;
	s4 =	smul.u32 $0x50000, s4;
	[dreg:$0x6] =	wrdreg s26  }
0xe: {  	s25 =	simm.s32 $0x800;
	s26 =	simm.s32 $0x880;
	s7 =	sshrl.u32 s5, $0x3  }
0xf: {  	s9 =	sshrl.u32 s8, $0x1;
	s6 =	sadd.s32 s5, s6;
	s7 =	sadd.s32 s7, s1  }
0x10: {  	s22 =	ssub.s32 s8, s9;
	s5 =	sadd.s32 s5, s2;
	s4 =	sadd.s32 s10, s4  }
0x11: {  	s9 =	simm.s32 $0x2;
	s10 =	simm.s32 $0x50;
	s6 =	sshrl.u32 s6, $0x3  }
0x12: {  	s7 =	sadd.s32 $0x4400, s7;
	s4 =	sshrl.u32 s4, $0x3;
	s24 =	smax.u32 s22, $0x1  }
0x13: {  	s8 =	sshrl.u32 s5, $0x3;
	s22 =	simm.s32 $0x680;
	[dreg:$0x7] =	wrdreg s7  }
0x14: {  	s1 =	sadd.s32 s6, s1;
	s7 =	sor.u32 $0x1C02, s23;
	[dreg:$0xa] =	wrdreg s24  }
0x15: {  	s0 =	sadd.s32 s4, s0;
	s23 =	simm.s32 $0x700;
	[dreg:$0xb] =	wrdreg s8  }
0x16: {  	s24 =	simm.s32 $0x780;
	s4 =	simm.s32 $0xC00;
	[dreg:$0x4] =	wrdreg s0  }
0x17: {  	s6 =	simm.s32 $0x1;
	s1 =	sadd.s32 $0x4A00, s1;
	[dreg:$0x8] =	wrdreg s7  }
0x18: {  	v0 =	vimm.f32 $1.000000000e+00;
	s0 =	simm.s32 $0xB00;
	[dreg:$0x9] =	wrdreg s1;
	s1 =	simm.s32 $0xB80  }
.LBB2_1:
0x19: {  	[tilespmem:$0x1000] =	vst v0  }
0x1a: {  	[tilespmem:$0x1010] =	vst v0  }
0x1b: {  	[tilespmem:$0x1020] =	vst v0  }
0x1c: {  	[dreg:$0xc] =	wrdreg s12;
	[tilespmem:$0x1030] =	vst v0  }
0x1d: {  	[tilespmem:$0x1040] =	vst v0;
	s5 =	rddreg [dreg:$0x7]  }
0x1e: {  	[spmem:s8], [sflag:s7] =	dma.local [hbm:s5], $0x50  }
0x1f: {  	_ =	swait.ge [sflag:s9], $0x50  }
0x20: {  	[sflag:s9] =	ssyncset.done $0x0  }
0x21: {  	[sflag:s9] =	ssyncadd.s32 $0xFFFFFFB0  }
0x22: {  	[bflag:$0x0] =	sbarrier.arrive $0xFFFF  }
0x23: {  	s12 =	rddreg [dreg:$0x4]  }
0x24: {  	s5 =	sadd.s32 $0x0, s12  }
0x25: {  	[tilespmem:s3], [sflag:$0x2] =	stream.linear.gather [hbm4b:s5+s3], $0xC80, $0x38;
	[tilespmem:$0x1300] =	vst v63  }
0x26: {  	_ =	swait.ge [sflag:s9], $0xC80  }
0x27: {  	[sflag:s9] =	ssyncset.done $0x0  }
0x28: {  	[sflag:s9] =	ssyncadd.s32 $0xFFFFF380  }
0x29: {  	[spmem:s2] =	stream.indirect.scatter.add.f32 [tilespmem:s11], [sflag:$0x1], $0x1, s3, s10, $0xb8;
	[tilespmem:$0x1300] =	vst v63  }
0x2a: {  	s7 =	rddreg [dreg:$0x5]  }
0x2b: {  	[spmem:s2] =	stream.indirect.scatter.add.f32 [tilespmem:s11], [sflag:$0x1], $0x1, s7, s10, $0xb8;
	[tilespmem:$0x1300] =	vst v63  }
0x2c: {  	s8 =	rddreg [dreg:$0x6]  }
0x2d: {  	[spmem:s2] =	stream.indirect.scatter.add.f32 [tilespmem:s11], [sflag:$0x1], $0x1, s8, s10, $0xb8;
	[tilespmem:$0x1300] =	vst v63  }
0x2e: {  	s12 =	simm.s32 $0x180  }
0x2f: {  	[spmem:s2] =	stream.indirect.scatter.add.f32 [tilespmem:s11], [sflag:$0x1], $0x1, s12, s10, $0xb8;
	[tilespmem:$0x1300] =	vst v63  }
0x30: {  	_ = 	snop  }
0x31: {  	[spmem:s2] =	stream.indirect.scatter.add.f32 [tilespmem:s11], [sflag:$0x1], $0x1, s13, s10, $0xb8;
	[tilespmem:$0x1300] =	vst v63  }
0x32: {  	_ = 	snop  }
0x33: {  	[spmem:s2] =	stream.indirect.scatter.add.f32 [tilespmem:s11], [sflag:$0x1], $0x1, s14, s10, $0xb8;
	[tilespmem:$0x1300] =	vst v63  }
0x34: {  	_ = 	snop  }
0x35: {  	[spmem:s2] =	stream.indirect.scatter.add.f32 [tilespmem:s11], [sflag:$0x1], $0x1, s15, s10, $0xb8;
	[tilespmem:$0x1300] =	vst v63  }
0x36: {  	_ = 	snop  }
0x37: {  	[spmem:s2] =	stream.indirect.scatter.add.f32 [tilespmem:s11], [sflag:$0x1], $0x1, s16, s10, $0xb8;
	[tilespmem:$0x1300] =	vst v63  }
0x38: {  	_ = 	snop  }
0x39: {  	[spmem:s2] =	stream.indirect.scatter.add.f32 [tilespmem:s11], [sflag:$0x1], $0x1, s17, s10, $0xb8;
	[tilespmem:$0x1300] =	vst v63  }
0x3a: {  	_ = 	snop  }
0x3b: {  	[spmem:s2] =	stream.indirect.scatter.add.f32 [tilespmem:s11], [sflag:$0x1], $0x1, s18, s10, $0xb8;
	[tilespmem:$0x1300] =	vst v63  }
0x3c: {  	_ = 	snop  }
0x3d: {  	[spmem:s2] =	stream.indirect.scatter.add.f32 [tilespmem:s11], [sflag:$0x1], $0x1, s19, s10, $0xb8;
	[tilespmem:$0x1300] =	vst v63  }
0x3e: {  	_ = 	snop  }
0x3f: {  	[spmem:s2] =	stream.indirect.scatter.add.f32 [tilespmem:s11], [sflag:$0x1], $0x1, s20, s10, $0xb8;
	[tilespmem:$0x1300] =	vst v63  }
0x40: {  	_ = 	snop  }
0x41: {  	[spmem:s2] =	stream.indirect.scatter.add.f32 [tilespmem:s11], [sflag:$0x1], $0x1, s21, s10, $0xb8;
	[tilespmem:$0x1300] =	vst v63  }
0x42: {  	_ = 	snop  }
0x43: {  	[spmem:s2] =	stream.indirect.scatter.add.f32 [tilespmem:s11], [sflag:$0x1], $0x1, s22, s10, $0xb8;
	[tilespmem:$0x1300] =	vst v63  }
0x44: {  	_ = 	snop  }
0x45: {  	[spmem:s2] =	stream.indirect.scatter.add.f32 [tilespmem:s11], [sflag:$0x1], $0x1, s23, s10, $0xb8;
	[tilespmem:$0x1300] =	vst v63  }
0x46: {  	_ = 	snop  }
0x47: {  	[spmem:s2] =	stream.indirect.scatter.add.f32 [tilespmem:s11], [sflag:$0x1], $0x1, s24, s10, $0xb8;
	[tilespmem:$0x1300] =	vst v63  }
0x48: {  	_ = 	snop  }
0x49: {  	[spmem:s2] =	stream.indirect.scatter.add.f32 [tilespmem:s11], [sflag:$0x1], $0x1, s25, s10, $0xb8;
	[tilespmem:$0x1300] =	vst v63  }
0x4a: {  	_ = 	snop  }
0x4b: {  	[spmem:s2] =	stream.indirect.scatter.add.f32 [tilespmem:s11], [sflag:$0x1], $0x1, s26, s10, $0xb8;
	[tilespmem:$0x1300] =	vst v63  }
0x4c: {  	_ = 	snop  }
0x4d: {  	[spmem:s2] =	stream.indirect.scatter.add.f32 [tilespmem:s11], [sflag:$0x1], $0x1, s28, s10, $0xb8;
	[tilespmem:$0x1300] =	vst v63  }
0x4e: {  	_ = 	snop  }
0x4f: {  	[spmem:s2] =	stream.indirect.scatter.add.f32 [tilespmem:s11], [sflag:$0x1], $0x1, s29, s10, $0xb8;
	[tilespmem:$0x1300] =	vst v63  }
0x50: {  	_ = 	snop  }
0x51: {  	[spmem:s2] =	stream.indirect.scatter.add.f32 [tilespmem:s11], [sflag:$0x1], $0x1, s30, s10, $0xb8;
	[tilespmem:$0x1300] =	vst v63  }
0x52: {  	_ = 	snop  }
0x53: {  	[spmem:s2] =	stream.indirect.scatter.add.f32 [tilespmem:s11], [sflag:$0x1], $0x1, s31, s10, $0xb8;
	[tilespmem:$0x1300] =	vst v63  }
0x54: {  	_ = 	snop  }
0x55: {  	[spmem:s2] =	stream.indirect.scatter.add.f32 [tilespmem:s11], [sflag:$0x1], $0x1, s0, s10, $0xb8;
	[tilespmem:$0x1300] =	vst v63  }
0x56: {  	_ = 	snop  }
0x57: {  	[spmem:s2] =	stream.indirect.scatter.add.f32 [tilespmem:s11], [sflag:$0x1], $0x1, s1, s10, $0xb8;
	[tilespmem:$0x1300] =	vst v63  }
0x58: {  	_ = 	snop  }
0x59: {  	[spmem:s2] =	stream.indirect.scatter.add.f32 [tilespmem:s11], [sflag:$0x1], $0x1, s4, s10, $0xb8;
	[tilespmem:$0x1300] =	vst v63  }
0x5a: {  	_ =	swait.ge [sflag:s6], $0x50  }
0x5b: {  	[sflag:s6] =	ssyncset.done $0x0  }
0x5c: {  	[sflag:s6] =	ssyncadd.s32 $0xFFFFFFB0  }
0x5d: {  	_ =	swait.ge [sflag:s6], $0x50  }
0x5e: {  	[sflag:s6] =	ssyncset.done $0x0  }
0x5f: {  	[sflag:s6] =	ssyncadd.s32 $0xFFFFFFB0  }
0x60: {  	_ =	swait.ge [sflag:s6], $0x50  }
0x61: {  	[sflag:s6] =	ssyncset.done $0x0  }
0x62: {  	[sflag:s6] =	ssyncadd.s32 $0xFFFFFFB0  }
0x63: {  	_ =	swait.ge [sflag:s6], $0x50  }
0x64: {  	[sflag:s6] =	ssyncset.done $0x0  }
0x65: {  	[sflag:s6] =	ssyncadd.s32 $0xFFFFFFB0  }
0x66: {  	_ =	swait.ge [sflag:s6], $0x50  }
0x67: {  	[sflag:s6] =	ssyncset.done $0x0  }
0x68: {  	[sflag:s6] =	ssyncadd.s32 $0xFFFFFFB0  }
0x69: {  	_ =	swait.ge [sflag:s6], $0x50  }
0x6a: {  	[sflag:s6] =	ssyncset.done $0x0  }
0x6b: {  	[sflag:s6] =	ssyncadd.s32 $0xFFFFFFB0  }
0x6c: {  	_ =	swait.ge [sflag:s6], $0x50  }
0x6d: {  	[sflag:s6] =	ssyncset.done $0x0  }
0x6e: {  	[sflag:s6] =	ssyncadd.s32 $0xFFFFFFB0  }
0x6f: {  	_ =	swait.ge [sflag:s6], $0x50  }
0x70: {  	[sflag:s6] =	ssyncset.done $0x0  }
0x71: {  	[sflag:s6] =	ssyncadd.s32 $0xFFFFFFB0  }
0x72: {  	_ =	swait.ge [sflag:s6], $0x50  }
0x73: {  	[sflag:s6] =	ssyncset.done $0x0  }
0x74: {  	[sflag:s6] =	ssyncadd.s32 $0xFFFFFFB0  }
0x75: {  	_ =	swait.ge [sflag:s6], $0x50  }
0x76: {  	[sflag:s6] =	ssyncset.done $0x0  }
0x77: {  	[sflag:s6] =	ssyncadd.s32 $0xFFFFFFB0  }
0x78: {  	_ =	swait.ge [sflag:s6], $0x50  }
0x79: {  	[sflag:s6] =	ssyncset.done $0x0  }
0x7a: {  	[sflag:s6] =	ssyncadd.s32 $0xFFFFFFB0  }
0x7b: {  	_ =	swait.ge [sflag:s6], $0x50  }
0x7c: {  	[sflag:s6] =	ssyncset.done $0x0  }
0x7d: {  	[sflag:s6] =	ssyncadd.s32 $0xFFFFFFB0  }
0x7e: {  	_ =	swait.ge [sflag:s6], $0x50  }
0x7f: {  	[sflag:s6] =	ssyncset.done $0x0  }
0x80: {  	[sflag:s6] =	ssyncadd.s32 $0xFFFFFFB0  }
0x81: {  	_ =	swait.ge [sflag:s6], $0x50  }
0x82: {  	[sflag:s6] =	ssyncset.done $0x0  }
0x83: {  	[sflag:s6] =	ssyncadd.s32 $0xFFFFFFB0  }
0x84: {  	_ =	swait.ge [sflag:s6], $0x50  }
0x85: {  	[sflag:s6] =	ssyncset.done $0x0  }
0x86: {  	[sflag:s6] =	ssyncadd.s32 $0xFFFFFFB0  }
0x87: {  	_ =	swait.ge [sflag:s6], $0x50  }
0x88: {  	[sflag:s6] =	ssyncset.done $0x0  }
0x89: {  	[sflag:s6] =	ssyncadd.s32 $0xFFFFFFB0  }
0x8a: {  	_ =	swait.ge [sflag:s6], $0x50  }
0x8b: {  	[sflag:s6] =	ssyncset.done $0x0  }
0x8c: {  	[sflag:s6] =	ssyncadd.s32 $0xFFFFFFB0  }
0x8d: {  	_ =	swait.ge [sflag:s6], $0x50  }
0x8e: {  	[sflag:s6] =	ssyncset.done $0x0  }
0x8f: {  	[sflag:s6] =	ssyncadd.s32 $0xFFFFFFB0  }
0x90: {  	_ =	swait.ge [sflag:s6], $0x50  }
0x91: {  	[sflag:s6] =	ssyncset.done $0x0  }
0x92: {  	[sflag:s6] =	ssyncadd.s32 $0xFFFFFFB0  }
0x93: {  	_ =	swait.ge [sflag:s6], $0x50  }
0x94: {  	[sflag:s6] =	ssyncset.done $0x0  }
0x95: {  	[sflag:s6] =	ssyncadd.s32 $0xFFFFFFB0  }
0x96: {  	_ =	swait.ge [sflag:s6], $0x50  }
0x97: {  	[sflag:s6] =	ssyncset.done $0x0  }
0x98: {  	[sflag:s6] =	ssyncadd.s32 $0xFFFFFFB0  }
0x99: {  	_ =	swait.ge [sflag:s6], $0x50  }
0x9a: {  	[sflag:s6] =	ssyncset.done $0x0  }
0x9b: {  	[sflag:s6] =	ssyncadd.s32 $0xFFFFFFB0  }
0x9c: {  	_ =	swait.ge [sflag:s6], $0x50  }
0x9d: {  	[sflag:s6] =	ssyncset.done $0x0  }
0x9e: {  	[sflag:s6] =	ssyncadd.s32 $0xFFFFFFB0  }
0x9f: {  	_ =	swait.ge [sflag:s6], $0x50  }
0xa0: {  	[sflag:s6] =	ssyncset.done $0x0  }
0xa1: {  	[sflag:s6] =	ssyncadd.s32 $0xFFFFFFB0  }
0xa2: {  	s5 =	simm.s32 $0x200;
	_ =	swait.ge [sflag:s6], $0x50  }
0xa3: {  	s8 =	simm.s32 $0x400;
	s7 =	rddreg [dreg:$0x4];
	[sflag:s6] =	ssyncset.done $0x0  }
.LBB2_2:
0xa4: {  	[sflag:s6] =	ssyncadd.s32 $0xFFFFFFB0;
	s7 =	sadd.s32 s5, s7  }
0xa5: {  	[tilespmem:s3], [sflag:$0x2] =	stream.linear.gather [hbm4b:s7+s3], $0xC80, $0x38;
	[tilespmem:$0x1300] =	vst v63  }
0xa6: {  	_ =	swait.ge [sflag:s9], $0xC80  }
0xa7: {  	[sflag:s9] =	ssyncset.done $0x0  }
0xa8: {  	[sflag:s9] =	ssyncadd.s32 $0xFFFFF380  }
0xa9: {  	[spmem:s2] =	stream.indirect.scatter.add.f32 [tilespmem:s11], [sflag:$0x1], $0x1, s3, s10, $0xb8;
	[tilespmem:$0x1300] =	vst v63  }
0xaa: {  	s12 =	smov.u32 s8;
	s7 =	rddreg [dreg:$0x5]  }
0xab: {  	[spmem:s2] =	stream.indirect.scatter.add.f32 [tilespmem:s11], [sflag:$0x1], $0x1, s7, s10, $0xb8;
	[tilespmem:$0x1300] =	vst v63  }
0xac: {  	s5 =	smov.u32 s12;
	s12 =	rddreg [dreg:$0x6]  }
0xad: {  	[spmem:s2] =	stream.indirect.scatter.add.f32 [tilespmem:s11], [sflag:$0x1], $0x1, s12, s10, $0xb8;
	[tilespmem:$0x1300] =	vst v63  }
0xae: {  	s12 =	simm.s32 $0x180  }
0xaf: {  	[spmem:s2] =	stream.indirect.scatter.add.f32 [tilespmem:s11], [sflag:$0x1], $0x1, s12, s10, $0xb8;
	[tilespmem:$0x1300] =	vst v63  }
0xb0: {  	_ = 	snop  }
0xb1: {  	[spmem:s2] =	stream.indirect.scatter.add.f32 [tilespmem:s11], [sflag:$0x1], $0x1, s13, s10, $0xb8;
	[tilespmem:$0x1300] =	vst v63  }
0xb2: {  	_ = 	snop  }
0xb3: {  	[spmem:s2] =	stream.indirect.scatter.add.f32 [tilespmem:s11], [sflag:$0x1], $0x1, s14, s10, $0xb8;
	[tilespmem:$0x1300] =	vst v63  }
0xb4: {  	_ = 	snop  }
0xb5: {  	[spmem:s2] =	stream.indirect.scatter.add.f32 [tilespmem:s11], [sflag:$0x1], $0x1, s15, s10, $0xb8;
	[tilespmem:$0x1300] =	vst v63  }
0xb6: {  	_ = 	snop  }
0xb7: {  	[spmem:s2] =	stream.indirect.scatter.add.f32 [tilespmem:s11], [sflag:$0x1], $0x1, s16, s10, $0xb8;
	[tilespmem:$0x1300] =	vst v63  }
0xb8: {  	_ = 	snop  }
0xb9: {  	[spmem:s2] =	stream.indirect.scatter.add.f32 [tilespmem:s11], [sflag:$0x1], $0x1, s17, s10, $0xb8;
	[tilespmem:$0x1300] =	vst v63  }
0xba: {  	_ = 	snop  }
0xbb: {  	[spmem:s2] =	stream.indirect.scatter.add.f32 [tilespmem:s11], [sflag:$0x1], $0x1, s18, s10, $0xb8;
	[tilespmem:$0x1300] =	vst v63  }
0xbc: {  	_ = 	snop  }
0xbd: {  	[spmem:s2] =	stream.indirect.scatter.add.f32 [tilespmem:s11], [sflag:$0x1], $0x1, s19, s10, $0xb8;
	[tilespmem:$0x1300] =	vst v63  }
0xbe: {  	_ = 	snop  }
0xbf: {  	[spmem:s2] =	stream.indirect.scatter.add.f32 [tilespmem:s11], [sflag:$0x1], $0x1, s20, s10, $0xb8;
	[tilespmem:$0x1300] =	vst v63  }
0xc0: {  	_ = 	snop  }
0xc1: {  	[spmem:s2] =	stream.indirect.scatter.add.f32 [tilespmem:s11], [sflag:$0x1], $0x1, s21, s10, $0xb8;
	[tilespmem:$0x1300] =	vst v63  }
0xc2: {  	_ = 	snop  }
0xc3: {  	[spmem:s2] =	stream.indirect.scatter.add.f32 [tilespmem:s11], [sflag:$0x1], $0x1, s22, s10, $0xb8;
	[tilespmem:$0x1300] =	vst v63  }
0xc4: {  	_ = 	snop  }
0xc5: {  	[spmem:s2] =	stream.indirect.scatter.add.f32 [tilespmem:s11], [sflag:$0x1], $0x1, s23, s10, $0xb8;
	[tilespmem:$0x1300] =	vst v63  }
0xc6: {  	_ = 	snop  }
0xc7: {  	[spmem:s2] =	stream.indirect.scatter.add.f32 [tilespmem:s11], [sflag:$0x1], $0x1, s24, s10, $0xb8;
	[tilespmem:$0x1300] =	vst v63  }
0xc8: {  	_ = 	snop  }
0xc9: {  	[spmem:s2] =	stream.indirect.scatter.add.f32 [tilespmem:s11], [sflag:$0x1], $0x1, s25, s10, $0xb8;
	[tilespmem:$0x1300] =	vst v63  }
0xca: {  	_ = 	snop  }
0xcb: {  	[spmem:s2] =	stream.indirect.scatter.add.f32 [tilespmem:s11], [sflag:$0x1], $0x1, s26, s10, $0xb8;
	[tilespmem:$0x1300] =	vst v63  }
0xcc: {  	_ = 	snop  }
0xcd: {  	[spmem:s2] =	stream.indirect.scatter.add.f32 [tilespmem:s11], [sflag:$0x1], $0x1, s28, s10, $0xb8;
	[tilespmem:$0x1300] =	vst v63  }
0xce: {  	_ = 	snop  }
0xcf: {  	[spmem:s2] =	stream.indirect.scatter.add.f32 [tilespmem:s11], [sflag:$0x1], $0x1, s29, s10, $0xb8;
	[tilespmem:$0x1300] =	vst v63  }
0xd0: {  	_ = 	snop  }
0xd1: {  	[spmem:s2] =	stream.indirect.scatter.add.f32 [tilespmem:s11], [sflag:$0x1], $0x1, s30, s10, $0xb8;
	[tilespmem:$0x1300] =	vst v63  }
0xd2: {  	_ = 	snop  }
0xd3: {  	[spmem:s2] =	stream.indirect.scatter.add.f32 [tilespmem:s11], [sflag:$0x1], $0x1, s31, s10, $0xb8;
	[tilespmem:$0x1300] =	vst v63  }
0xd4: {  	_ = 	snop  }
0xd5: {  	[spmem:s2] =	stream.indirect.scatter.add.f32 [tilespmem:s11], [sflag:$0x1], $0x1, s0, s10, $0xb8;
	[tilespmem:$0x1300] =	vst v63  }
0xd6: {  	_ = 	snop  }
0xd7: {  	[spmem:s2] =	stream.indirect.scatter.add.f32 [tilespmem:s11], [sflag:$0x1], $0x1, s1, s10, $0xb8;
	[tilespmem:$0x1300] =	vst v63  }
0xd8: {  	_ = 	snop  }
0xd9: {  	[spmem:s2] =	stream.indirect.scatter.add.f32 [tilespmem:s11], [sflag:$0x1], $0x1, s4, s10, $0xb8;
	[tilespmem:$0x1300] =	vst v63  }
0xda: {  	_ =	swait.ge [sflag:s6], $0x50  }
0xdb: {  	[sflag:s6] =	ssyncset.done $0x0  }
0xdc: {  	[sflag:s6] =	ssyncadd.s32 $0xFFFFFFB0  }
0xdd: {  	_ =	swait.ge [sflag:s6], $0x50  }
0xde: {  	[sflag:s6] =	ssyncset.done $0x0  }
0xdf: {  	[sflag:s6] =	ssyncadd.s32 $0xFFFFFFB0  }
0xe0: {  	_ =	swait.ge [sflag:s6], $0x50  }
0xe1: {  	[sflag:s6] =	ssyncset.done $0x0  }
0xe2: {  	[sflag:s6] =	ssyncadd.s32 $0xFFFFFFB0  }
0xe3: {  	_ =	swait.ge [sflag:s6], $0x50  }
0xe4: {  	[sflag:s6] =	ssyncset.done $0x0  }
0xe5: {  	[sflag:s6] =	ssyncadd.s32 $0xFFFFFFB0  }
0xe6: {  	_ =	swait.ge [sflag:s6], $0x50  }
0xe7: {  	[sflag:s6] =	ssyncset.done $0x0  }
0xe8: {  	[sflag:s6] =	ssyncadd.s32 $0xFFFFFFB0  }
0xe9: {  	_ =	swait.ge [sflag:s6], $0x50  }
0xea: {  	[sflag:s6] =	ssyncset.done $0x0  }
0xeb: {  	[sflag:s6] =	ssyncadd.s32 $0xFFFFFFB0  }
0xec: {  	_ =	swait.ge [sflag:s6], $0x50  }
0xed: {  	[sflag:s6] =	ssyncset.done $0x0  }
0xee: {  	[sflag:s6] =	ssyncadd.s32 $0xFFFFFFB0  }
0xef: {  	_ =	swait.ge [sflag:s6], $0x50  }
0xf0: {  	[sflag:s6] =	ssyncset.done $0x0  }
0xf1: {  	[sflag:s6] =	ssyncadd.s32 $0xFFFFFFB0  }
0xf2: {  	_ =	swait.ge [sflag:s6], $0x50  }
0xf3: {  	[sflag:s6] =	ssyncset.done $0x0  }
0xf4: {  	[sflag:s6] =	ssyncadd.s32 $0xFFFFFFB0  }
0xf5: {  	_ =	swait.ge [sflag:s6], $0x50  }
0xf6: {  	[sflag:s6] =	ssyncset.done $0x0  }
0xf7: {  	[sflag:s6] =	ssyncadd.s32 $0xFFFFFFB0  }
0xf8: {  	_ =	swait.ge [sflag:s6], $0x50  }
0xf9: {  	[sflag:s6] =	ssyncset.done $0x0  }
0xfa: {  	[sflag:s6] =	ssyncadd.s32 $0xFFFFFFB0  }
0xfb: {  	_ =	swait.ge [sflag:s6], $0x50  }
0xfc: {  	[sflag:s6] =	ssyncset.done $0x0  }
0xfd: {  	[sflag:s6] =	ssyncadd.s32 $0xFFFFFFB0  }
0xfe: {  	_ =	swait.ge [sflag:s6], $0x50  }
0xff: {  	[sflag:s6] =	ssyncset.done $0x0  }
0x100: {  	[sflag:s6] =	ssyncadd.s32 $0xFFFFFFB0  }
0x101: {  	_ =	swait.ge [sflag:s6], $0x50  }
0x102: {  	[sflag:s6] =	ssyncset.done $0x0  }
0x103: {  	[sflag:s6] =	ssyncadd.s32 $0xFFFFFFB0  }
0x104: {  	_ =	swait.ge [sflag:s6], $0x50  }
0x105: {  	[sflag:s6] =	ssyncset.done $0x0  }
0x106: {  	[sflag:s6] =	ssyncadd.s32 $0xFFFFFFB0  }
0x107: {  	_ =	swait.ge [sflag:s6], $0x50  }
0x108: {  	[sflag:s6] =	ssyncset.done $0x0  }
0x109: {  	[sflag:s6] =	ssyncadd.s32 $0xFFFFFFB0  }
0x10a: {  	_ =	swait.ge [sflag:s6], $0x50  }
0x10b: {  	[sflag:s6] =	ssyncset.done $0x0  }
0x10c: {  	[sflag:s6] =	ssyncadd.s32 $0xFFFFFFB0  }
0x10d: {  	_ =	swait.ge [sflag:s6], $0x50  }
0x10e: {  	[sflag:s6] =	ssyncset.done $0x0  }
0x10f: {  	[sflag:s6] =	ssyncadd.s32 $0xFFFFFFB0  }
0x110: {  	_ =	swait.ge [sflag:s6], $0x50  }
0x111: {  	[sflag:s6] =	ssyncset.done $0x0  }
0x112: {  	[sflag:s6] =	ssyncadd.s32 $0xFFFFFFB0  }
0x113: {  	_ =	swait.ge [sflag:s6], $0x50  }
0x114: {  	[sflag:s6] =	ssyncset.done $0x0  }
0x115: {  	[sflag:s6] =	ssyncadd.s32 $0xFFFFFFB0  }
0x116: {  	_ =	swait.ge [sflag:s6], $0x50  }
0x117: {  	[sflag:s6] =	ssyncset.done $0x0  }
0x118: {  	[sflag:s6] =	ssyncadd.s32 $0xFFFFFFB0  }
0x119: {  	_ =	swait.ge [sflag:s6], $0x50  }
0x11a: {  	[sflag:s6] =	ssyncset.done $0x0  }
0x11b: {  	[sflag:s6] =	ssyncadd.s32 $0xFFFFFFB0  }
0x11c: {  	_ =	swait.ge [sflag:s6], $0x50  }
0x11d: {  	[sflag:s6] =	ssyncset.done $0x0  }
0x11e: {  	p0 =	sne.s32 s8, $0x800;
	[sflag:s6] =	ssyncadd.s32 $0xFFFFFFB0  }
.Ltmp0:
0x11f: {  	_ =	swait.ge [sflag:s6], $0x50;
	(pc) =	sbr.rel @p0 .LBB2_2-.Ltmp0, $4  }
0x120: {  	[sflag:s6] =	ssyncset.done $0x0  }
0x121: {  	[sflag:s6] =	ssyncadd.s32 $0xFFFFFFB0  }
0x122: {  	_ =	swait.ge [sflag:s6], $0x50  }
0x123: {  	s8 =	sadd.s32 $0x200, s8;
	s7 =	rddreg [dreg:$0x4];
	[sflag:s6] =	ssyncset.done $0x0  }
0x124: {  	[sflag:s6] =	ssyncadd.s32 $0xFFFFFFB0;
	s5 =	sadd.s32 s5, s7  }
0x125: {  	[tilespmem:s3], [sflag:$0x2] =	stream.linear.gather [hbm4b:s5+s3], $0xC80, $0x38;
	[tilespmem:$0x1300] =	vst v63  }
0x126: {  	_ =	swait.ge [sflag:s9], $0xC80  }
0x127: {  	[sflag:s9] =	ssyncset.done $0x0  }
0x128: {  	[sflag:s9] =	ssyncadd.s32 $0xFFFFF380  }
0x129: {  	[spmem:s2] =	stream.indirect.scatter.add.f32 [tilespmem:s11], [sflag:$0x1], $0x1, s3, s10, $0xb8;
	[tilespmem:$0x1300] =	vst v63  }
0x12a: {  	s8 =	rddreg [dreg:$0x5]  }
0x12b: {  	[spmem:s2] =	stream.indirect.scatter.add.f32 [tilespmem:s11], [sflag:$0x1], $0x1, s8, s10, $0xb8;
	[tilespmem:$0x1300] =	vst v63  }
0x12c: {  	s12 =	rddreg [dreg:$0x6]  }
0x12d: {  	[spmem:s2] =	stream.indirect.scatter.add.f32 [tilespmem:s11], [sflag:$0x1], $0x1, s12, s10, $0xb8;
	[tilespmem:$0x1300] =	vst v63  }
0x12e: {  	s8 =	simm.s32 $0x180  }
0x12f: {  	[spmem:s2] =	stream.indirect.scatter.add.f32 [tilespmem:s11], [sflag:$0x1], $0x1, s8, s10, $0xb8;
	[tilespmem:$0x1300] =	vst v63  }
0x130: {  	_ = 	snop  }
0x131: {  	[spmem:s2] =	stream.indirect.scatter.add.f32 [tilespmem:s11], [sflag:$0x1], $0x1, s13, s10, $0xb8;
	[tilespmem:$0x1300] =	vst v63  }
0x132: {  	_ = 	snop  }
0x133: {  	[spmem:s2] =	stream.indirect.scatter.add.f32 [tilespmem:s11], [sflag:$0x1], $0x1, s14, s10, $0xb8;
	[tilespmem:$0x1300] =	vst v63  }
0x134: {  	_ = 	snop  }
0x135: {  	[spmem:s2] =	stream.indirect.scatter.add.f32 [tilespmem:s11], [sflag:$0x1], $0x1, s15, s10, $0xb8;
	[tilespmem:$0x1300] =	vst v63  }
0x136: {  	_ = 	snop  }
0x137: {  	[spmem:s2] =	stream.indirect.scatter.add.f32 [tilespmem:s11], [sflag:$0x1], $0x1, s16, s10, $0xb8;
	[tilespmem:$0x1300] =	vst v63  }
0x138: {  	_ = 	snop  }
0x139: {  	[spmem:s2] =	stream.indirect.scatter.add.f32 [tilespmem:s11], [sflag:$0x1], $0x1, s17, s10, $0xb8;
	[tilespmem:$0x1300] =	vst v63  }
0x13a: {  	_ = 	snop  }
0x13b: {  	[spmem:s2] =	stream.indirect.scatter.add.f32 [tilespmem:s11], [sflag:$0x1], $0x1, s18, s10, $0xb8;
	[tilespmem:$0x1300] =	vst v63  }
0x13c: {  	_ = 	snop  }
0x13d: {  	[spmem:s2] =	stream.indirect.scatter.add.f32 [tilespmem:s11], [sflag:$0x1], $0x1, s19, s10, $0xb8;
	[tilespmem:$0x1300] =	vst v63  }
0x13e: {  	_ = 	snop  }
0x13f: {  	[spmem:s2] =	stream.indirect.scatter.add.f32 [tilespmem:s11], [sflag:$0x1], $0x1, s20, s10, $0xb8;
	[tilespmem:$0x1300] =	vst v63  }
0x140: {  	_ = 	snop  }
0x141: {  	[spmem:s2] =	stream.indirect.scatter.add.f32 [tilespmem:s11], [sflag:$0x1], $0x1, s21, s10, $0xb8;
	[tilespmem:$0x1300] =	vst v63  }
0x142: {  	_ = 	snop  }
0x143: {  	[spmem:s2] =	stream.indirect.scatter.add.f32 [tilespmem:s11], [sflag:$0x1], $0x1, s22, s10, $0xb8;
	[tilespmem:$0x1300] =	vst v63  }
0x144: {  	_ = 	snop  }
0x145: {  	[spmem:s2] =	stream.indirect.scatter.add.f32 [tilespmem:s11], [sflag:$0x1], $0x1, s23, s10, $0xb8;
	[tilespmem:$0x1300] =	vst v63  }
0x146: {  	_ = 	snop  }
0x147: {  	[spmem:s2] =	stream.indirect.scatter.add.f32 [tilespmem:s11], [sflag:$0x1], $0x1, s24, s10, $0xb8;
	[tilespmem:$0x1300] =	vst v63  }
0x148: {  	_ = 	snop  }
0x149: {  	[spmem:s2] =	stream.indirect.scatter.add.f32 [tilespmem:s11], [sflag:$0x1], $0x1, s25, s10, $0xb8;
	[tilespmem:$0x1300] =	vst v63  }
0x14a: {  	_ = 	snop  }
0x14b: {  	[spmem:s2] =	stream.indirect.scatter.add.f32 [tilespmem:s11], [sflag:$0x1], $0x1, s26, s10, $0xb8;
	[tilespmem:$0x1300] =	vst v63  }
0x14c: {  	_ = 	snop  }
0x14d: {  	[spmem:s2] =	stream.indirect.scatter.add.f32 [tilespmem:s11], [sflag:$0x1], $0x1, s28, s10, $0xb8;
	[tilespmem:$0x1300] =	vst v63  }
0x14e: {  	_ = 	snop  }
0x14f: {  	[spmem:s2] =	stream.indirect.scatter.add.f32 [tilespmem:s11], [sflag:$0x1], $0x1, s29, s10, $0xb8;
	[tilespmem:$0x1300] =	vst v63  }
0x150: {  	_ = 	snop  }
0x151: {  	[spmem:s2] =	stream.indirect.scatter.add.f32 [tilespmem:s11], [sflag:$0x1], $0x1, s30, s10, $0xb8;
	[tilespmem:$0x1300] =	vst v63  }
0x152: {  	_ = 	snop  }
0x153: {  	[spmem:s2] =	stream.indirect.scatter.add.f32 [tilespmem:s11], [sflag:$0x1], $0x1, s31, s10, $0xb8;
	[tilespmem:$0x1300] =	vst v63  }
0x154: {  	_ = 	snop  }
0x155: {  	[spmem:s2] =	stream.indirect.scatter.add.f32 [tilespmem:s11], [sflag:$0x1], $0x1, s0, s10, $0xb8;
	[tilespmem:$0x1300] =	vst v63  }
0x156: {  	_ = 	snop  }
0x157: {  	[spmem:s2] =	stream.indirect.scatter.add.f32 [tilespmem:s11], [sflag:$0x1], $0x1, s1, s10, $0xb8;
	[tilespmem:$0x1300] =	vst v63  }
0x158: {  	_ = 	snop  }
0x159: {  	[spmem:s2] =	stream.indirect.scatter.add.f32 [tilespmem:s11], [sflag:$0x1], $0x1, s4, s10, $0xb8;
	[tilespmem:$0x1300] =	vst v63  }
0x15a: {  	_ =	swait.ge [sflag:s6], $0x50  }
0x15b: {  	[sflag:s6] =	ssyncset.done $0x0  }
0x15c: {  	[sflag:s6] =	ssyncadd.s32 $0xFFFFFFB0  }
0x15d: {  	_ =	swait.ge [sflag:s6], $0x50  }
0x15e: {  	[sflag:s6] =	ssyncset.done $0x0  }
0x15f: {  	[sflag:s6] =	ssyncadd.s32 $0xFFFFFFB0  }
0x160: {  	_ =	swait.ge [sflag:s6], $0x50  }
0x161: {  	[sflag:s6] =	ssyncset.done $0x0  }
0x162: {  	[sflag:s6] =	ssyncadd.s32 $0xFFFFFFB0  }
0x163: {  	_ =	swait.ge [sflag:s6], $0x50  }
0x164: {  	[sflag:s6] =	ssyncset.done $0x0  }
0x165: {  	[sflag:s6] =	ssyncadd.s32 $0xFFFFFFB0  }
0x166: {  	_ =	swait.ge [sflag:s6], $0x50  }
0x167: {  	[sflag:s6] =	ssyncset.done $0x0  }
0x168: {  	[sflag:s6] =	ssyncadd.s32 $0xFFFFFFB0  }
0x169: {  	_ =	swait.ge [sflag:s6], $0x50  }
0x16a: {  	[sflag:s6] =	ssyncset.done $0x0  }
0x16b: {  	[sflag:s6] =	ssyncadd.s32 $0xFFFFFFB0  }
0x16c: {  	_ =	swait.ge [sflag:s6], $0x50  }
0x16d: {  	[sflag:s6] =	ssyncset.done $0x0  }
0x16e: {  	[sflag:s6] =	ssyncadd.s32 $0xFFFFFFB0  }
0x16f: {  	_ =	swait.ge [sflag:s6], $0x50  }
0x170: {  	[sflag:s6] =	ssyncset.done $0x0  }
0x171: {  	[sflag:s6] =	ssyncadd.s32 $0xFFFFFFB0  }
0x172: {  	_ =	swait.ge [sflag:s6], $0x50  }
0x173: {  	[sflag:s6] =	ssyncset.done $0x0  }
0x174: {  	[sflag:s6] =	ssyncadd.s32 $0xFFFFFFB0  }
0x175: {  	_ =	swait.ge [sflag:s6], $0x50  }
0x176: {  	[sflag:s6] =	ssyncset.done $0x0  }
0x177: {  	[sflag:s6] =	ssyncadd.s32 $0xFFFFFFB0  }
0x178: {  	_ =	swait.ge [sflag:s6], $0x50  }
0x179: {  	[sflag:s6] =	ssyncset.done $0x0  }
0x17a: {  	[sflag:s6] =	ssyncadd.s32 $0xFFFFFFB0  }
0x17b: {  	_ =	swait.ge [sflag:s6], $0x50  }
0x17c: {  	[sflag:s6] =	ssyncset.done $0x0  }
0x17d: {  	[sflag:s6] =	ssyncadd.s32 $0xFFFFFFB0  }
0x17e: {  	_ =	swait.ge [sflag:s6], $0x50  }
0x17f: {  	[sflag:s6] =	ssyncset.done $0x0  }
0x180: {  	[sflag:s6] =	ssyncadd.s32 $0xFFFFFFB0  }
0x181: {  	_ =	swait.ge [sflag:s6], $0x50  }
0x182: {  	[sflag:s6] =	ssyncset.done $0x0  }
0x183: {  	[sflag:s6] =	ssyncadd.s32 $0xFFFFFFB0  }
0x184: {  	_ =	swait.ge [sflag:s6], $0x50  }
0x185: {  	[sflag:s6] =	ssyncset.done $0x0  }
0x186: {  	[sflag:s6] =	ssyncadd.s32 $0xFFFFFFB0  }
0x187: {  	_ =	swait.ge [sflag:s6], $0x50  }
0x188: {  	[sflag:s6] =	ssyncset.done $0x0  }
0x189: {  	[sflag:s6] =	ssyncadd.s32 $0xFFFFFFB0  }
0x18a: {  	_ =	swait.ge [sflag:s6], $0x50  }
0x18b: {  	[sflag:s6] =	ssyncset.done $0x0  }
0x18c: {  	[sflag:s6] =	ssyncadd.s32 $0xFFFFFFB0  }
0x18d: {  	_ =	swait.ge [sflag:s6], $0x50  }
0x18e: {  	[sflag:s6] =	ssyncset.done $0x0  }
0x18f: {  	[sflag:s6] =	ssyncadd.s32 $0xFFFFFFB0  }
0x190: {  	_ =	swait.ge [sflag:s6], $0x50  }
0x191: {  	[sflag:s6] =	ssyncset.done $0x0  }
0x192: {  	[sflag:s6] =	ssyncadd.s32 $0xFFFFFFB0  }
0x193: {  	_ =	swait.ge [sflag:s6], $0x50  }
0x194: {  	[sflag:s6] =	ssyncset.done $0x0  }
0x195: {  	[sflag:s6] =	ssyncadd.s32 $0xFFFFFFB0  }
0x196: {  	_ =	swait.ge [sflag:s6], $0x50  }
0x197: {  	[sflag:s6] =	ssyncset.done $0x0  }
0x198: {  	[sflag:s6] =	ssyncadd.s32 $0xFFFFFFB0  }
0x199: {  	_ =	swait.ge [sflag:s6], $0x50  }
0x19a: {  	[sflag:s6] =	ssyncset.done $0x0  }
0x19b: {  	[sflag:s6] =	ssyncadd.s32 $0xFFFFFFB0  }
0x19c: {  	_ =	swait.ge [sflag:s6], $0x50  }
0x19d: {  	[sflag:s6] =	ssyncset.done $0x0  }
0x19e: {  	[sflag:s6] =	ssyncadd.s32 $0xFFFFFFB0  }
0x19f: {  	_ =	swait.ge [sflag:s6], $0x50  }
0x1a0: {  	[sflag:s6] =	ssyncset.done $0x0  }
0x1a1: {  	[sflag:s6] =	ssyncadd.s32 $0xFFFFFFB0  }
0x1a2: {  	_ =	swait.ge [sflag:s6], $0x50  }
0x1a3: {  	[sflag:s6] =	ssyncset.done $0x0  }
0x1a4: {  	[sflag:s6] =	ssyncadd.s32 $0xFFFFFFB0  }
0x1a5: {  	[bflag:$0x0] =	sbarrier.arrive $0xFFFF  }
0x1a6: {  	s7 =	rddreg [dreg:$0x8]  }
0x1a7: {  	s12 =	rddreg [dreg:$0x9]  }
0x1a8: {  	s8 =	rddreg [dreg:$0xb]  }
0x1a9: {  	[hbm:s12], [sflag:s7] =	dma.local [spmem:s8], $0x50  }
0x1aa: {  	_ =	swait.ge [sflag:s9], $0x50  }
0x1ab: {  	s12 =	rddreg [dreg:$0xc]  }
0x1ac: {  	s5 =	rddreg [dreg:$0xa];
	s12 =	sadd.s32 $0x1, s12  }
0x1ad: {  	p0 =	sne.s32 s12, s5  }
.Ltmp1:
0x1ae: {  	_ = 	snop;
	(pc) =	sbr.rel @p0 .LBB2_1-.Ltmp1, $3  }
0x1af: {  	_ =	sdelay $0x1  }
0x1b0: {  	[sflag:s9] =	ssyncset.done $0x0  }
0x1b1: {  	[sflag:s9] =	ssyncadd.s32 $0xFFFFFFB0  }
0x1b2: {  	_ =	sfence.sel $0x180000  }
0x1b3: {  	[bflag:$0x0] =	sbarrier.arrive $0xFFFF  }
0x1b4: {  	_ =	strace $0x90000047  }
0x1b5: {  	s0 =	stileid.u32;
	[bflag:$0x2] =	sbarrier.arrive $0xFFFF  }
0x1b6: {  	p0 =	sne.s32 s0, $0x0;
	s0 =	rddreg [dreg:$0x3]  }
0x1b7: {  	s0 =	sadd.s32 @!p0 $0x100000, s0  }
0x1b8: {  	[sflag:s0] =	ssyncadd.tile.s32 @!p0 $0x1;
	_ =	shalt  }
.Lfunc_end2:
_tile_overlayer_lowered:
.L_overlay_start_2:
0x1b9: {  	(tag) =	ssettag $0x2  }
0x1ba: {  	s0 =	rddreg [dreg:$0x0];
	s2 =	stileid.u32  }
0x1bb: {  	s1 =	rddreg [dreg:$0x1];
	p0 =	sne.s32 s2, $0x0  }
0x1bc: {  	s3 =	rddreg [dreg:$0x2];
	[bflag:$0x3] =	sbarrier.arrive $0xFFFF;
	s2 =	simm.s32 @!p0 $0x1C02  }
0x1bd: {  	[timem:s3], [sflag:s2] =	dma.local @!p0 [hbm:s0], s1  }
0x1be: {  	s0 =	simm.s32 @!p0 $0x2  }
0x1bf: {  	_ =	swait.ge @!p0 [sflag:s0], s1  }
0x1c0: {  	s1 =	ssub.s32 @!p0 $0x0, s1;
	[sflag:s0] =	ssyncset.done @!p0 $0x0  }
0x1c1: {  	[sflag:s0] =	ssyncadd.s32 @!p0 s1  }
0x1c2: {  	[bflag:$0x3] =	sbarrier.arrive $0xFFFF  }
0x1c3: {  	_ =	shalt  }

// kernel: kernel.13.cloned.1.call-start
scs
__scs_entry_jumppad:
0x0: {  	(pc) =	sbr.rel $0x88, $3  }
0x1: {  	(tag) =	ssettag $0x0;
	lr =	simm.s32 $0x1  }
0x2: {  	[smem:$0x3F99] =	sst lr;
	_ =	strace $0xD0000000  }
0x3: {  	_ = 	snop  }
0x4: {  	_ = 	snop  }
0x5: {  	_ = 	snop  }
0x6: {  	_ = 	snop  }
0x7: {  	_ = 	snop  }
__scs_overlays_trampoline_lowered:
0x8: {  	[smem:$0x3FA8] =	sst s0  }
0x9: {  	[smem:$0x3FA9] =	sst s1  }
0xa: {  	[smem:$0x3FAA] =	sst s2  }
0xb: {  	[smem:$0x3FAB] =	sst s3  }
0xc: {  	[smem:$0x3FAC] =	sst s4  }
0xd: {  	[smem:$0x3FAD] =	sst s5  }
0xe: {  	[smem:$0x3FAE] =	sst s6  }
0xf: {  	[smem:$0x3FAF] =	sst s7  }
0x10: {  	[smem:$0x3FB0] =	sst s8  }
0x11: {  	[smem:$0x3FB1] =	sst s9;
	s0 =	simm.s32 @!p0 $0x0  }
0x12: {  	s1 =	sld [smem:$0x3F97];
	s0 =	simm.s32 @p0 $0x1  }
0x13: {  	[smem:$0x3FB2] =	sst s0;
	s0 =	simm.s32 @!p1 $0x0  }
0x14: {  	s2 =	sld [smem:$0x3F96];
	s0 =	simm.s32 @p1 $0x1  }
0x15: {  	[smem:$0x3FB3] =	sst s0;
	s0 =	simm.s32 @!p2 $0x0  }
0x16: {  	s3 =	sld [smem:$0x3FDB];
	s0 =	simm.s32 @p2 $0x1  }
0x17: {  	s4 =	simm.s32 $0x1BF5;
	[smem:$0x3FB5] =	sst s0  }
0x18: {  	s0 =	sld [smem:$0x3F98];
	_ =	swait.ge [sflag:s4], $0x0  }
0x19: {  	s7 =	sld [smem:$0x3F99]  }
0x1a: {  	s8 =	sadd.s32 $0xFFFFE003, lr  }
0x1b: {  	s9 =	sadd.s32 $0xFFFFFEF7, lr;
	s5 =	simm.s32 $0xFFFFFFFF;
	p2 =	slt.u32 s8, $0xFFFFF086  }
0x1c: {  	p1 =	slt.u32 s9, $0xF7A;
	s5 =	simm.s32 @!p2 $0x0  }
0x1d: {  	s5 =	simm.s32 @p1 $0x1;
	p0 =	seq.s32 s7, s2  }
0x1e: {  	s7 =	smul.u32 @!p0 $0xF7A, s2;
	p2 =	seq.s32 @!p0 s5, $0x0  }
0x1f: {  	s9 =	smul.u32 $0xF7A, s1;
	s8 =	simm.s32 @!p0 $0x1BF5;
	p2 =	por !p2, p0  }
0x20: {  	[sflag:s8] =	ssyncset.s32 @!p0 $0xFFFFF086;
	s6 =	sadd.s32 @!p0 s3, s7;
	s7 =	simm.s32 @!p0 $0x108  }
0x21: {  	s3 =	sadd.s32 s3, s9;
	s6 =	sadd.s32 @!p0 $0x88, s6;
	s7 =	simm.s32 @p2 $0x1082  }
0x22: {  	[simem:s7], [sflag:s8] =	dma.local @!p0 [hbm:s6], $0xF7A  }
0x23: {  	s9 =	sor.u32 $0xD0000000, s2;
	s6 =	simm.s32 $0x108;
	_ =	swait.ge @!p0 [sflag:s8], $0x0  }
0x24: {  	s3 =	sadd.s32 $0x88, s3;
	s6 =	simm.s32 @!p1 $0x1082;
	[sflag:s4] =	ssyncset.s32 $0xFFFFF086  }
0x25: {  	[simem:s6], [sflag:s4] =	dma.local [hbm:s3], $0xF7A  }
0x26: {  	[smem:$0x3F99] =	sst s1;
	(tag) =	ssettag s2;
	_ =	strace s9  }
0x27: {  	s1 =	sld [smem:$0x3FA9]  }
0x28: {  	s2 =	sld [smem:$0x3FAA]  }
0x29: {  	s4 =	sld [smem:$0x3FAC]  }
0x2a: {  	p0 =	seq.s32 s5, $0x0;
	s5 =	sld [smem:$0x3FAD]  }
0x2b: {  	s6 =	sld [smem:$0x3FAE]  }
0x2c: {  	s7 =	sld [smem:$0x3FAF]  }
0x2d: {  	s3 =	simm.s32 $0x108;
	s8 =	sld [smem:$0x3FB0]  }
0x2e: {  	s3 =	simm.s32 @!p0 $0x1082;
	s9 =	sld [smem:$0x3FB1]  }
0x2f: {  	lr =	sadd.s32 s0, s3;
	s0 =	sld [smem:$0x3FA8]  }
0x30: {  	s3 =	sld [smem:$0x3FAB]  }
0x31: {  	[smem:$0x3FB4] =	sst s10  }
0x32: {  	s10 =	sld [smem:$0x3FB2];
	_ =	sdelay $0x3  }
0x33: {  	p0 =	seq.s32 s10, $0x1;
	s10 =	sld [smem:$0x3FB4];
	_ =	sdelay $0x3  }
0x34: {  	[smem:$0x3FB4] =	sst s10  }
0x35: {  	s10 =	sld [smem:$0x3FB3];
	_ =	sdelay $0x3  }
0x36: {  	p1 =	seq.s32 s10, $0x1;
	s10 =	sld [smem:$0x3FB4];
	_ =	sdelay $0x3  }
0x37: {  	[smem:$0x3FB4] =	sst s10  }
0x38: {  	s10 =	sld [smem:$0x3FB5]  }
0x39: {  	_ = 	snop;
	(pc) =	sbr.ind lr, $3  }
0x3a: {  	_ = 	snop  }
0x3b: {  	_ = 	snop  }
0x3c: {  	p2 =	seq.s32 s10, $0x1;
	s10 =	sld [smem:$0x3FB4]  }
0x3d: {  	_ =	shalt  }
0x3e: {  	_ =	shalt  }
0x3f: {  	_ =	shalt  }
0x40: {  	_ =	shalt  }
0x41: {  	_ =	shalt  }
0x42: {  	_ =	shalt  }
0x43: {  	_ =	shalt  }
0x44: {  	_ =	shalt  }
0x45: {  	_ =	shalt  }
0x46: {  	_ =	shalt  }
0x47: {  	_ =	shalt  }
0x48: {  	_ =	shalt  }
0x49: {  	_ =	shalt  }
0x4a: {  	_ =	shalt  }
0x4b: {  	_ =	shalt  }
0x4c: {  	_ =	shalt  }
0x4d: {  	_ =	shalt  }
0x4e: {  	_ =	shalt  }
0x4f: {  	_ =	shalt  }
0x50: {  	_ =	shalt  }
0x51: {  	_ =	shalt  }
0x52: {  	_ =	shalt  }
0x53: {  	_ =	shalt  }
0x54: {  	_ =	shalt  }
0x55: {  	_ =	shalt  }
0x56: {  	_ =	shalt  }
0x57: {  	_ =	shalt  }
0x58: {  	_ =	shalt  }
0x59: {  	_ =	shalt  }
0x5a: {  	_ =	shalt  }
0x5b: {  	_ =	shalt  }
0x5c: {  	_ =	shalt  }
0x5d: {  	_ =	shalt  }
0x5e: {  	_ =	shalt  }
0x5f: {  	_ =	shalt  }
0x60: {  	_ =	shalt  }
0x61: {  	_ =	shalt  }
0x62: {  	_ =	shalt  }
0x63: {  	_ =	shalt  }
0x64: {  	_ =	shalt  }
0x65: {  	_ =	shalt  }
0x66: {  	_ =	shalt  }
0x67: {  	_ =	shalt  }
0x68: {  	_ =	shalt  }
0x69: {  	_ =	shalt  }
0x6a: {  	_ =	shalt  }
0x6b: {  	_ =	shalt  }
0x6c: {  	_ =	shalt  }
0x6d: {  	_ =	shalt  }
0x6e: {  	_ =	shalt  }
0x6f: {  	_ =	shalt  }
0x70: {  	_ =	shalt  }
0x71: {  	_ =	shalt  }
0x72: {  	_ =	shalt  }
0x73: {  	_ =	shalt  }
0x74: {  	_ =	shalt  }
0x75: {  	_ =	shalt  }
0x76: {  	_ =	shalt  }
0x77: {  	_ =	shalt  }
0x78: {  	_ =	shalt  }
0x79: {  	_ =	shalt  }
0x7a: {  	_ =	shalt  }
0x7b: {  	_ =	shalt  }
0x7c: {  	_ =	shalt  }
0x7d: {  	_ =	shalt  }
0x7e: {  	_ =	shalt  }
0x7f: {  	_ =	shalt  }
0x80: {  	_ =	shalt  }
0x81: {  	_ =	shalt  }
0x82: {  	_ =	shalt  }
0x83: {  	_ =	shalt  }
0x84: {  	_ =	shalt  }
0x85: {  	_ =	shalt  }
0x86: {  	_ =	shalt  }
0x87: {  	_ =	shalt  }
.Lfunc_end0:
.L_simem_size_0:
called_computation.1_lowered:
.L_overlay_start_0:
0x88: {  	s2 =	sld [smem:$0x3FD9]  }
0x89: {  	s3 =	sld [smem:$0x3FFE];
	_ =	sdelay $0x1  }
0x8a: {  	s1 =	srdreg.scid  }
0x8b: {  	s0 =	sand.u32 $0x1, s1  }
0x8c: {  	s16 =	sshll.u32 s0, $0xA;
	s2 =	sadd.s32 s3, s2  }
0x8d: {  	s2 =	sadd.s32 s2, s16  }
0x8e: {  	[smem:$0x3FC0] =	sst s2  }
0x8f: {  	_ = 	snop  }
0x90: {  	(tm) =	ssettm $0x1  }
0x91: {  	s17 =	sld [smem:$0x3FFB];
	_ =	sdelay $0x3  }
0x92: {  	_ =	strace s17  }
0x93: {  	s2 =	sld [smem:$0x3FFC];
	_ =	sdelay $0x3  }
0x94: {  	_ =	strace s2  }
0x95: {  	s2 =	sld [smem:$0x3FFD];
	_ =	sdelay $0x3  }
0x96: {  	_ =	strace s2  }
0x97: {  	_ =	strace $0x8FFFFFFF  }
0x98: {  	s18 =	sld [smem:$0x3FDB];
	_ =	sdelay $0x1  }
0x99: {  	s19 =	simm.s32 $_scs_section_size  }
0x9a: {  	s4 =	simm.s32 $_size__tile_overlayer_lowered;
	s5 =	simm.s32 $_tile_overlayer_lowered  }
0x9b: {  	s22 =	simm.s32 $0x1BFF;
	s21 =	sshll.u32 s5, $0x1;
	s2 =	sadd.s32 s19, s18  }
0x9c: {  	s6 =	simm.s32 $0x0;
	s20 =	sshll.u32 s4, $0x1;
	s4 =	sadd.s32 s21, s2  }
0x9d: {  	[timem:s6], [sflag:s22] =	dma.local [hbm:s4], s20  }
0x9e: {  	_ =	swait.ge [sflag:s22], s20  }
0x9f: {  	s3 =	ssub.s32 $0x0, s20;
	[sflag:s22] =	ssyncset.done $0x0  }
0xa0: {  	[sflag:s22] =	ssyncadd.s32 s3;
	_ =	sdelay $0x1  }
0xa1: {  	s23 =	simm.s32 $0x1B8B  }
0xa2: {  	_ =	swait.ge [sflag:s23], $0x1  }
0xa3: {  	[sflag:s23] =	ssyncset.done $0x0  }
0xa4: {  	s25 =	simm.s32 $0x1B8E;
	s24 =	sld [smem:$0x3FFE];
	[sflag:s23] =	ssyncadd.s32 $0xFFFFFFFF  }
0xa5: {  	s26 =	simm.s32 $execute0_lowered;
	[smem:$0x3FD2] =	sst s25  }
0xa6: {  	s4 =	sshll.u32 s26, $0x1;
	_ =	strace $0x80000049;
	[dreg:$0x1] =	wrdreg $0xFFFFFFFF  }
0xa7: {  	s28 =	simm.s32 $_size_execute0_lowered;
	s2 =	sadd.s32 s2, s4;
	[dreg:$0x0] =	wrdreg $0x0  }
0xa8: {  	s4 =	sshll.u32 s28, $0x1;
	[dreg:$0x2] =	wrdreg s2  }
0xa9: {  	[dreg:$0x3] =	wrdreg s4  }
0xaa: {  	[dreg:$0x4] =	wrdreg $0xC0  }
0xab: {  	_ =	task [dreg:s6], $0x5FFFF  }
0xac: {  	[dreg:$0x1] =	wrdreg $0xFFFFFFFF  }
0xad: {  	[dreg:$0x0] =	wrdreg $0x60  }
0xae: {  	[dreg:$0x2] =	wrdreg s24  }
0xaf: {  	[dreg:$0x3] =	wrdreg $0xB7800  }
0xb0: {  	[dreg:$0x4] =	wrdreg $0x9  }
0xb1: {  	_ =	task.clear_ibuf [dreg:s6], $0x5FFFF;
	_ =	strace $0x90000049  }
0xb2: {  	s29 =	simm.s32 $0x9;
	_ =	strace $0x8000004B  }
0xb3: {  	_ =	swait.ge [sflag:s29], $0x1  }
0xb4: {  	[sflag:s29] =	ssyncadd.s32 $0xFFFFFFFF  }
0xb5: {  	_ =	strace $0x9000004B  }
0xb6: {  	_ =	sfence  }
0xb7: {  	s30 =	sld [smem:$0x0];
	_ =	sdelay $0x2  }
0xb8: {  	s31 =	sshll.u32 s1, $0xD;
	s1 =	sshrl.u32 s1, $0x2  }
0xb9: {  	s3 =	sand.u32 $0x4000, s31;
	s1 =	sadd.s32 s1, s30  }
0xba: {  	s0 =	sor.u32 s3, s0;
	s1 =	sshll.u32 s1, $0x11  }
0xbb: {  	s0 =	sor.u32 s1, s0  }
0xbc: {  	s0 =	sadd.s32 $0x8F2B, s0  }
0xbd: {  	[sflag:s0] =	ssyncadd.remote.s32 $0x1  }
0xbe: {  	_ =	sfence.sel $0xFFFF  }
0xbf: {  	[dreg:$0x0] =	wrdreg $0xFFFFFFFF;
	(pc) =	sbr.abs _section_cstart, $3  }
0xc0: {  	[dreg:$0x1] =	wrdreg $0xFFFFFFFF  }
0xc1: {  	_ =	task.clear_ibuf [dreg:s6], $0x2FFFF;
	_ =	strace $0x9FFFFFFF  }
0xc2: {  	(tm) =	ssettm $0x7FFFFFFF  }
0xc3: {  	_ =	shalt  }
tec
execute0_lowered:
.L_overlay_start_1:
0x0: {  	(tag) =	ssettag $0x1  }
0x1: {  	s0 =	srdreg.scid  }
0x2: {  	s6 =	rddreg [dreg:$0x0];
	s26 =	stileid.u32  }
0x3: {  	s2 =	rddreg [dreg:$0x1];
	s3 =	simm.s32 $0x0;
	s16 =	simm.s32 $0x2780  }
0x4: {  	s17 =	simm.s32 $0x50;
	s18 =	simm.s32 $0x6780;
	s19 =	simm.s32 $0x8F80  }
0x5: {  	s20 =	simm.s32 $0x3;
	s21 =	simm.s32 $0x1;
	s22 =	simm.s32 $0x2  }
0x6: {  	s23 =	simm.s32 $0x6480;
	s24 =	simm.s32 $0x26C0;
	s25 =	simm.s32 $0x6500  }
0x7: {  	s28 =	simm.s32 $0x0;
	s5 =	sand.u32 $0x1, s0;
	s9 =	smul.u32 $0x2800, s26  }
0x8: {  	s8 =	sshll.u32 s26, $0x7;
	[smem:$0x7FF] =	sst s3;
	s29 =	smul.u32 $0x50000, s26  }
0x9: {  	s1 =	sshll.u32 s5, $0x4;
	s8 =	sand.u32 $0x380, s8;
	_ =	strace $0x8000004A  }
0xa: {  	s10 =	smul.u32 $0x28000, s5;
	s5 =	ssub.s32 $0x2, s5;
	s7 =	sor.u32 s26, s1  }
0xb: {  	s12 =	sadd.s32 s9, s6;
	s30 =	sshrl.u32 s5, $0x1;
	s31 =	sshrl.u32 s29, $0x2  }
0xc: {  	s4 =	sshrl.u32 s7, $0x3;
	s7 =	sshll.u32 s7, $0xB;
	s9 =	sadd.s32 s9, s10  }
0xd: {  	s14 =	ssub.s32 s5, s30;
	s15 =	sadd.s32 s31, s2;
	s5 =	sadd.s32 $0x97200, s12  }
0xe: {  	s4 =	smul.u32 $0x13C00, s4;
	s11 =	sadd.s32 s7, s6;
	s13 =	sadd.s32 s9, s6  }
0xf: {  	s12 =	sshrl.u32 s15, $0x3;
	s15 =	simm.s32 $0x4;
	s9 =	sadd.s32 $0x5400, s11  }
0x10: {  	s10 =	sadd.s32 $0xBF200, s13;
	s11 =	smax.u32 s14, $0x1;
	s8 =	sor.u32 s8, s4  }
0x11: {  	s13 =	simm.s32 $0x80;
	s14 =	simm.s32 $0x400;
	s8 =	sshrl.u32 s8, $0x3  }
0x12: {  	s4 =	sadd.s32 $0x15400, s6;
	s8 =	sadd.s32 s8, s6;
	s6 =	sshll.u32 s26, $0x6  }
0x13: {  	s26 =	simm.s32 $0x6580;
	s7 =	sor.u32 $0x1C03, s6;
	s8 =	sadd.s32 $0x3D400, s8  }
.LBB2_1:
0x14: {  	[spmem:s12], [sflag:s7] =	dma.local [hbm:s5], $0x2800  }
0x15: {  	[tilespmem:s3], [sflag:$0x4] =	stream.strided.gather [hbm4b:s8+s13], $0x2780, s14, s13, $0x38;
	[tilespmem:$0x1F780] =	vst v63  }
0x16: {  	_ =	swait.ge [sflag:s15], $0x2780  }
0x17: {  	[sflag:s15] =	ssyncset.done $0x0  }
0x18: {  	[sflag:s15] =	ssyncadd.s32 $0xFFFFD880  }
0x19: {  	[tilespmem:s16], [sflag:$0x4] =	stream.linear.gather [hbm4b:s9+s3], $0x3E80, $0x38;
	[tilespmem:$0x1F780] =	vst v63  }
0x1a: {  	_ =	swait.ge [sflag:s15], $0x3E80  }
0x1b: {  	[sflag:s15] =	ssyncset.done $0x0  }
0x1c: {  	[sflag:s15] =	ssyncadd.s32 $0xFFFFC180  }
0x1d: {  	[tilespmem:s18], [sflag:$0x1] =	stream.indirect.gather [hbm4b:s4+s17], $0x80, s3, s17, $0xb8;
	[tilespmem:$0x1F780] =	vst v63  }
0x1e: {  	_ = 	snop  }
0x1f: {  	[tilespmem:s19], [sflag:$0x2] =	stream.indirect.gather [hbm4b:s4+s17], $0x80, s17, s17, $0xb8;
	[tilespmem:$0x1F780] =	vst v63  }
0x20: {  	_ =	swait.ge [sflag:s20], $0x2800  }
0x21: {  	[sflag:s20] =	ssyncset.done $0x0  }
0x22: {  	[sflag:s20] =	ssyncadd.s32 $0xFFFFD800  }
0x23: {  	[bflag:$0x0] =	sbarrier.arrive $0xFFFF  }
0x24: {  	_ =	swait.ge [sflag:s21], $0x2800  }
0x25: {  	[sflag:s21] =	ssyncset.done $0x0  }
0x26: {  	s29 =	simm.s32 $0x2780;
	[sflag:s21] =	ssyncadd.s32 $0xFFFFD800  }
0x27: {  	[spmem:s2] =	stream.indirect.scatter.add.f32 [tilespmem:s18], [sflag:$0x4], $0x80, s29, s17, $0xb8;
	[tilespmem:$0x1F780] =	vst v63  }
0x28: {  	_ =	swait.ge [sflag:s15], $0x2800  }
0x29: {  	[sflag:s15] =	ssyncset.done $0x0  }
0x2a: {  	s29 =	simm.s32 $0xA0;
	[sflag:s15] =	ssyncadd.s32 $0xFFFFD800  }
0x2b: {  	[tilespmem:s18], [sflag:$0x1] =	stream.indirect.gather [hbm4b:s4+s17], $0x80, s29, s17, $0xb8;
	[tilespmem:$0x1F780] =	vst v63  }
0x2c: {  	_ =	swait.ge [sflag:s22], $0x2800  }
0x2d: {  	[sflag:s22] =	ssyncset.done $0x0  }
0x2e: {  	s29 =	simm.s32 $0x2800;
	[sflag:s22] =	ssyncadd.s32 $0xFFFFD800  }
0x2f: {  	[spmem:s2] =	stream.indirect.scatter.add.f32 [tilespmem:s19], [sflag:$0x4], $0x80, s29, s17, $0xb8;
	[tilespmem:$0x1F780] =	vst v63  }
0x30: {  	_ =	swait.ge [sflag:s15], $0x2800  }
0x31: {  	s30 =	simm.s32 $0x400;
	[sflag:s15] =	ssyncset.done $0x0  }
0x32: {  	s31 =	simm.s32 $0x190;
	s29 =	simm.s32 $0xF0;
	[sflag:s15] =	ssyncadd.s32 $0xFFFFD800  }
.LBB2_2:
0x33: {  	[tilespmem:s19], [sflag:$0x2] =	stream.indirect.gather [hbm4b:s4+s17], $0x80, s29, s17, $0xb8;
	[tilespmem:$0x1F780] =	vst v63  }
0x34: {  	s1 =	smov.u32 s30;
	s29 =	smov.u32 s31  }
0x35: {  	p0 =	sne.s32 s30, $0xF000;
	s30 =	sadd.s32 $0x400, s30;
	_ =	swait.ge [sflag:s21], $0x2800  }
0x36: {  	s1 =	sshra.s32 s1, $0x2;
	[sflag:s21] =	ssyncset.done $0x0  }
0x37: {  	s0 =	sadd.s32 $0x2780, s1;
	[sflag:s21] =	ssyncadd.s32 $0xFFFFD800  }
0x38: {  	[spmem:s2] =	stream.indirect.scatter.add.f32 [tilespmem:s18], [sflag:$0x4], $0x80, s0, s17, $0xb8;
	[tilespmem:$0x1F780] =	vst v63  }
0x39: {  	_ =	swait.ge [sflag:s15], $0x2800  }
0x3a: {  	[sflag:s15] =	ssyncset.done $0x0  }
0x3b: {  	s0 =	sadd.s32 $0xFFFFFFB0, s31;
	[sflag:s15] =	ssyncadd.s32 $0xFFFFD800  }
0x3c: {  	[tilespmem:s18], [sflag:$0x1] =	stream.indirect.gather [hbm4b:s4+s17], $0x80, s0, s17, $0xb8;
	[tilespmem:$0x1F780] =	vst v63  }
0x3d: {  	_ =	swait.ge [sflag:s22], $0x2800  }
0x3e: {  	[sflag:s22] =	ssyncset.done $0x0  }
.Ltmp0:
0x3f: {  	s0 =	sadd.s32 $0x2800, s1;
	[sflag:s22] =	ssyncadd.s32 $0xFFFFD800;
	(pc) =	sbr.rel @p0 .LBB2_2-.Ltmp0, $4  }
0x40: {  	[spmem:s2] =	stream.indirect.scatter.add.f32 [tilespmem:s19], [sflag:$0x4], $0x80, s0, s17, $0xb8;
	[tilespmem:$0x1F780] =	vst v63  }
0x41: {  	_ =	swait.ge [sflag:s15], $0x2800  }
0x42: {  	[sflag:s15] =	ssyncset.done $0x0  }
0x43: {  	s31 =	sadd.s32 $0xA0, s31;
	[sflag:s15] =	ssyncadd.s32 $0xFFFFD800  }
0x44: {  	[tilespmem:s19], [sflag:$0x2] =	stream.indirect.gather [hbm4b:s4+s17], $0x80, s29, s17, $0xb8;
	[tilespmem:$0x1F780] =	vst v63  }
0x45: {  	_ =	swait.ge [sflag:s21], $0x2800  }
0x46: {  	[sflag:s21] =	ssyncset.done $0x0  }
0x47: {  	[sflag:s21] =	ssyncadd.s32 $0xFFFFD800  }
0x48: {  	[spmem:s2] =	stream.indirect.scatter.add.f32 [tilespmem:s18], [sflag:$0x4], $0x80, s23, s17, $0xb8;
	[tilespmem:$0x1F780] =	vst v63  }
0x49: {  	_ =	swait.ge [sflag:s15], $0x2800  }
0x4a: {  	[sflag:s15] =	ssyncset.done $0x0  }
0x4b: {  	[sflag:s15] =	ssyncadd.s32 $0xFFFFD800  }
0x4c: {  	[tilespmem:s18], [sflag:$0x1] =	stream.indirect.gather [hbm4b:s4+s17], $0x80, s24, s17, $0xb8;
	[tilespmem:$0x1F780] =	vst v63  }
0x4d: {  	_ =	swait.ge [sflag:s22], $0x2800  }
0x4e: {  	[sflag:s22] =	ssyncset.done $0x0  }
0x4f: {  	[sflag:s22] =	ssyncadd.s32 $0xFFFFD800  }
0x50: {  	[spmem:s2] =	stream.indirect.scatter.add.f32 [tilespmem:s19], [sflag:$0x4], $0x80, s25, s17, $0xb8;
	[tilespmem:$0x1F780] =	vst v63  }
0x51: {  	_ =	swait.ge [sflag:s15], $0x2800  }
0x52: {  	[sflag:s15] =	ssyncset.done $0x0  }
0x53: {  	[sflag:s15] =	ssyncadd.s32 $0xFFFFD800  }
0x54: {  	_ =	swait.ge [sflag:s21], $0x2800  }
0x55: {  	[sflag:s21] =	ssyncset.done $0x0  }
0x56: {  	[sflag:s21] =	ssyncadd.s32 $0xFFFFD800  }
0x57: {  	[spmem:s2] =	stream.indirect.scatter.add.f32 [tilespmem:s18], [sflag:$0x4], $0x80, s26, s17, $0xb8;
	[tilespmem:$0x1F780] =	vst v63  }
0x58: {  	_ =	swait.ge [sflag:s15], $0x2800  }
0x59: {  	s28 =	sadd.s32 $0x1, s28;
	[sflag:s15] =	ssyncset.done $0x0  }
0x5a: {  	p0 =	sne.s32 s28, s11;
	[sflag:s15] =	ssyncadd.s32 $0xFFFFD800  }
.Ltmp1:
0x5b: {  	s0 =	sor.u32 $0x1C04, s6;
	[bflag:$0x0] =	sbarrier.arrive $0xFFFF;
	(pc) =	sbr.rel @p0 .LBB2_1-.Ltmp1, $4  }
0x5c: {  	[hbm:s10], [sflag:s0] =	dma.local [spmem:s12], $0x2800  }
0x5d: {  	_ =	swait.ge [sflag:s15], $0x2800  }
0x5e: {  	[sflag:s15] =	ssyncset.done $0x0  }
0x5f: {  	[sflag:s15] =	ssyncadd.s32 $0xFFFFD800  }
0x60: {  	_ =	sfence.sel $0x180000  }
0x61: {  	[bflag:$0x0] =	sbarrier.arrive $0xFFFF  }
0x62: {  	_ =	strace $0x9000004A  }
0x63: {  	s0 =	stileid.u32;
	[bflag:$0x2] =	sbarrier.arrive $0xFFFF  }
0x64: {  	p0 =	sne.s32 s0, $0x0;
	s0 =	rddreg [dreg:$0x2]  }
0x65: {  	s0 =	sadd.s32 @!p0 $0x100000, s0  }
0x66: {  	[sflag:s0] =	ssyncadd.tile.s32 @!p0 $0x1;
	_ =	shalt  }
.Lfunc_end2:
_tile_overlayer_lowered:
.L_overlay_start_2:
0x67: {  	(tag) =	ssettag $0x2  }
0x68: {  	s0 =	rddreg [dreg:$0x0];
	s2 =	stileid.u32  }
0x69: {  	s1 =	rddreg [dreg:$0x1];
	p0 =	sne.s32 s2, $0x0  }
0x6a: {  	s3 =	rddreg [dreg:$0x2];
	[bflag:$0x3] =	sbarrier.arrive $0xFFFF;
	s2 =	simm.s32 @!p0 $0x1C04  }
0x6b: {  	[timem:s3], [sflag:s2] =	dma.local @!p0 [hbm:s0], s1  }
0x6c: {  	s0 =	simm.s32 @!p0 $0x4  }
0x6d: {  	_ =	swait.ge @!p0 [sflag:s0], s1  }
0x6e: {  	s1 =	ssub.s32 @!p0 $0x0, s1;
	[sflag:s0] =	ssyncset.done @!p0 $0x0  }
0x6f: {  	[sflag:s0] =	ssyncadd.s32 @!p0 s1  }
0x70: {  	[bflag:$0x3] =	sbarrier.arrive $0xFFFF  }
0x71: {  	_ =	shalt  }

// kernel: kernel.16.cloned.1.call-start
scs
__scs_entry_jumppad:
0x0: {  	(pc) =	sbr.rel $0x88, $3  }
0x1: {  	(tag) =	ssettag $0x0;
	lr =	simm.s32 $0x1  }
0x2: {  	[smem:$0x3F99] =	sst lr;
	_ =	strace $0xD0000000  }
0x3: {  	_ = 	snop  }
0x4: {  	_ = 	snop  }
0x5: {  	_ = 	snop  }
0x6: {  	_ = 	snop  }
0x7: {  	_ = 	snop  }
__scs_overlays_trampoline_lowered:
0x8: {  	[smem:$0x3FA8] =	sst s0  }
0x9: {  	[smem:$0x3FA9] =	sst s1  }
0xa: {  	[smem:$0x3FAA] =	sst s2  }
0xb: {  	[smem:$0x3FAB] =	sst s3  }
0xc: {  	[smem:$0x3FAC] =	sst s4  }
0xd: {  	[smem:$0x3FAD] =	sst s5  }
0xe: {  	[smem:$0x3FAE] =	sst s6  }
0xf: {  	[smem:$0x3FAF] =	sst s7  }
0x10: {  	[smem:$0x3FB0] =	sst s8  }
0x11: {  	[smem:$0x3FB1] =	sst s9;
	s0 =	simm.s32 @!p0 $0x0  }
0x12: {  	s1 =	sld [smem:$0x3F97];
	s0 =	simm.s32 @p0 $0x1  }
0x13: {  	[smem:$0x3FB2] =	sst s0;
	s0 =	simm.s32 @!p1 $0x0  }
0x14: {  	s2 =	sld [smem:$0x3F96];
	s0 =	simm.s32 @p1 $0x1  }
0x15: {  	[smem:$0x3FB3] =	sst s0;
	s0 =	simm.s32 @!p2 $0x0  }
0x16: {  	s3 =	sld [smem:$0x3FDB];
	s0 =	simm.s32 @p2 $0x1  }
0x17: {  	s4 =	simm.s32 $0x1BF5;
	[smem:$0x3FB5] =	sst s0  }
0x18: {  	s0 =	sld [smem:$0x3F98];
	_ =	swait.ge [sflag:s4], $0x0  }
0x19: {  	s7 =	sld [smem:$0x3F99]  }
0x1a: {  	s8 =	sadd.s32 $0xFFFFE003, lr  }
0x1b: {  	s9 =	sadd.s32 $0xFFFFFEF7, lr;
	s5 =	simm.s32 $0xFFFFFFFF;
	p2 =	slt.u32 s8, $0xFFFFF086  }
0x1c: {  	p1 =	slt.u32 s9, $0xF7A;
	s5 =	simm.s32 @!p2 $0x0  }
0x1d: {  	s5 =	simm.s32 @p1 $0x1;
	p0 =	seq.s32 s7, s2  }
0x1e: {  	s7 =	smul.u32 @!p0 $0xF7A, s2;
	p2 =	seq.s32 @!p0 s5, $0x0  }
0x1f: {  	s9 =	smul.u32 $0xF7A, s1;
	s8 =	simm.s32 @!p0 $0x1BF5;
	p2 =	por !p2, p0  }
0x20: {  	[sflag:s8] =	ssyncset.s32 @!p0 $0xFFFFF086;
	s6 =	sadd.s32 @!p0 s3, s7;
	s7 =	simm.s32 @!p0 $0x108  }
0x21: {  	s3 =	sadd.s32 s3, s9;
	s6 =	sadd.s32 @!p0 $0x88, s6;
	s7 =	simm.s32 @p2 $0x1082  }
0x22: {  	[simem:s7], [sflag:s8] =	dma.local @!p0 [hbm:s6], $0xF7A  }
0x23: {  	s9 =	sor.u32 $0xD0000000, s2;
	s6 =	simm.s32 $0x108;
	_ =	swait.ge @!p0 [sflag:s8], $0x0  }
0x24: {  	s3 =	sadd.s32 $0x88, s3;
	s6 =	simm.s32 @!p1 $0x1082;
	[sflag:s4] =	ssyncset.s32 $0xFFFFF086  }
0x25: {  	[simem:s6], [sflag:s4] =	dma.local [hbm:s3], $0xF7A  }
0x26: {  	[smem:$0x3F99] =	sst s1;
	(tag) =	ssettag s2;
	_ =	strace s9  }
0x27: {  	s1 =	sld [smem:$0x3FA9]  }
0x28: {  	s2 =	sld [smem:$0x3FAA]  }
0x29: {  	s4 =	sld [smem:$0x3FAC]  }
0x2a: {  	p0 =	seq.s32 s5, $0x0;
	s5 =	sld [smem:$0x3FAD]  }
0x2b: {  	s6 =	sld [smem:$0x3FAE]  }
0x2c: {  	s7 =	sld [smem:$0x3FAF]  }
0x2d: {  	s3 =	simm.s32 $0x108;
	s8 =	sld [smem:$0x3FB0]  }
0x2e: {  	s3 =	simm.s32 @!p0 $0x1082;
	s9 =	sld [smem:$0x3FB1]  }
0x2f: {  	lr =	sadd.s32 s0, s3;
	s0 =	sld [smem:$0x3FA8]  }
0x30: {  	s3 =	sld [smem:$0x3FAB]  }
0x31: {  	[smem:$0x3FB4] =	sst s10  }
0x32: {  	s10 =	sld [smem:$0x3FB2];
	_ =	sdelay $0x3  }
0x33: {  	p0 =	seq.s32 s10, $0x1;
	s10 =	sld [smem:$0x3FB4];
	_ =	sdelay $0x3  }
0x34: {  	[smem:$0x3FB4] =	sst s10  }
0x35: {  	s10 =	sld [smem:$0x3FB3];
	_ =	sdelay $0x3  }
0x36: {  	p1 =	seq.s32 s10, $0x1;
	s10 =	sld [smem:$0x3FB4];
	_ =	sdelay $0x3  }
0x37: {  	[smem:$0x3FB4] =	sst s10  }
0x38: {  	s10 =	sld [smem:$0x3FB5]  }
0x39: {  	_ = 	snop;
	(pc) =	sbr.ind lr, $3  }
0x3a: {  	_ = 	snop  }
0x3b: {  	_ = 	snop  }
0x3c: {  	p2 =	seq.s32 s10, $0x1;
	s10 =	sld [smem:$0x3FB4]  }
0x3d: {  	_ =	shalt  }
0x3e: {  	_ =	shalt  }
0x3f: {  	_ =	shalt  }
0x40: {  	_ =	shalt  }
0x41: {  	_ =	shalt  }
0x42: {  	_ =	shalt  }
0x43: {  	_ =	shalt  }
0x44: {  	_ =	shalt  }
0x45: {  	_ =	shalt  }
0x46: {  	_ =	shalt  }
0x47: {  	_ =	shalt  }
0x48: {  	_ =	shalt  }
0x49: {  	_ =	shalt  }
0x4a: {  	_ =	shalt  }
0x4b: {  	_ =	shalt  }
0x4c: {  	_ =	shalt  }
0x4d: {  	_ =	shalt  }
0x4e: {  	_ =	shalt  }
0x4f: {  	_ =	shalt  }
0x50: {  	_ =	shalt  }
0x51: {  	_ =	shalt  }
0x52: {  	_ =	shalt  }
0x53: {  	_ =	shalt  }
0x54: {  	_ =	shalt  }
0x55: {  	_ =	shalt  }
0x56: {  	_ =	shalt  }
0x57: {  	_ =	shalt  }
0x58: {  	_ =	shalt  }
0x59: {  	_ =	shalt  }
0x5a: {  	_ =	shalt  }
0x5b: {  	_ =	shalt  }
0x5c: {  	_ =	shalt  }
0x5d: {  	_ =	shalt  }
0x5e: {  	_ =	shalt  }
0x5f: {  	_ =	shalt  }
0x60: {  	_ =	shalt  }
0x61: {  	_ =	shalt  }
0x62: {  	_ =	shalt  }
0x63: {  	_ =	shalt  }
0x64: {  	_ =	shalt  }
0x65: {  	_ =	shalt  }
0x66: {  	_ =	shalt  }
0x67: {  	_ =	shalt  }
0x68: {  	_ =	shalt  }
0x69: {  	_ =	shalt  }
0x6a: {  	_ =	shalt  }
0x6b: {  	_ =	shalt  }
0x6c: {  	_ =	shalt  }
0x6d: {  	_ =	shalt  }
0x6e: {  	_ =	shalt  }
0x6f: {  	_ =	shalt  }
0x70: {  	_ =	shalt  }
0x71: {  	_ =	shalt  }
0x72: {  	_ =	shalt  }
0x73: {  	_ =	shalt  }
0x74: {  	_ =	shalt  }
0x75: {  	_ =	shalt  }
0x76: {  	_ =	shalt  }
0x77: {  	_ =	shalt  }
0x78: {  	_ =	shalt  }
0x79: {  	_ =	shalt  }
0x7a: {  	_ =	shalt  }
0x7b: {  	_ =	shalt  }
0x7c: {  	_ =	shalt  }
0x7d: {  	_ =	shalt  }
0x7e: {  	_ =	shalt  }
0x7f: {  	_ =	shalt  }
0x80: {  	_ =	shalt  }
0x81: {  	_ =	shalt  }
0x82: {  	_ =	shalt  }
0x83: {  	_ =	shalt  }
0x84: {  	_ =	shalt  }
0x85: {  	_ =	shalt  }
0x86: {  	_ =	shalt  }
0x87: {  	_ =	shalt  }
.Lfunc_end0:
.L_simem_size_0:
called_computation.2_lowered:
.L_overlay_start_0:
0x88: {  	s2 =	sld [smem:$0x3FD9]  }
0x89: {  	s3 =	sld [smem:$0x3FFE];
	_ =	sdelay $0x1  }
0x8a: {  	s1 =	srdreg.scid  }
0x8b: {  	s0 =	sand.u32 $0x1, s1  }
0x8c: {  	s16 =	sshll.u32 s0, $0xA;
	s2 =	sadd.s32 s3, s2  }
0x8d: {  	s2 =	sadd.s32 s2, s16  }
0x8e: {  	[smem:$0x3FC0] =	sst s2  }
0x8f: {  	_ = 	snop  }
0x90: {  	(tm) =	ssettm $0x1  }
0x91: {  	s17 =	sld [smem:$0x3FFB];
	_ =	sdelay $0x3  }
0x92: {  	_ =	strace s17  }
0x93: {  	s2 =	sld [smem:$0x3FFC];
	_ =	sdelay $0x3  }
0x94: {  	_ =	strace s2  }
0x95: {  	s2 =	sld [smem:$0x3FFD];
	_ =	sdelay $0x3  }
0x96: {  	_ =	strace s2  }
0x97: {  	_ =	strace $0x8FFFFFFF  }
0x98: {  	s18 =	sld [smem:$0x3FDB];
	_ =	sdelay $0x1  }
0x99: {  	s19 =	simm.s32 $_scs_section_size  }
0x9a: {  	s4 =	simm.s32 $_size__tile_overlayer_lowered;
	s5 =	simm.s32 $_tile_overlayer_lowered  }
0x9b: {  	s22 =	simm.s32 $0x1BFF;
	s21 =	sshll.u32 s5, $0x1;
	s2 =	sadd.s32 s19, s18  }
0x9c: {  	s6 =	simm.s32 $0x0;
	s20 =	sshll.u32 s4, $0x1;
	s4 =	sadd.s32 s21, s2  }
0x9d: {  	[timem:s6], [sflag:s22] =	dma.local [hbm:s4], s20  }
0x9e: {  	_ =	swait.ge [sflag:s22], s20  }
0x9f: {  	s3 =	ssub.s32 $0x0, s20;
	[sflag:s22] =	ssyncset.done $0x0  }
0xa0: {  	[sflag:s22] =	ssyncadd.s32 s3;
	_ =	sdelay $0x1  }
0xa1: {  	s23 =	simm.s32 $0x1B8B  }
0xa2: {  	_ =	swait.ge [sflag:s23], $0x1  }
0xa3: {  	[sflag:s23] =	ssyncset.done $0x0  }
0xa4: {  	s25 =	simm.s32 $0x1B8E;
	s24 =	sld [smem:$0x3FFE];
	[sflag:s23] =	ssyncadd.s32 $0xFFFFFFFF  }
0xa5: {  	s26 =	simm.s32 $execute0_lowered;
	[smem:$0x3FD2] =	sst s25  }
0xa6: {  	s4 =	sshll.u32 s26, $0x1;
	_ =	strace $0x8000004C;
	[dreg:$0x1] =	wrdreg $0xFFFFFFFF  }
0xa7: {  	s28 =	simm.s32 $_size_execute0_lowered;
	s2 =	sadd.s32 s2, s4;
	[dreg:$0x0] =	wrdreg $0x0  }
0xa8: {  	s4 =	sshll.u32 s28, $0x1;
	[dreg:$0x2] =	wrdreg s2  }
0xa9: {  	[dreg:$0x3] =	wrdreg s4  }
0xaa: {  	[dreg:$0x4] =	wrdreg $0xC0  }
0xab: {  	_ =	task [dreg:s6], $0x5FFFF  }
0xac: {  	[dreg:$0x1] =	wrdreg $0xFFFFFFFF  }
0xad: {  	[dreg:$0x0] =	wrdreg $0x60  }
0xae: {  	[dreg:$0x2] =	wrdreg s24  }
0xaf: {  	[dreg:$0x3] =	wrdreg $0xB7800  }
0xb0: {  	[dreg:$0x4] =	wrdreg $0x9  }
0xb1: {  	_ =	task.clear_ibuf [dreg:s6], $0x5FFFF;
	_ =	strace $0x9000004C  }
0xb2: {  	s29 =	simm.s32 $0x9;
	_ =	strace $0x8000004E  }
0xb3: {  	_ =	swait.ge [sflag:s29], $0x1  }
0xb4: {  	[sflag:s29] =	ssyncadd.s32 $0xFFFFFFFF  }
0xb5: {  	_ =	strace $0x9000004E  }
0xb6: {  	_ =	sfence  }
0xb7: {  	s30 =	sld [smem:$0x0];
	_ =	sdelay $0x2  }
0xb8: {  	s31 =	sshll.u32 s1, $0xD;
	s1 =	sshrl.u32 s1, $0x2  }
0xb9: {  	s3 =	sand.u32 $0x4000, s31;
	s1 =	sadd.s32 s1, s30  }
0xba: {  	s0 =	sor.u32 s3, s0;
	s1 =	sshll.u32 s1, $0x11  }
0xbb: {  	s0 =	sor.u32 s1, s0  }
0xbc: {  	s0 =	sadd.s32 $0x8F2B, s0  }
0xbd: {  	[sflag:s0] =	ssyncadd.remote.s32 $0x1  }
0xbe: {  	_ =	sfence.sel $0xFFFF  }
0xbf: {  	[dreg:$0x0] =	wrdreg $0xFFFFFFFF;
	(pc) =	sbr.abs _section_cstart, $3  }
0xc0: {  	[dreg:$0x1] =	wrdreg $0xFFFFFFFF  }
0xc1: {  	_ =	task.clear_ibuf [dreg:s6], $0x2FFFF;
	_ =	strace $0x9FFFFFFF  }
0xc2: {  	(tm) =	ssettm $0x7FFFFFFF  }
0xc3: {  	_ =	shalt  }
tec
execute0_lowered:
.L_overlay_start_1:
0x0: {  	(tag) =	ssettag $0x1  }
0x1: {  	s0 =	srdreg.scid  }
0x2: {  	s6 =	rddreg [dreg:$0x0];
	s26 =	stileid.u32  }
0x3: {  	s2 =	rddreg [dreg:$0x1];
	s3 =	simm.s32 $0x0;
	s16 =	simm.s32 $0x2780  }
0x4: {  	s17 =	simm.s32 $0x50;
	s18 =	simm.s32 $0x6780;
	s19 =	simm.s32 $0x8F80  }
0x5: {  	s20 =	simm.s32 $0x3;
	s21 =	simm.s32 $0x1;
	s22 =	simm.s32 $0x2  }
0x6: {  	s23 =	simm.s32 $0x6480;
	s24 =	simm.s32 $0x26C0;
	s25 =	simm.s32 $0x6500  }
0x7: {  	s28 =	simm.s32 $0x0;
	s5 =	sand.u32 $0x1, s0;
	s9 =	smul.u32 $0x2800, s26  }
0x8: {  	s8 =	sshll.u32 s26, $0x7;
	[smem:$0x7FF] =	sst s3;
	s29 =	smul.u32 $0x50000, s26  }
0x9: {  	s1 =	sshll.u32 s5, $0x4;
	s8 =	sand.u32 $0x380, s8;
	_ =	strace $0x8000004D  }
0xa: {  	s10 =	smul.u32 $0x28000, s5;
	s5 =	ssub.s32 $0x2, s5;
	s7 =	sor.u32 s26, s1  }
0xb: {  	s12 =	sadd.s32 s9, s6;
	s30 =	sshrl.u32 s5, $0x1;
	s31 =	sshrl.u32 s29, $0x2  }
0xc: {  	s4 =	sshrl.u32 s7, $0x3;
	s7 =	sshll.u32 s7, $0xB;
	s9 =	sadd.s32 s9, s10  }
0xd: {  	s14 =	ssub.s32 s5, s30;
	s15 =	sadd.s32 s31, s2;
	s5 =	sadd.s32 $0x97200, s12  }
0xe: {  	s4 =	smul.u32 $0x13C00, s4;
	s11 =	sadd.s32 s7, s6;
	s13 =	sadd.s32 s9, s6  }
0xf: {  	s12 =	sshrl.u32 s15, $0x3;
	s15 =	simm.s32 $0x4;
	s9 =	sadd.s32 $0x5400, s11  }
0x10: {  	s10 =	sadd.s32 $0xBF200, s13;
	s11 =	smax.u32 s14, $0x1;
	s8 =	sor.u32 s8, s4  }
0x11: {  	s13 =	simm.s32 $0x80;
	s14 =	simm.s32 $0x400;
	s8 =	sshrl.u32 s8, $0x3  }
0x12: {  	s4 =	sadd.s32 $0x15400, s6;
	s8 =	sadd.s32 s8, s6;
	s6 =	sshll.u32 s26, $0x6  }
0x13: {  	s26 =	simm.s32 $0x6580;
	s7 =	sor.u32 $0x1C03, s6;
	s8 =	sadd.s32 $0x3D400, s8  }
.LBB2_1:
0x14: {  	[spmem:s12], [sflag:s7] =	dma.local [hbm:s5], $0x2800  }
0x15: {  	[tilespmem:s3], [sflag:$0x4] =	stream.strided.gather [hbm4b:s8+s13], $0x2780, s14, s13, $0x38;
	[tilespmem:$0x1F780] =	vst v63  }
0x16: {  	_ =	swait.ge [sflag:s15], $0x2780  }
0x17: {  	[sflag:s15] =	ssyncset.done $0x0  }
0x18: {  	[sflag:s15] =	ssyncadd.s32 $0xFFFFD880  }
0x19: {  	[tilespmem:s16], [sflag:$0x4] =	stream.linear.gather [hbm4b:s9+s3], $0x3E80, $0x38;
	[tilespmem:$0x1F780] =	vst v63  }
0x1a: {  	_ =	swait.ge [sflag:s15], $0x3E80  }
0x1b: {  	[sflag:s15] =	ssyncset.done $0x0  }
0x1c: {  	[sflag:s15] =	ssyncadd.s32 $0xFFFFC180  }
0x1d: {  	[tilespmem:s18], [sflag:$0x1] =	stream.indirect.gather [hbm4b:s4+s17], $0x80, s3, s17, $0xb8;
	[tilespmem:$0x1F780] =	vst v63  }
0x1e: {  	_ = 	snop  }
0x1f: {  	[tilespmem:s19], [sflag:$0x2] =	stream.indirect.gather [hbm4b:s4+s17], $0x80, s17, s17, $0xb8;
	[tilespmem:$0x1F780] =	vst v63  }
0x20: {  	_ =	swait.ge [sflag:s20], $0x2800  }
0x21: {  	[sflag:s20] =	ssyncset.done $0x0  }
0x22: {  	[sflag:s20] =	ssyncadd.s32 $0xFFFFD800  }
0x23: {  	[bflag:$0x0] =	sbarrier.arrive $0xFFFF  }
0x24: {  	_ =	swait.ge [sflag:s21], $0x2800  }
0x25: {  	[sflag:s21] =	ssyncset.done $0x0  }
0x26: {  	s29 =	simm.s32 $0x2780;
	[sflag:s21] =	ssyncadd.s32 $0xFFFFD800  }
0x27: {  	[spmem:s2] =	stream.indirect.scatter.add.f32 [tilespmem:s18], [sflag:$0x4], $0x80, s29, s17, $0xb8;
	[tilespmem:$0x1F780] =	vst v63  }
0x28: {  	_ =	swait.ge [sflag:s15], $0x2800  }
0x29: {  	[sflag:s15] =	ssyncset.done $0x0  }
0x2a: {  	s29 =	simm.s32 $0xA0;
	[sflag:s15] =	ssyncadd.s32 $0xFFFFD800  }
0x2b: {  	[tilespmem:s18], [sflag:$0x1] =	stream.indirect.gather [hbm4b:s4+s17], $0x80, s29, s17, $0xb8;
	[tilespmem:$0x1F780] =	vst v63  }
0x2c: {  	_ =	swait.ge [sflag:s22], $0x2800  }
0x2d: {  	[sflag:s22] =	ssyncset.done $0x0  }
0x2e: {  	s29 =	simm.s32 $0x2800;
	[sflag:s22] =	ssyncadd.s32 $0xFFFFD800  }
0x2f: {  	[spmem:s2] =	stream.indirect.scatter.add.f32 [tilespmem:s19], [sflag:$0x4], $0x80, s29, s17, $0xb8;
	[tilespmem:$0x1F780] =	vst v63  }
0x30: {  	_ =	swait.ge [sflag:s15], $0x2800  }
0x31: {  	s30 =	simm.s32 $0x400;
	[sflag:s15] =	ssyncset.done $0x0  }
0x32: {  	s31 =	simm.s32 $0x190;
	s29 =	simm.s32 $0xF0;
	[sflag:s15] =	ssyncadd.s32 $0xFFFFD800  }
.LBB2_2:
0x33: {  	[tilespmem:s19], [sflag:$0x2] =	stream.indirect.gather [hbm4b:s4+s17], $0x80, s29, s17, $0xb8;
	[tilespmem:$0x1F780] =	vst v63  }
0x34: {  	s1 =	smov.u32 s30;
	s29 =	smov.u32 s31  }
0x35: {  	p0 =	sne.s32 s30, $0xF000;
	s30 =	sadd.s32 $0x400, s30;
	_ =	swait.ge [sflag:s21], $0x2800  }
0x36: {  	s1 =	sshra.s32 s1, $0x2;
	[sflag:s21] =	ssyncset.done $0x0  }
0x37: {  	s0 =	sadd.s32 $0x2780, s1;
	[sflag:s21] =	ssyncadd.s32 $0xFFFFD800  }
0x38: {  	[spmem:s2] =	stream.indirect.scatter.add.f32 [tilespmem:s18], [sflag:$0x4], $0x80, s0, s17, $0xb8;
	[tilespmem:$0x1F780] =	vst v63  }
0x39: {  	_ =	swait.ge [sflag:s15], $0x2800  }
0x3a: {  	[sflag:s15] =	ssyncset.done $0x0  }
0x3b: {  	s0 =	sadd.s32 $0xFFFFFFB0, s31;
	[sflag:s15] =	ssyncadd.s32 $0xFFFFD800  }
0x3c: {  	[tilespmem:s18], [sflag:$0x1] =	stream.indirect.gather [hbm4b:s4+s17], $0x80, s0, s17, $0xb8;
	[tilespmem:$0x1F780] =	vst v63  }
0x3d: {  	_ =	swait.ge [sflag:s22], $0x2800  }
0x3e: {  	[sflag:s22] =	ssyncset.done $0x0  }
.Ltmp0:
0x3f: {  	s0 =	sadd.s32 $0x2800, s1;
	[sflag:s22] =	ssyncadd.s32 $0xFFFFD800;
	(pc) =	sbr.rel @p0 .LBB2_2-.Ltmp0, $4  }
0x40: {  	[spmem:s2] =	stream.indirect.scatter.add.f32 [tilespmem:s19], [sflag:$0x4], $0x80, s0, s17, $0xb8;
	[tilespmem:$0x1F780] =	vst v63  }
0x41: {  	_ =	swait.ge [sflag:s15], $0x2800  }
0x42: {  	[sflag:s15] =	ssyncset.done $0x0  }
0x43: {  	s31 =	sadd.s32 $0xA0, s31;
	[sflag:s15] =	ssyncadd.s32 $0xFFFFD800  }
0x44: {  	[tilespmem:s19], [sflag:$0x2] =	stream.indirect.gather [hbm4b:s4+s17], $0x80, s29, s17, $0xb8;
	[tilespmem:$0x1F780] =	vst v63  }
0x45: {  	_ =	swait.ge [sflag:s21], $0x2800  }
0x46: {  	[sflag:s21] =	ssyncset.done $0x0  }
0x47: {  	[sflag:s21] =	ssyncadd.s32 $0xFFFFD800  }
0x48: {  	[spmem:s2] =	stream.indirect.scatter.add.f32 [tilespmem:s18], [sflag:$0x4], $0x80, s23, s17, $0xb8;
	[tilespmem:$0x1F780] =	vst v63  }
0x49: {  	_ =	swait.ge [sflag:s15], $0x2800  }
0x4a: {  	[sflag:s15] =	ssyncset.done $0x0  }
0x4b: {  	[sflag:s15] =	ssyncadd.s32 $0xFFFFD800  }
0x4c: {  	[tilespmem:s18], [sflag:$0x1] =	stream.indirect.gather [hbm4b:s4+s17], $0x80, s24, s17, $0xb8;
	[tilespmem:$0x1F780] =	vst v63  }
0x4d: {  	_ =	swait.ge [sflag:s22], $0x2800  }
0x4e: {  	[sflag:s22] =	ssyncset.done $0x0  }
0x4f: {  	[sflag:s22] =	ssyncadd.s32 $0xFFFFD800  }
0x50: {  	[spmem:s2] =	stream.indirect.scatter.add.f32 [tilespmem:s19], [sflag:$0x4], $0x80, s25, s17, $0xb8;
	[tilespmem:$0x1F780] =	vst v63  }
0x51: {  	_ =	swait.ge [sflag:s15], $0x2800  }
0x52: {  	[sflag:s15] =	ssyncset.done $0x0  }
0x53: {  	[sflag:s15] =	ssyncadd.s32 $0xFFFFD800  }
0x54: {  	_ =	swait.ge [sflag:s21], $0x2800  }
0x55: {  	[sflag:s21] =	ssyncset.done $0x0  }
0x56: {  	[sflag:s21] =	ssyncadd.s32 $0xFFFFD800  }
0x57: {  	[spmem:s2] =	stream.indirect.scatter.add.f32 [tilespmem:s18], [sflag:$0x4], $0x80, s26, s17, $0xb8;
	[tilespmem:$0x1F780] =	vst v63  }
0x58: {  	_ =	swait.ge [sflag:s15], $0x2800  }
0x59: {  	s28 =	sadd.s32 $0x1, s28;
	[sflag:s15] =	ssyncset.done $0x0  }
0x5a: {  	p0 =	sne.s32 s28, s11;
	[sflag:s15] =	ssyncadd.s32 $0xFFFFD800  }
.Ltmp1:
0x5b: {  	s0 =	sor.u32 $0x1C04, s6;
	[bflag:$0x0] =	sbarrier.arrive $0xFFFF;
	(pc) =	sbr.rel @p0 .LBB2_1-.Ltmp1, $4  }
0x5c: {  	[hbm:s10], [sflag:s0] =	dma.local [spmem:s12], $0x2800  }
0x5d: {  	_ =	swait.ge [sflag:s15], $0x2800  }
0x5e: {  	[sflag:s15] =	ssyncset.done $0x0  }
0x5f: {  	[sflag:s15] =	ssyncadd.s32 $0xFFFFD800  }
0x60: {  	_ =	sfence.sel $0x180000  }
0x61: {  	[bflag:$0x0] =	sbarrier.arrive $0xFFFF  }
0x62: {  	_ =	strace $0x9000004D  }
0x63: {  	s0 =	stileid.u32;
	[bflag:$0x2] =	sbarrier.arrive $0xFFFF  }
0x64: {  	p0 =	sne.s32 s0, $0x0;
	s0 =	rddreg [dreg:$0x2]  }
0x65: {  	s0 =	sadd.s32 @!p0 $0x100000, s0  }
0x66: {  	[sflag:s0] =	ssyncadd.tile.s32 @!p0 $0x1;
	_ =	shalt  }
.Lfunc_end2:
_tile_overlayer_lowered:
.L_overlay_start_2:
0x67: {  	(tag) =	ssettag $0x2  }
0x68: {  	s0 =	rddreg [dreg:$0x0];
	s2 =	stileid.u32  }
0x69: {  	s1 =	rddreg [dreg:$0x1];
	p0 =	sne.s32 s2, $0x0  }
0x6a: {  	s3 =	rddreg [dreg:$0x2];
	[bflag:$0x3] =	sbarrier.arrive $0xFFFF;
	s2 =	simm.s32 @!p0 $0x1C04  }
0x6b: {  	[timem:s3], [sflag:s2] =	dma.local @!p0 [hbm:s0], s1  }
0x6c: {  	s0 =	simm.s32 @!p0 $0x4  }
0x6d: {  	_ =	swait.ge @!p0 [sflag:s0], s1  }
0x6e: {  	s1 =	ssub.s32 @!p0 $0x0, s1;
	[sflag:s0] =	ssyncset.done @!p0 $0x0  }
0x6f: {  	[sflag:s0] =	ssyncadd.s32 @!p0 s1  }
0x70: {  	[bflag:$0x3] =	sbarrier.arrive $0xFFFF  }
0x71: {  	_ =	shalt  }

// kernel: kernel.19.cloned.1.call-start
scs
__scs_entry_jumppad:
0x0: {  	(pc) =	sbr.rel $0x88, $3  }
0x1: {  	(tag) =	ssettag $0x0;
	lr =	simm.s32 $0x1  }
0x2: {  	[smem:$0x3F99] =	sst lr;
	_ =	strace $0xD0000000  }
0x3: {  	_ = 	snop  }
0x4: {  	_ = 	snop  }
0x5: {  	_ = 	snop  }
0x6: {  	_ = 	snop  }
0x7: {  	_ = 	snop  }
__scs_overlays_trampoline_lowered:
0x8: {  	[smem:$0x3FA8] =	sst s0  }
0x9: {  	[smem:$0x3FA9] =	sst s1  }
0xa: {  	[smem:$0x3FAA] =	sst s2  }
0xb: {  	[smem:$0x3FAB] =	sst s3  }
0xc: {  	[smem:$0x3FAC] =	sst s4  }
0xd: {  	[smem:$0x3FAD] =	sst s5  }
0xe: {  	[smem:$0x3FAE] =	sst s6  }
0xf: {  	[smem:$0x3FAF] =	sst s7  }
0x10: {  	[smem:$0x3FB0] =	sst s8  }
0x11: {  	[smem:$0x3FB1] =	sst s9;
	s0 =	simm.s32 @!p0 $0x0  }
0x12: {  	s1 =	sld [smem:$0x3F97];
	s0 =	simm.s32 @p0 $0x1  }
0x13: {  	[smem:$0x3FB2] =	sst s0;
	s0 =	simm.s32 @!p1 $0x0  }
0x14: {  	s2 =	sld [smem:$0x3F96];
	s0 =	simm.s32 @p1 $0x1  }
0x15: {  	[smem:$0x3FB3] =	sst s0;
	s0 =	simm.s32 @!p2 $0x0  }
0x16: {  	s3 =	sld [smem:$0x3FDB];
	s0 =	simm.s32 @p2 $0x1  }
0x17: {  	s4 =	simm.s32 $0x1BF5;
	[smem:$0x3FB5] =	sst s0  }
0x18: {  	s0 =	sld [smem:$0x3F98];
	_ =	swait.ge [sflag:s4], $0x0  }
0x19: {  	s7 =	sld [smem:$0x3F99]  }
0x1a: {  	s8 =	sadd.s32 $0xFFFFE003, lr  }
0x1b: {  	s9 =	sadd.s32 $0xFFFFFEF7, lr;
	s5 =	simm.s32 $0xFFFFFFFF;
	p2 =	slt.u32 s8, $0xFFFFF086  }
0x1c: {  	p1 =	slt.u32 s9, $0xF7A;
	s5 =	simm.s32 @!p2 $0x0  }
0x1d: {  	s5 =	simm.s32 @p1 $0x1;
	p0 =	seq.s32 s7, s2  }
0x1e: {  	s7 =	smul.u32 @!p0 $0xF7A, s2;
	p2 =	seq.s32 @!p0 s5, $0x0  }
0x1f: {  	s9 =	smul.u32 $0xF7A, s1;
	s8 =	simm.s32 @!p0 $0x1BF5;
	p2 =	por !p2, p0  }
0x20: {  	[sflag:s8] =	ssyncset.s32 @!p0 $0xFFFFF086;
	s6 =	sadd.s32 @!p0 s3, s7;
	s7 =	simm.s32 @!p0 $0x108  }
0x21: {  	s3 =	sadd.s32 s3, s9;
	s6 =	sadd.s32 @!p0 $0x88, s6;
	s7 =	simm.s32 @p2 $0x1082  }
0x22: {  	[simem:s7], [sflag:s8] =	dma.local @!p0 [hbm:s6], $0xF7A  }
0x23: {  	s9 =	sor.u32 $0xD0000000, s2;
	s6 =	simm.s32 $0x108;
	_ =	swait.ge @!p0 [sflag:s8], $0x0  }
0x24: {  	s3 =	sadd.s32 $0x88, s3;
	s6 =	simm.s32 @!p1 $0x1082;
	[sflag:s4] =	ssyncset.s32 $0xFFFFF086  }
0x25: {  	[simem:s6], [sflag:s4] =	dma.local [hbm:s3], $0xF7A  }
0x26: {  	[smem:$0x3F99] =	sst s1;
	(tag) =	ssettag s2;
	_ =	strace s9  }
0x27: {  	s1 =	sld [smem:$0x3FA9]  }
0x28: {  	s2 =	sld [smem:$0x3FAA]  }
0x29: {  	s4 =	sld [smem:$0x3FAC]  }
0x2a: {  	p0 =	seq.s32 s5, $0x0;
	s5 =	sld [smem:$0x3FAD]  }
0x2b: {  	s6 =	sld [smem:$0x3FAE]  }
0x2c: {  	s7 =	sld [smem:$0x3FAF]  }
0x2d: {  	s3 =	simm.s32 $0x108;
	s8 =	sld [smem:$0x3FB0]  }
0x2e: {  	s3 =	simm.s32 @!p0 $0x1082;
	s9 =	sld [smem:$0x3FB1]  }
0x2f: {  	lr =	sadd.s32 s0, s3;
	s0 =	sld [smem:$0x3FA8]  }
0x30: {  	s3 =	sld [smem:$0x3FAB]  }
0x31: {  	[smem:$0x3FB4] =	sst s10  }
0x32: {  	s10 =	sld [smem:$0x3FB2];
	_ =	sdelay $0x3  }
0x33: {  	p0 =	seq.s32 s10, $0x1;
	s10 =	sld [smem:$0x3FB4];
	_ =	sdelay $0x3  }
0x34: {  	[smem:$0x3FB4] =	sst s10  }
0x35: {  	s10 =	sld [smem:$0x3FB3];
	_ =	sdelay $0x3  }
0x36: {  	p1 =	seq.s32 s10, $0x1;
	s10 =	sld [smem:$0x3FB4];
	_ =	sdelay $0x3  }
0x37: {  	[smem:$0x3FB4] =	sst s10  }
0x38: {  	s10 =	sld [smem:$0x3FB5]  }
0x39: {  	_ = 	snop;
	(pc) =	sbr.ind lr, $3  }
0x3a: {  	_ = 	snop  }
0x3b: {  	_ = 	snop  }
0x3c: {  	p2 =	seq.s32 s10, $0x1;
	s10 =	sld [smem:$0x3FB4]  }
0x3d: {  	_ =	shalt  }
0x3e: {  	_ =	shalt  }
0x3f: {  	_ =	shalt  }
0x40: {  	_ =	shalt  }
0x41: {  	_ =	shalt  }
0x42: {  	_ =	shalt  }
0x43: {  	_ =	shalt  }
0x44: {  	_ =	shalt  }
0x45: {  	_ =	shalt  }
0x46: {  	_ =	shalt  }
0x47: {  	_ =	shalt  }
0x48: {  	_ =	shalt  }
0x49: {  	_ =	shalt  }
0x4a: {  	_ =	shalt  }
0x4b: {  	_ =	shalt  }
0x4c: {  	_ =	shalt  }
0x4d: {  	_ =	shalt  }
0x4e: {  	_ =	shalt  }
0x4f: {  	_ =	shalt  }
0x50: {  	_ =	shalt  }
0x51: {  	_ =	shalt  }
0x52: {  	_ =	shalt  }
0x53: {  	_ =	shalt  }
0x54: {  	_ =	shalt  }
0x55: {  	_ =	shalt  }
0x56: {  	_ =	shalt  }
0x57: {  	_ =	shalt  }
0x58: {  	_ =	shalt  }
0x59: {  	_ =	shalt  }
0x5a: {  	_ =	shalt  }
0x5b: {  	_ =	shalt  }
0x5c: {  	_ =	shalt  }
0x5d: {  	_ =	shalt  }
0x5e: {  	_ =	shalt  }
0x5f: {  	_ =	shalt  }
0x60: {  	_ =	shalt  }
0x61: {  	_ =	shalt  }
0x62: {  	_ =	shalt  }
0x63: {  	_ =	shalt  }
0x64: {  	_ =	shalt  }
0x65: {  	_ =	shalt  }
0x66: {  	_ =	shalt  }
0x67: {  	_ =	shalt  }
0x68: {  	_ =	shalt  }
0x69: {  	_ =	shalt  }
0x6a: {  	_ =	shalt  }
0x6b: {  	_ =	shalt  }
0x6c: {  	_ =	shalt  }
0x6d: {  	_ =	shalt  }
0x6e: {  	_ =	shalt  }
0x6f: {  	_ =	shalt  }
0x70: {  	_ =	shalt  }
0x71: {  	_ =	shalt  }
0x72: {  	_ =	shalt  }
0x73: {  	_ =	shalt  }
0x74: {  	_ =	shalt  }
0x75: {  	_ =	shalt  }
0x76: {  	_ =	shalt  }
0x77: {  	_ =	shalt  }
0x78: {  	_ =	shalt  }
0x79: {  	_ =	shalt  }
0x7a: {  	_ =	shalt  }
0x7b: {  	_ =	shalt  }
0x7c: {  	_ =	shalt  }
0x7d: {  	_ =	shalt  }
0x7e: {  	_ =	shalt  }
0x7f: {  	_ =	shalt  }
0x80: {  	_ =	shalt  }
0x81: {  	_ =	shalt  }
0x82: {  	_ =	shalt  }
0x83: {  	_ =	shalt  }
0x84: {  	_ =	shalt  }
0x85: {  	_ =	shalt  }
0x86: {  	_ =	shalt  }
0x87: {  	_ =	shalt  }
.Lfunc_end0:
.L_simem_size_0:
called_computation.3_lowered:
.L_overlay_start_0:
0x88: {  	s2 =	sld [smem:$0x3FD9]  }
0x89: {  	s3 =	sld [smem:$0x3FFE];
	_ =	sdelay $0x1  }
0x8a: {  	s1 =	srdreg.scid  }
0x8b: {  	s0 =	sand.u32 $0x1, s1  }
0x8c: {  	s16 =	sshll.u32 s0, $0xA;
	s2 =	sadd.s32 s3, s2  }
0x8d: {  	s2 =	sadd.s32 s2, s16  }
0x8e: {  	[smem:$0x3FC0] =	sst s2  }
0x8f: {  	_ = 	snop  }
0x90: {  	(tm) =	ssettm $0x1  }
0x91: {  	s17 =	sld [smem:$0x3FFB];
	_ =	sdelay $0x3  }
0x92: {  	_ =	strace s17  }
0x93: {  	s2 =	sld [smem:$0x3FFC];
	_ =	sdelay $0x3  }
0x94: {  	_ =	strace s2  }
0x95: {  	s2 =	sld [smem:$0x3FFD];
	_ =	sdelay $0x3  }
0x96: {  	_ =	strace s2  }
0x97: {  	_ =	strace $0x8FFFFFFF  }
0x98: {  	s18 =	sld [smem:$0x3FDB];
	_ =	sdelay $0x1  }
0x99: {  	s19 =	simm.s32 $_scs_section_size  }
0x9a: {  	s4 =	simm.s32 $_size__tile_overlayer_lowered;
	s5 =	simm.s32 $_tile_overlayer_lowered  }
0x9b: {  	s22 =	simm.s32 $0x1BFF;
	s21 =	sshll.u32 s5, $0x1;
	s2 =	sadd.s32 s19, s18  }
0x9c: {  	s6 =	simm.s32 $0x0;
	s20 =	sshll.u32 s4, $0x1;
	s4 =	sadd.s32 s21, s2  }
0x9d: {  	[timem:s6], [sflag:s22] =	dma.local [hbm:s4], s20  }
0x9e: {  	_ =	swait.ge [sflag:s22], s20  }
0x9f: {  	s3 =	ssub.s32 $0x0, s20;
	[sflag:s22] =	ssyncset.done $0x0  }
0xa0: {  	[sflag:s22] =	ssyncadd.s32 s3;
	_ =	sdelay $0x1  }
0xa1: {  	s23 =	simm.s32 $0x1B8B  }
0xa2: {  	_ =	swait.ge [sflag:s23], $0x1  }
0xa3: {  	[sflag:s23] =	ssyncset.done $0x0  }
0xa4: {  	s25 =	simm.s32 $0x1B8E;
	s24 =	sld [smem:$0x3FFE];
	[sflag:s23] =	ssyncadd.s32 $0xFFFFFFFF  }
0xa5: {  	s26 =	simm.s32 $execute0_lowered;
	[smem:$0x3FD2] =	sst s25  }
0xa6: {  	s4 =	sshll.u32 s26, $0x1;
	_ =	strace $0x8000004F;
	[dreg:$0x1] =	wrdreg $0xFFFFFFFF  }
0xa7: {  	s28 =	simm.s32 $_size_execute0_lowered;
	s2 =	sadd.s32 s2, s4;
	[dreg:$0x0] =	wrdreg $0x0  }
0xa8: {  	s4 =	sshll.u32 s28, $0x1;
	[dreg:$0x2] =	wrdreg s2  }
0xa9: {  	[dreg:$0x3] =	wrdreg s4  }
0xaa: {  	[dreg:$0x4] =	wrdreg $0xC0  }
0xab: {  	_ =	task [dreg:s6], $0x5FFFF  }
0xac: {  	[dreg:$0x1] =	wrdreg $0xFFFFFFFF  }
0xad: {  	[dreg:$0x0] =	wrdreg $0x60  }
0xae: {  	[dreg:$0x2] =	wrdreg s24  }
0xaf: {  	[dreg:$0x3] =	wrdreg $0xB7800  }
0xb0: {  	[dreg:$0x4] =	wrdreg $0x9  }
0xb1: {  	_ =	task.clear_ibuf [dreg:s6], $0x5FFFF;
	_ =	strace $0x9000004F  }
0xb2: {  	s29 =	simm.s32 $0x9;
	_ =	strace $0x80000051  }
0xb3: {  	_ =	swait.ge [sflag:s29], $0x1  }
0xb4: {  	[sflag:s29] =	ssyncadd.s32 $0xFFFFFFFF  }
0xb5: {  	_ =	strace $0x90000051  }
0xb6: {  	_ =	sfence  }
0xb7: {  	s30 =	sld [smem:$0x0];
	_ =	sdelay $0x2  }
0xb8: {  	s31 =	sshll.u32 s1, $0xD;
	s1 =	sshrl.u32 s1, $0x2  }
0xb9: {  	s3 =	sand.u32 $0x4000, s31;
	s1 =	sadd.s32 s1, s30  }
0xba: {  	s0 =	sor.u32 s3, s0;
	s1 =	sshll.u32 s1, $0x11  }
0xbb: {  	s0 =	sor.u32 s1, s0  }
0xbc: {  	s0 =	sadd.s32 $0x8F2B, s0  }
0xbd: {  	[sflag:s0] =	ssyncadd.remote.s32 $0x1  }
0xbe: {  	_ =	sfence.sel $0xFFFF  }
0xbf: {  	[dreg:$0x0] =	wrdreg $0xFFFFFFFF;
	(pc) =	sbr.abs _section_cstart, $3  }
0xc0: {  	[dreg:$0x1] =	wrdreg $0xFFFFFFFF  }
0xc1: {  	_ =	task.clear_ibuf [dreg:s6], $0x2FFFF;
	_ =	strace $0x9FFFFFFF  }
0xc2: {  	(tm) =	ssettm $0x7FFFFFFF  }
0xc3: {  	_ =	shalt  }
tec
execute0_lowered:
.L_overlay_start_1:
0x0: {  	(tag) =	ssettag $0x1  }
0x1: {  	s0 =	srdreg.scid  }
0x2: {  	s6 =	rddreg [dreg:$0x0];
	s26 =	stileid.u32  }
0x3: {  	s2 =	rddreg [dreg:$0x1];
	s3 =	simm.s32 $0x0;
	s16 =	simm.s32 $0x2780  }
0x4: {  	s17 =	simm.s32 $0x50;
	s18 =	simm.s32 $0x6780;
	s19 =	simm.s32 $0x8F80  }
0x5: {  	s20 =	simm.s32 $0x3;
	s21 =	simm.s32 $0x1;
	s22 =	simm.s32 $0x2  }
0x6: {  	s23 =	simm.s32 $0x6480;
	s24 =	simm.s32 $0x26C0;
	s25 =	simm.s32 $0x6500  }
0x7: {  	s28 =	simm.s32 $0x0;
	s5 =	sand.u32 $0x1, s0;
	s9 =	smul.u32 $0x2800, s26  }
0x8: {  	s8 =	sshll.u32 s26, $0x7;
	[smem:$0x7FF] =	sst s3;
	s29 =	smul.u32 $0x50000, s26  }
0x9: {  	s1 =	sshll.u32 s5, $0x4;
	s8 =	sand.u32 $0x380, s8;
	_ =	strace $0x80000050  }
0xa: {  	s10 =	smul.u32 $0x28000, s5;
	s5 =	ssub.s32 $0x2, s5;
	s7 =	sor.u32 s26, s1  }
0xb: {  	s12 =	sadd.s32 s9, s6;
	s30 =	sshrl.u32 s5, $0x1;
	s31 =	sshrl.u32 s29, $0x2  }
0xc: {  	s4 =	sshrl.u32 s7, $0x3;
	s7 =	sshll.u32 s7, $0xB;
	s9 =	sadd.s32 s9, s10  }
0xd: {  	s14 =	ssub.s32 s5, s30;
	s15 =	sadd.s32 s31, s2;
	s5 =	sadd.s32 $0x97200, s12  }
0xe: {  	s4 =	smul.u32 $0x13C00, s4;
	s11 =	sadd.s32 s7, s6;
	s13 =	sadd.s32 s9, s6  }
0xf: {  	s12 =	sshrl.u32 s15, $0x3;
	s15 =	simm.s32 $0x4;
	s9 =	sadd.s32 $0x5400, s11  }
0x10: {  	s10 =	sadd.s32 $0xBF200, s13;
	s11 =	smax.u32 s14, $0x1;
	s8 =	sor.u32 s8, s4  }
0x11: {  	s13 =	simm.s32 $0x80;
	s14 =	simm.s32 $0x400;
	s8 =	sshrl.u32 s8, $0x3  }
0x12: {  	s4 =	sadd.s32 $0x15400, s6;
	s8 =	sadd.s32 s8, s6;
	s6 =	sshll.u32 s26, $0x6  }
0x13: {  	s26 =	simm.s32 $0x6580;
	s7 =	sor.u32 $0x1C03, s6;
	s8 =	sadd.s32 $0x3D400, s8  }
.LBB2_1:
0x14: {  	[spmem:s12], [sflag:s7] =	dma.local [hbm:s5], $0x2800  }
0x15: {  	[tilespmem:s3], [sflag:$0x4] =	stream.strided.gather [hbm4b:s8+s13], $0x2780, s14, s13, $0x38;
	[tilespmem:$0x1F780] =	vst v63  }
0x16: {  	_ =	swait.ge [sflag:s15], $0x2780  }
0x17: {  	[sflag:s15] =	ssyncset.done $0x0  }
0x18: {  	[sflag:s15] =	ssyncadd.s32 $0xFFFFD880  }
0x19: {  	[tilespmem:s16], [sflag:$0x4] =	stream.linear.gather [hbm4b:s9+s3], $0x3E80, $0x38;
	[tilespmem:$0x1F780] =	vst v63  }
0x1a: {  	_ =	swait.ge [sflag:s15], $0x3E80  }
0x1b: {  	[sflag:s15] =	ssyncset.done $0x0  }
0x1c: {  	[sflag:s15] =	ssyncadd.s32 $0xFFFFC180  }
0x1d: {  	[tilespmem:s18], [sflag:$0x1] =	stream.indirect.gather [hbm4b:s4+s17], $0x80, s3, s17, $0xb8;
	[tilespmem:$0x1F780] =	vst v63  }
0x1e: {  	_ = 	snop  }
0x1f: {  	[tilespmem:s19], [sflag:$0x2] =	stream.indirect.gather [hbm4b:s4+s17], $0x80, s17, s17, $0xb8;
	[tilespmem:$0x1F780] =	vst v63  }
0x20: {  	_ =	swait.ge [sflag:s20], $0x2800  }
0x21: {  	[sflag:s20] =	ssyncset.done $0x0  }
0x22: {  	[sflag:s20] =	ssyncadd.s32 $0xFFFFD800  }
0x23: {  	[bflag:$0x0] =	sbarrier.arrive $0xFFFF  }
0x24: {  	_ =	swait.ge [sflag:s21], $0x2800  }
0x25: {  	[sflag:s21] =	ssyncset.done $0x0  }
0x26: {  	s29 =	simm.s32 $0x2780;
	[sflag:s21] =	ssyncadd.s32 $0xFFFFD800  }
0x27: {  	[spmem:s2] =	stream.indirect.scatter.add.f32 [tilespmem:s18], [sflag:$0x4], $0x80, s29, s17, $0xb8;
	[tilespmem:$0x1F780] =	vst v63  }
0x28: {  	_ =	swait.ge [sflag:s15], $0x2800  }
0x29: {  	[sflag:s15] =	ssyncset.done $0x0  }
0x2a: {  	s29 =	simm.s32 $0xA0;
	[sflag:s15] =	ssyncadd.s32 $0xFFFFD800  }
0x2b: {  	[tilespmem:s18], [sflag:$0x1] =	stream.indirect.gather [hbm4b:s4+s17], $0x80, s29, s17, $0xb8;
	[tilespmem:$0x1F780] =	vst v63  }
0x2c: {  	_ =	swait.ge [sflag:s22], $0x2800  }
0x2d: {  	[sflag:s22] =	ssyncset.done $0x0  }
0x2e: {  	s29 =	simm.s32 $0x2800;
	[sflag:s22] =	ssyncadd.s32 $0xFFFFD800  }
0x2f: {  	[spmem:s2] =	stream.indirect.scatter.add.f32 [tilespmem:s19], [sflag:$0x4], $0x80, s29, s17, $0xb8;
	[tilespmem:$0x1F780] =	vst v63  }
0x30: {  	_ =	swait.ge [sflag:s15], $0x2800  }
0x31: {  	s30 =	simm.s32 $0x400;
	[sflag:s15] =	ssyncset.done $0x0  }
0x32: {  	s31 =	simm.s32 $0x190;
	s29 =	simm.s32 $0xF0;
	[sflag:s15] =	ssyncadd.s32 $0xFFFFD800  }
.LBB2_2:
0x33: {  	[tilespmem:s19], [sflag:$0x2] =	stream.indirect.gather [hbm4b:s4+s17], $0x80, s29, s17, $0xb8;
	[tilespmem:$0x1F780] =	vst v63  }
0x34: {  	s1 =	smov.u32 s30;
	s29 =	smov.u32 s31  }
0x35: {  	p0 =	sne.s32 s30, $0xF000;
	s30 =	sadd.s32 $0x400, s30;
	_ =	swait.ge [sflag:s21], $0x2800  }
0x36: {  	s1 =	sshra.s32 s1, $0x2;
	[sflag:s21] =	ssyncset.done $0x0  }
0x37: {  	s0 =	sadd.s32 $0x2780, s1;
	[sflag:s21] =	ssyncadd.s32 $0xFFFFD800  }
0x38: {  	[spmem:s2] =	stream.indirect.scatter.add.f32 [tilespmem:s18], [sflag:$0x4], $0x80, s0, s17, $0xb8;
	[tilespmem:$0x1F780] =	vst v63  }
0x39: {  	_ =	swait.ge [sflag:s15], $0x2800  }
0x3a: {  	[sflag:s15] =	ssyncset.done $0x0  }
0x3b: {  	s0 =	sadd.s32 $0xFFFFFFB0, s31;
	[sflag:s15] =	ssyncadd.s32 $0xFFFFD800  }
0x3c: {  	[tilespmem:s18], [sflag:$0x1] =	stream.indirect.gather [hbm4b:s4+s17], $0x80, s0, s17, $0xb8;
	[tilespmem:$0x1F780] =	vst v63  }
0x3d: {  	_ =	swait.ge [sflag:s22], $0x2800  }
0x3e: {  	[sflag:s22] =	ssyncset.done $0x0  }
.Ltmp0:
0x3f: {  	s0 =	sadd.s32 $0x2800, s1;
	[sflag:s22] =	ssyncadd.s32 $0xFFFFD800;
	(pc) =	sbr.rel @p0 .LBB2_2-.Ltmp0, $4  }
0x40: {  	[spmem:s2] =	stream.indirect.scatter.add.f32 [tilespmem:s19], [sflag:$0x4], $0x80, s0, s17, $0xb8;
	[tilespmem:$0x1F780] =	vst v63  }
0x41: {  	_ =	swait.ge [sflag:s15], $0x2800  }
0x42: {  	[sflag:s15] =	ssyncset.done $0x0  }
0x43: {  	s31 =	sadd.s32 $0xA0, s31;
	[sflag:s15] =	ssyncadd.s32 $0xFFFFD800  }
0x44: {  	[tilespmem:s19], [sflag:$0x2] =	stream.indirect.gather [hbm4b:s4+s17], $0x80, s29, s17, $0xb8;
	[tilespmem:$0x1F780] =	vst v63  }
0x45: {  	_ =	swait.ge [sflag:s21], $0x2800  }
0x46: {  	[sflag:s21] =	ssyncset.done $0x0  }
0x47: {  	[sflag:s21] =	ssyncadd.s32 $0xFFFFD800  }
0x48: {  	[spmem:s2] =	stream.indirect.scatter.add.f32 [tilespmem:s18], [sflag:$0x4], $0x80, s23, s17, $0xb8;
	[tilespmem:$0x1F780] =	vst v63  }
0x49: {  	_ =	swait.ge [sflag:s15], $0x2800  }
0x4a: {  	[sflag:s15] =	ssyncset.done $0x0  }
0x4b: {  	[sflag:s15] =	ssyncadd.s32 $0xFFFFD800  }
0x4c: {  	[tilespmem:s18], [sflag:$0x1] =	stream.indirect.gather [hbm4b:s4+s17], $0x80, s24, s17, $0xb8;
	[tilespmem:$0x1F780] =	vst v63  }
0x4d: {  	_ =	swait.ge [sflag:s22], $0x2800  }
0x4e: {  	[sflag:s22] =	ssyncset.done $0x0  }
0x4f: {  	[sflag:s22] =	ssyncadd.s32 $0xFFFFD800  }
0x50: {  	[spmem:s2] =	stream.indirect.scatter.add.f32 [tilespmem:s19], [sflag:$0x4], $0x80, s25, s17, $0xb8;
	[tilespmem:$0x1F780] =	vst v63  }
0x51: {  	_ =	swait.ge [sflag:s15], $0x2800  }
0x52: {  	[sflag:s15] =	ssyncset.done $0x0  }
0x53: {  	[sflag:s15] =	ssyncadd.s32 $0xFFFFD800  }
0x54: {  	_ =	swait.ge [sflag:s21], $0x2800  }
0x55: {  	[sflag:s21] =	ssyncset.done $0x0  }
0x56: {  	[sflag:s21] =	ssyncadd.s32 $0xFFFFD800  }
0x57: {  	[spmem:s2] =	stream.indirect.scatter.add.f32 [tilespmem:s18], [sflag:$0x4], $0x80, s26, s17, $0xb8;
	[tilespmem:$0x1F780] =	vst v63  }
0x58: {  	_ =	swait.ge [sflag:s15], $0x2800  }
0x59: {  	s28 =	sadd.s32 $0x1, s28;
	[sflag:s15] =	ssyncset.done $0x0  }
0x5a: {  	p0 =	sne.s32 s28, s11;
	[sflag:s15] =	ssyncadd.s32 $0xFFFFD800  }
.Ltmp1:
0x5b: {  	s0 =	sor.u32 $0x1C04, s6;
	[bflag:$0x0] =	sbarrier.arrive $0xFFFF;
	(pc) =	sbr.rel @p0 .LBB2_1-.Ltmp1, $4  }
0x5c: {  	[hbm:s10], [sflag:s0] =	dma.local [spmem:s12], $0x2800  }
0x5d: {  	_ =	swait.ge [sflag:s15], $0x2800  }
0x5e: {  	[sflag:s15] =	ssyncset.done $0x0  }
0x5f: {  	[sflag:s15] =	ssyncadd.s32 $0xFFFFD800  }
0x60: {  	_ =	sfence.sel $0x180000  }
0x61: {  	[bflag:$0x0] =	sbarrier.arrive $0xFFFF  }
0x62: {  	_ =	strace $0x90000050  }
0x63: {  	s0 =	stileid.u32;
	[bflag:$0x2] =	sbarrier.arrive $0xFFFF  }
0x64: {  	p0 =	sne.s32 s0, $0x0;
	s0 =	rddreg [dreg:$0x2]  }
0x65: {  	s0 =	sadd.s32 @!p0 $0x100000, s0  }
0x66: {  	[sflag:s0] =	ssyncadd.tile.s32 @!p0 $0x1;
	_ =	shalt  }
.Lfunc_end2:
_tile_overlayer_lowered:
.L_overlay_start_2:
0x67: {  	(tag) =	ssettag $0x2  }
0x68: {  	s0 =	rddreg [dreg:$0x0];
	s2 =	stileid.u32  }
0x69: {  	s1 =	rddreg [dreg:$0x1];
	p0 =	sne.s32 s2, $0x0  }
0x6a: {  	s3 =	rddreg [dreg:$0x2];
	[bflag:$0x3] =	sbarrier.arrive $0xFFFF;
	s2 =	simm.s32 @!p0 $0x1C04  }
0x6b: {  	[timem:s3], [sflag:s2] =	dma.local @!p0 [hbm:s0], s1  }
0x6c: {  	s0 =	simm.s32 @!p0 $0x4  }
0x6d: {  	_ =	swait.ge @!p0 [sflag:s0], s1  }
0x6e: {  	s1 =	ssub.s32 @!p0 $0x0, s1;
	[sflag:s0] =	ssyncset.done @!p0 $0x0  }
0x6f: {  	[sflag:s0] =	ssyncadd.s32 @!p0 s1  }
0x70: {  	[bflag:$0x3] =	sbarrier.arrive $0xFFFF  }
0x71: {  	_ =	shalt  }

</sc_bundles>
